<compile_context>
chip_gen: v7x
topology: tpu7x:2x2x1
jax: 0.10.2.dev20260603
libtpu: 0.0.44.dev20260713+nightly
codegen_flags: <defaults>
</compile_context>

<pallas_src>
import functools

import jax
import jax.numpy as jnp
from jax import lax
from jax.experimental import pallas as pl
from jax.experimental.pallas import tpu as pltpu
from jax.experimental.pallas import tpu_sc as plsc

_SPARSITY = 0.5
_TEMP = 1e-05

_N = 4096 * 4096
_LIM = int(min(max(int((1.0 - _SPARSITY) * _N), 0), _N - 2))
_R_HI = _N - 1 - _LIM
_R_LO = _N - 2 - _LIM

_NTILES = 32
_PER_TILE = _N // _NTILES
_ROWS = 4096
_TROWS = _ROWS // _NTILES
_CHUNK = 8192
_CROWS = 2
_NCHUNK = _PER_TILE // _CHUNK
_NPAIR = _NCHUNK // 2
_UNROLL = 8
_B1 = 4096
_B2 = 2048
_BW = 4096
_WSHIFT = 10
_Q_LO = ((0x3F2CAC08 >> 19) - 3) << 19

_mesh = plsc.VectorSubcoreMesh(core_axis_name="c", subcore_axis_name="s")
_sc_params = pltpu.CompilerParams(needs_layout_passes=False)


def _wid():
    return lax.axis_index("s") * 2 + lax.axis_index("c")


def _zero(hist, nwords):
    zeros = jnp.zeros((16,), jnp.int32)

    @plsc.parallel_loop(0, nwords, 16, unroll=8)
    def _(i):
        hist[pl.ds(i, 16)] = zeros


def _reduce_replicas(hist, nb, src_base, src_stride, dst_base):

    @plsc.parallel_loop(0, nb, 16, unroll=4)
    def _(j):
        acc = hist[pl.ds(src_base + j, 16)]
        for k in range(1, 16):
            acc = acc + hist[pl.ds(src_base + k * src_stride + j, 16)]
        hist[pl.ds(dst_base + j, 16)] = acc


def _stream_chunks(w_hbm, row_base, bufa, bufb, sema, semb, process, carry0):

    def src(c):
        return w_hbm.at[pl.ds(row_base + c * _CROWS, _CROWS)]

    pltpu.async_copy(src(0), bufa, sema)

    def pair_body(p, carry):
        c = 2 * p
        pltpu.async_copy(src(c + 1), bufb, semb)
        pltpu.make_async_copy(src(0), bufa, sema).wait()
        carry = process(bufa, carry)
        nxt = jnp.minimum(c + 2, _NCHUNK - 2)
        pltpu.async_copy(src(nxt), bufa, sema)
        pltpu.make_async_copy(src(0), bufb, semb).wait()
        carry = process(bufb, carry)
        return carry

    carry = lax.fori_loop(0, _NPAIR, pair_body, carry0)
    pltpu.make_async_copy(src(0), bufa, sema).wait()
    return carry


@functools.partial(
    pl.kernel,
    out_type=[
        jax.ShapeDtypeStruct((_NTILES, _BW), jnp.int32),
        jax.ShapeDtypeStruct((_NTILES, 16), jnp.int32),
    ],
    mesh=_mesh,
    compiler_params=_sc_params,
    scratch_types=[
        pltpu.VMEM((_CROWS, _ROWS), jnp.int32),
        pltpu.VMEM((_CROWS, _ROWS), jnp.int32),
        pltpu.VMEM((16,), jnp.int32),
        pltpu.VMEM((16 * _BW,), jnp.int32),
        pltpu.SemaphoreType.DMA,
        pltpu.SemaphoreType.DMA,
    ],
)
def _winpass(w_hbm, qlo_hbm, hist_hbm, below_hbm, bufa, bufb, pvec, hist,
             sema, semb):
    wid = _wid()
    row_base = wid * _TROWS
    lane_off = lax.iota(jnp.int32, 16) * _BW
    ones = jnp.ones((16,), jnp.int32)

    pltpu.sync_copy(qlo_hbm, pvec)
    qlo = pvec[pl.ds(0, 16)]
    _zero(hist, 16 * _BW)

    def process(buf, acc):
        for r in range(_CROWS):
            def vbody(i, a, r=r):
                q = buf[r, pl.ds(i, 16)] & jnp.int32(0x7FFFFFFF)
                d = q - qlo
                a = a - (d >> 31)
                in_win = (d >> (_WSHIFT + 12)) == 0
                idx = lane_off + (d >> _WSHIFT)
                plsc.addupdate_scatter(hist, [idx], ones, mask=in_win)
                return a

            acc = plsc.parallel_loop(0, _ROWS, 16, unroll=_UNROLL, carry=acc)(vbody)
        return acc

    acc = _stream_chunks(
        w_hbm, row_base, bufa, bufb, sema, semb, process,
        jnp.zeros((16,), jnp.int32),
    )
    pvec[pl.ds(0, 16)] = acc
    pltpu.sync_copy(pvec, below_hbm.at[wid])
    _reduce_replicas(hist, _BW, 0, _BW, 0)
    pltpu.sync_copy(hist.at[pl.ds(0, _BW)], hist_hbm.at[wid])


@functools.partial(
    pl.kernel,
    out_type=jax.ShapeDtypeStruct((_NTILES, _B1), jnp.int32),
    mesh=_mesh,
    compiler_params=_sc_params,
    scratch_types=[
        pltpu.VMEM((_CROWS, _ROWS), jnp.int32),
        pltpu.VMEM((_CROWS, _ROWS), jnp.int32),
        pltpu.VMEM((16 * _B1,), jnp.int32),
        pltpu.SemaphoreType.DMA,
        pltpu.SemaphoreType.DMA,
    ],
)
def _hist1(w_hbm, out_hbm, bufa, bufb, hist, sema, semb):
    wid = _wid()
    row_base = wid * _TROWS
    lane_off = lax.iota(jnp.int32, 16) * _B1
    ones = jnp.ones((16,), jnp.int32)

    _zero(hist, 16 * _B1)

    def process(buf, carry):
        for r in range(_CROWS):
            @plsc.parallel_loop(0, _ROWS, 16, unroll=_UNROLL)
            def _(i, r=r):
                q = buf[r, pl.ds(i, 16)] & jnp.int32(0x7FFFFFFF)
                plsc.addupdate_scatter(hist, [lane_off + (q >> 19)], ones)

        return carry

    _stream_chunks(w_hbm, row_base, bufa, bufb, sema, semb, process, 0)
    _reduce_replicas(hist, _B1, 0, _B1, 0)
    pltpu.sync_copy(hist.at[pl.ds(0, _B1)], out_hbm.at[wid])


@functools.partial(
    pl.kernel,
    out_type=jax.ShapeDtypeStruct((_NTILES, 2 * _B2), jnp.int32),
    mesh=_mesh,
    compiler_params=_sc_params,
    scratch_types=[
        pltpu.VMEM((_CROWS, _ROWS), jnp.int32),
        pltpu.VMEM((_CROWS, _ROWS), jnp.int32),
        pltpu.VMEM((32,), jnp.int32),
        pltpu.VMEM((32 * _B2,), jnp.int32),
        pltpu.SemaphoreType.DMA,
        pltpu.SemaphoreType.DMA,
    ],
)
def _hist2(w_hbm, targets_hbm, out_hbm, bufa, bufb, tvec, hist, sema, semb):
    wid = _wid()
    row_base = wid * _TROWS
    lane_off = lax.iota(jnp.int32, 16) * _B2
    ones = jnp.ones((16,), jnp.int32)

    pltpu.sync_copy(targets_hbm, tvec)
    pa = tvec[pl.ds(0, 16)]
    pb = tvec[pl.ds(16, 16)]
    b_off = jnp.where(pa != pb, jnp.int32(16 * _B2), jnp.int32(0))

    _zero(hist, 32 * _B2)

    def process(buf, carry):
        for r in range(_CROWS):
            @plsc.parallel_loop(0, _ROWS, 16, unroll=_UNROLL)
            def _(i, r=r):
                q = buf[r, pl.ds(i, 16)] & jnp.int32(0x7FFFFFFF)
                pfx = q >> 19
                is_b = pfx == pb
                idx = lane_off + ((q >> 8) & (_B2 - 1)) + jnp.where(is_b, b_off, 0)
                plsc.addupdate_scatter(hist, [idx], ones, mask=(pfx == pa) | is_b)

        return carry

    _stream_chunks(w_hbm, row_base, bufa, bufb, sema, semb, process, 0)
    for r in range(2):
        _reduce_replicas(hist, _B2, r * 16 * _B2, _B2, r * _B2)
    pltpu.sync_copy(hist.at[pl.ds(0, 2 * _B2)], out_hbm.at[wid])


def _mask_body(t2_ref, w_ref, o_ref):
    w = w_ref[...]
    d = (w * w - t2_ref[0, 0]) * jnp.float32(0.5 / _TEMP)
    o_ref[...] = w * (0.5 * (1.0 + jnp.tanh(d)))


_mask = pl.pallas_call(
    _mask_body,
    grid=(16,),
    in_specs=[
        pl.BlockSpec((1, 1), lambda i: (0, 0)),
        pl.BlockSpec((256, 4096), lambda i: (i, 0)),
    ],
    out_specs=pl.BlockSpec((256, 4096), lambda i: (i, 0)),
    out_shape=jax.ShapeDtypeStruct((4096, 4096), jnp.float32),
)


def _exact_t2(wflat):
    h1 = jnp.sum(_hist1(wflat), axis=0)
    c1 = jnp.cumsum(h1)
    excl1 = c1 - h1
    b_hi = _count_le(c1, _R_HI)
    b_lo = _count_le(c1, _R_LO)
    r_hi = jnp.int32(_R_HI) - excl1[b_hi]
    r_lo = jnp.int32(_R_LO) - excl1[b_lo]

    targets = jnp.concatenate(
        [jnp.full((16,), b_hi, jnp.int32), jnp.full((16,), b_lo, jnp.int32)]
    )
    h2 = jnp.sum(_hist2(wflat, targets), axis=0)
    ha = h2[:_B2]
    hb = jnp.where(b_hi == b_lo, ha, h2[_B2:])
    m_hi = _count_le(jnp.cumsum(ha), r_hi)
    m_lo = _count_le(jnp.cumsum(hb), r_lo)

    q_hi = (b_hi << 19) | (m_hi << 8) | 128
    q_lo = (b_lo << 19) | (m_lo << 8) | 128
    wh = lax.bitcast_convert_type(q_hi, jnp.float32)
    wt = lax.bitcast_convert_type(q_lo, jnp.float32)
    t = 0.5 * (wh + wt)
    return t * t


def _count_le(cum, r):
    return jnp.sum((cum <= r).astype(jnp.int32)).astype(jnp.int32)


def kernel(weight):
    wflat = lax.bitcast_convert_type(weight, jnp.int32)

    q_lo = jnp.int32(_Q_LO)
    hw_parts, below_parts = _winpass(wflat, jnp.full((16,), _Q_LO, jnp.int32))
    below = jnp.sum(below_parts)
    cumw = below + jnp.cumsum(jnp.sum(hw_parts, axis=0))
    m_hi = _count_le(cumw, _R_HI)
    m_lo = _count_le(cumw, _R_LO)
    ok = (jnp.int32(_R_LO) >= below) & (jnp.int32(_R_HI) < cumw[_BW - 1])

    def est_t2(_):
        q_hi_v = q_lo + (m_hi << _WSHIFT) + (1 << (_WSHIFT - 1))
        q_lo_v = q_lo + (m_lo << _WSHIFT) + (1 << (_WSHIFT - 1))
        wh = lax.bitcast_convert_type(q_hi_v, jnp.float32)
        wt = lax.bitcast_convert_type(q_lo_v, jnp.float32)
        t = 0.5 * (wh + wt)
        return t * t

    t2 = lax.cond(ok, est_t2, lambda _: _exact_t2(wflat), operand=None)
    return _mask(t2.reshape(1, 1), weight)

# --- scband reference (transcript-rebuilt; emitter-appended) ---
"""Pipeline reference for scband-pdp-36532991820366 (READ-ONLY COPY).

The authoritative reference and input builder live on the scoring server;
editing this copy changes nothing except your own understanding.
"""

import jax, jax.numpy as jnp
import numpy as np

SPARSITY = 0.5
TEMP = 1e-05


def setup_inputs(seed: int = 0) -> dict:
    key = jax.random.key(seed)
    weight = jax.random.normal(key, (4096, 4096), dtype=jnp.float32)
    return {"weight": weight}


def reference(weight):
    # PDP.get_mask (unstructured, is_pretraining=False) followed by mask * weight
    shape = weight.shape
    n = weight.size
    # softmax_shape = input_shape + [1]
    w_resh = weight.reshape(shape + (1,))
    abs_flat = jnp.abs(weight).reshape(-1)
    # ops.top_k(abs_flat, size) == full descending sort
    all_sorted = jnp.sort(abs_flat)[::-1]
    lim = int(min(max(int((1.0 - SPARSITY) * n), 0), n - 2))
    Wh = all_sorted[lim]
    Wt = all_sorted[lim + 1]
    t = jnp.ones(shape + (1,), dtype=weight.dtype) * 0.5 * (Wh + Wt)
    soft_input = jnp.concatenate((t ** 2, w_resh ** 2), axis=-1) / TEMP
    softmax_result = jax.nn.softmax(soft_input, axis=-1)
    mw = softmax_result[..., 1]
    mask = mw.reshape(shape)
    return mask * weight

if __name__ == "__main__":
    import jax
    _d = setup_inputs()
    print(jax.jit(kernel)(*tuple(_d.values())))

</pallas_src>

<mosaic_0001>
#map = affine_map<(d0, d1) -> (0, 0)>
module attributes {stable_mosaic.version = 14 : i64} {
  func.func @_hist1(%arg0: i32, %arg1: i32, %arg2: memref<4096x4096xi32, #tpu.memory_space<hbm>>, %arg3: memref<32x4096xi32, #tpu.memory_space<hbm>>, %arg4: memref<2x4096xi32, #tpu.memory_space<vmem>>, %arg5: memref<2x4096xi32, #tpu.memory_space<vmem>>, %arg6: memref<65536xi32, #tpu.memory_space<vmem>>, %arg7: memref<!tpu.dma_semaphore, #tpu.memory_space<semaphore_mem>>, %arg8: memref<!tpu.dma_semaphore, #tpu.memory_space<semaphore_mem>>) attributes {dimension_semantics = [#tpu.dimension_semantics<core_parallel>, #tpu.dimension_semantics<subcore_parallel>], iteration_bounds = array<i64: 2, 16>, scalar_prefetch = 0 : i64, scratch_operands = 5 : i64, tpu.core_type = #tpu.core_type<sc_vector_subcore>, window_params = [{transform_indices = #map}, {transform_indices = #map}]} {
    %mul3A = arith.constant 2 : i32
    %mul3A_0 = arith.muli %arg1, %mul3A : i32
    %add3A = arith.addi %mul3A_0, %arg0 : i32
    %mul3A_1 = arith.constant 128 : i32
    %mul3A_2 = arith.muli %add3A, %mul3A_1 : i32
    %iota3A = tpu.iota {dimensions = array<i32: 0>} : vector<16xi32>
    %mul3A_3 = arith.constant 4096 : i32
    %mul3A_4 = vector.broadcast %mul3A_3 : i32 to vector<16xi32>
    %mul3A_5 = arith.muli %iota3A, %mul3A_4 : vector<16xi32>
    %broadcast_in_dim3A = arith.constant 1 : i32
    %broadcast_in_dim3A_6 = vector.broadcast %broadcast_in_dim3A : i32 to vector<16xi32>
    %broadcast_in_dim3A_7 = arith.constant 0 : i32
    %broadcast_in_dim3A_8 = vector.broadcast %broadcast_in_dim3A_7 : i32 to vector<16xi32>
    %parallel_loop3A = arith.constant 0 : i32
    %parallel_loop3A_9 = arith.constant 65536 : i32
    %parallel_loop3A_10 = arith.constant 16 : i32
    scf.for %parallel_loop3A_29 = %parallel_loop3A to %parallel_loop3A_9 step %parallel_loop3A_10  : i32 {
      %parallel_loop3A_30 = arith.index_cast %parallel_loop3A_29 : i32 to index
      %parallel_loop3A_31 = tpu.vector_load %arg6[%parallel_loop3A_30] {strides = array<i32>} : memref<65536xi32, #tpu.memory_space<vmem>>, vector<16xi32>,
      tpu.vector_store %arg6[%parallel_loop3A_30], %broadcast_in_dim3A_8 {strides = array<i32>} : memref<65536xi32, #tpu.memory_space<vmem>>, vector<16xi32>,
    } {sc.loop_unroll_factor = 8 : i64, sc.parallel_access}
    %add3A_11 = arith.constant 0 : i32
    %add3A_12 = arith.addi %mul3A_2, %add3A_11 : i32
    %dma_start3A = arith.constant 0 : i32
    %dma_start3A_13 = tpu.memref_slice %arg2[%add3A_12, %dma_start3A] : memref<4096x4096xi32, #tpu.memory_space<hbm>> -> memref<2x4096xi32, #tpu.memory_space<hbm>>
    %dma_start3A_14 = arith.constant 0 : i32
    %dma_start3A_15 = tpu.memref_slice %arg2[%add3A_12, %dma_start3A_14] : memref<4096x4096xi32, #tpu.memory_space<hbm>> -> memref<2x4096xi32, #tpu.memory_space<hbm>>
    tpu.enqueue_dma source(%dma_start3A_15 : memref<2x4096xi32, #tpu.memory_space<hbm>>) target(%arg4 : memref<2x4096xi32, #tpu.memory_space<vmem>>) target_semaphore(%arg7 : memref<!tpu.dma_semaphore, #tpu.memory_space<semaphore_mem>>)
    %scan3A = arith.constant 0 : i32
    %scan3A_16 = arith.constant 0 : i32
    %scan3A_17 = arith.constant 32 : i32
    %scan3A_18 = arith.addi %scan3A_16, %scan3A_17 : i32
    %scan3A_19 = arith.constant 1 : i32
    scf.for %scan3A_29 = %scan3A_16 to %scan3A_18 step %scan3A_19  : i32 {
      %mul3A_30 = arith.constant 2 : i32
      %mul3A_31 = arith.muli %mul3A_30, %scan3A_29 : i32
      %add3A_32 = arith.constant 1 : i32
      %add3A_33 = arith.addi %mul3A_31, %add3A_32 : i32
      %mul3A_34 = arith.constant 2 : i32
      %mul3A_35 = arith.muli %add3A_33, %mul3A_34 : i32
      %add3A_36 = arith.addi %mul3A_2, %mul3A_35 : i32
      %dma_start3A_37 = arith.constant 0 : i32
      %dma_start3A_38 = tpu.memref_slice %arg2[%add3A_36, %dma_start3A_37] : memref<4096x4096xi32, #tpu.memory_space<hbm>> -> memref<2x4096xi32, #tpu.memory_space<hbm>>
      %dma_start3A_39 = arith.constant 0 : i32
      %dma_start3A_40 = tpu.memref_slice %arg2[%add3A_36, %dma_start3A_39] : memref<4096x4096xi32, #tpu.memory_space<hbm>> -> memref<2x4096xi32, #tpu.memory_space<hbm>>
      tpu.enqueue_dma source(%dma_start3A_40 : memref<2x4096xi32, #tpu.memory_space<hbm>>) target(%arg5 : memref<2x4096xi32, #tpu.memory_space<vmem>>) target_semaphore(%arg8 : memref<!tpu.dma_semaphore, #tpu.memory_space<semaphore_mem>>)
      %add3A_41 = arith.constant 0 : i32
      %add3A_42 = arith.addi %mul3A_2, %add3A_41 : i32
      %dma_wait3A_43 = arith.constant 0 : i32
      %dma_wait3A_44 = tpu.memref_slice %arg2[%add3A_42, %dma_wait3A_43] : memref<4096x4096xi32, #tpu.memory_space<hbm>> -> memref<2x4096xi32, #tpu.memory_space<hbm>>
      %dma_wait3A_45 = arith.constant 0 : i32
      %dma_wait3A_46 = tpu.memref_slice %arg2[%add3A_42, %dma_wait3A_45] : memref<4096x4096xi32, #tpu.memory_space<hbm>> -> memref<2x4096xi32, #tpu.memory_space<hbm>>
      tpu.wait_dma2 semaphore(%arg7 : memref<!tpu.dma_semaphore, #tpu.memory_space<semaphore_mem>>) src(%dma_wait3A_46 : memref<2x4096xi32, #tpu.memory_space<hbm>>) dst(%arg4 : memref<2x4096xi32, #tpu.memory_space<vmem>>)
      %parallel_loop3A_47 = arith.constant 0 : i32
      %parallel_loop3A_48 = arith.constant 4096 : i32
      %parallel_loop3A_49 = arith.constant 16 : i32
      scf.for %parallel_loop3A_75 = %parallel_loop3A_47 to %parallel_loop3A_48 step %parallel_loop3A_49  : i32 {
        %parallel_loop3A_76 = arith.constant 0 : i32
        %parallel_loop3A_77 = arith.index_cast %parallel_loop3A_76 : i32 to index
        %parallel_loop3A_78 = arith.index_cast %parallel_loop3A_75 : i32 to index
        %parallel_loop3A_79 = tpu.vector_load %arg4[%parallel_loop3A_77, %parallel_loop3A_78] {strides = array<i32>} : memref<2x4096xi32, #tpu.memory_space<vmem>>, vector<16xi32>,
        %parallel_loop3A_80 = arith.constant 2147483647 : i32
        %parallel_loop3A_81 = vector.broadcast %parallel_loop3A_80 : i32 to vector<16xi32>
        %parallel_loop3A_82 = arith.andi %parallel_loop3A_79, %parallel_loop3A_81 : vector<16xi32>
        %parallel_loop3A_83 = arith.constant 19 : i32
        %parallel_loop3A_84 = vector.broadcast %parallel_loop3A_83 : i32 to vector<16xi32>
        %parallel_loop3A_85 = arith.shrsi %parallel_loop3A_82, %parallel_loop3A_84 : vector<16xi32>
        %parallel_loop3A_86 = arith.addi %mul3A_5, %parallel_loop3A_85 : vector<16xi32>
        tpu.vector_store_idx %arg6[%parallel_loop3A_86], %broadcast_in_dim3A_6 {add = true} : memref<65536xi32, #tpu.memory_space<vmem>>[vector<16xi32>], vector<16xi32>,
      } {sc.loop_unroll_factor = 8 : i64, sc.parallel_access}
      %parallel_loop3A_50 = arith.constant 0 : i32
      %parallel_loop3A_51 = arith.constant 4096 : i32
      %parallel_loop3A_52 = arith.constant 16 : i32
      scf.for %parallel_loop3A_75 = %parallel_loop3A_50 to %parallel_loop3A_51 step %parallel_loop3A_52  : i32 {
        %parallel_loop3A_76 = arith.constant 1 : i32
        %parallel_loop3A_77 = arith.index_cast %parallel_loop3A_76 : i32 to index
        %parallel_loop3A_78 = arith.index_cast %parallel_loop3A_75 : i32 to index
        %parallel_loop3A_79 = tpu.vector_load %arg4[%parallel_loop3A_77, %parallel_loop3A_78] {strides = array<i32>} : memref<2x4096xi32, #tpu.memory_space<vmem>>, vector<16xi32>,
        %parallel_loop3A_80 = arith.constant 2147483647 : i32
        %parallel_loop3A_81 = vector.broadcast %parallel_loop3A_80 : i32 to vector<16xi32>
        %parallel_loop3A_82 = arith.andi %parallel_loop3A_79, %parallel_loop3A_81 : vector<16xi32>
        %parallel_loop3A_83 = arith.constant 19 : i32
        %parallel_loop3A_84 = vector.broadcast %parallel_loop3A_83 : i32 to vector<16xi32>
        %parallel_loop3A_85 = arith.shrsi %parallel_loop3A_82, %parallel_loop3A_84 : vector<16xi32>
        %parallel_loop3A_86 = arith.addi %mul3A_5, %parallel_loop3A_85 : vector<16xi32>
        tpu.vector_store_idx %arg6[%parallel_loop3A_86], %broadcast_in_dim3A_6 {add = true} : memref<65536xi32, #tpu.memory_space<vmem>>[vector<16xi32>], vector<16xi32>,
      } {sc.loop_unroll_factor = 8 : i64, sc.parallel_access}
      %add3A_53 = arith.constant 2 : i32
      %add3A_54 = arith.addi %mul3A_31, %add3A_53 : i32
      %min3A = arith.constant 62 : i32
      %min3A_55 = arith.minsi %add3A_54, %min3A : i32
      %mul3A_56 = arith.constant 2 : i32
      %mul3A_57 = arith.muli %min3A_55, %mul3A_56 : i32
      %add3A_58 = arith.addi %mul3A_2, %mul3A_57 : i32
      %dma_start3A_59 = arith.constant 0 : i32
      %dma_start3A_60 = tpu.memref_slice %arg2[%add3A_58, %dma_start3A_59] : memref<4096x4096xi32, #tpu.memory_space<hbm>> -> memref<2x4096xi32, #tpu.memory_space<hbm>>
      %dma_start3A_61 = arith.constant 0 : i32
      %dma_start3A_62 = tpu.memref_slice %arg2[%add3A_58, %dma_start3A_61] : memref<4096x4096xi32, #tpu.memory_space<hbm>> -> memref<2x4096xi32, #tpu.memory_space<hbm>>
      tpu.enqueue_dma source(%dma_start3A_62 : memref<2x4096xi32, #tpu.memory_space<hbm>>) target(%arg4 : memref<2x4096xi32, #tpu.memory_space<vmem>>) target_semaphore(%arg7 : memref<!tpu.dma_semaphore, #tpu.memory_space<semaphore_mem>>)
      %add3A_63 = arith.constant 0 : i32
      %add3A_64 = arith.addi %mul3A_2, %add3A_63 : i32
      %dma_wait3A_65 = arith.constant 0 : i32
      %dma_wait3A_66 = tpu.memref_slice %arg2[%add3A_64, %dma_wait3A_65] : memref<4096x4096xi32, #tpu.memory_space<hbm>> -> memref<2x4096xi32, #tpu.memory_space<hbm>>
      %dma_wait3A_67 = arith.constant 0 : i32
      %dma_wait3A_68 = tpu.memref_slice %arg2[%add3A_64, %dma_wait3A_67] : memref<4096x4096xi32, #tpu.memory_space<hbm>> -> memref<2x4096xi32, #tpu.memory_space<hbm>>
      tpu.wait_dma2 semaphore(%arg8 : memref<!tpu.dma_semaphore, #tpu.memory_space<semaphore_mem>>) src(%dma_wait3A_68 : memref<2x4096xi32, #tpu.memory_space<hbm>>) dst(%arg5 : memref<2x4096xi32, #tpu.memory_space<vmem>>)
      %parallel_loop3A_69 = arith.constant 0 : i32
      %parallel_loop3A_70 = arith.constant 4096 : i32
      %parallel_loop3A_71 = arith.constant 16 : i32
      scf.for %parallel_loop3A_75 = %parallel_loop3A_69 to %parallel_loop3A_70 step %parallel_loop3A_71  : i32 {
        %parallel_loop3A_76 = arith.constant 0 : i32
        %parallel_loop3A_77 = arith.index_cast %parallel_loop3A_76 : i32 to index
        %parallel_loop3A_78 = arith.index_cast %parallel_loop3A_75 : i32 to index
        %parallel_loop3A_79 = tpu.vector_load %arg5[%parallel_loop3A_77, %parallel_loop3A_78] {strides = array<i32>} : memref<2x4096xi32, #tpu.memory_space<vmem>>, vector<16xi32>,
        %parallel_loop3A_80 = arith.constant 2147483647 : i32
        %parallel_loop3A_81 = vector.broadcast %parallel_loop3A_80 : i32 to vector<16xi32>
        %parallel_loop3A_82 = arith.andi %parallel_loop3A_79, %parallel_loop3A_81 : vector<16xi32>
        %parallel_loop3A_83 = arith.constant 19 : i32
        %parallel_loop3A_84 = vector.broadcast %parallel_loop3A_83 : i32 to vector<16xi32>
        %parallel_loop3A_85 = arith.shrsi %parallel_loop3A_82, %parallel_loop3A_84 : vector<16xi32>
        %parallel_loop3A_86 = arith.addi %mul3A_5, %parallel_loop3A_85 : vector<16xi32>
        tpu.vector_store_idx %arg6[%parallel_loop3A_86], %broadcast_in_dim3A_6 {add = true} : memref<65536xi32, #tpu.memory_space<vmem>>[vector<16xi32>], vector<16xi32>,
      } {sc.loop_unroll_factor = 8 : i64, sc.parallel_access}
      %parallel_loop3A_72 = arith.constant 0 : i32
      %parallel_loop3A_73 = arith.constant 4096 : i32
      %parallel_loop3A_74 = arith.constant 16 : i32
      scf.for %parallel_loop3A_75 = %parallel_loop3A_72 to %parallel_loop3A_73 step %parallel_loop3A_74  : i32 {
        %parallel_loop3A_76 = arith.constant 1 : i32
        %parallel_loop3A_77 = arith.index_cast %parallel_loop3A_76 : i32 to index
        %parallel_loop3A_78 = arith.index_cast %parallel_loop3A_75 : i32 to index
        %parallel_loop3A_79 = tpu.vector_load %arg5[%parallel_loop3A_77, %parallel_loop3A_78] {strides = array<i32>} : memref<2x4096xi32, #tpu.memory_space<vmem>>, vector<16xi32>,
        %parallel_loop3A_80 = arith.constant 2147483647 : i32
        %parallel_loop3A_81 = vector.broadcast %parallel_loop3A_80 : i32 to vector<16xi32>
        %parallel_loop3A_82 = arith.andi %parallel_loop3A_79, %parallel_loop3A_81 : vector<16xi32>
        %parallel_loop3A_83 = arith.constant 19 : i32
        %parallel_loop3A_84 = vector.broadcast %parallel_loop3A_83 : i32 to vector<16xi32>
        %parallel_loop3A_85 = arith.shrsi %parallel_loop3A_82, %parallel_loop3A_84 : vector<16xi32>
        %parallel_loop3A_86 = arith.addi %mul3A_5, %parallel_loop3A_85 : vector<16xi32>
        tpu.vector_store_idx %arg6[%parallel_loop3A_86], %broadcast_in_dim3A_6 {add = true} : memref<65536xi32, #tpu.memory_space<vmem>>[vector<16xi32>], vector<16xi32>,
      } {sc.loop_unroll_factor = 8 : i64, sc.parallel_access}
    }
    %scan3A_20 = arith.constant 32 : i32
    %add3A_21 = arith.constant 0 : i32
    %add3A_22 = arith.addi %mul3A_2, %add3A_21 : i32
    %dma_wait3A = arith.constant 0 : i32
    %dma_wait3A_23 = tpu.memref_slice %arg2[%add3A_22, %dma_wait3A] : memref<4096x4096xi32, #tpu.memory_space<hbm>> -> memref<2x4096xi32, #tpu.memory_space<hbm>>
    %dma_wait3A_24 = arith.constant 0 : i32
    %dma_wait3A_25 = tpu.memref_slice %arg2[%add3A_22, %dma_wait3A_24] : memref<4096x4096xi32, #tpu.memory_space<hbm>> -> memref<2x4096xi32, #tpu.memory_space<hbm>>
    tpu.wait_dma2 semaphore(%arg7 : memref<!tpu.dma_semaphore, #tpu.memory_space<semaphore_mem>>) src(%dma_wait3A_25 : memref<2x4096xi32, #tpu.memory_space<hbm>>) dst(%arg4 : memref<2x4096xi32, #tpu.memory_space<vmem>>)
    %parallel_loop3A_26 = arith.constant 0 : i32
    %parallel_loop3A_27 = arith.constant 4096 : i32
    %parallel_loop3A_28 = arith.constant 16 : i32
    scf.for %parallel_loop3A_29 = %parallel_loop3A_26 to %parallel_loop3A_27 step %parallel_loop3A_28  : i32 {
      %parallel_loop3A_30 = arith.constant 0 : i32
      %parallel_loop3A_31 = arith.addi %parallel_loop3A_30, %parallel_loop3A_29 : i32
      %parallel_loop3A_32 = arith.index_cast %parallel_loop3A_31 : i32 to index
      %parallel_loop3A_33 = tpu.vector_load %arg6[%parallel_loop3A_32] {strides = array<i32>} : memref<65536xi32, #tpu.memory_space<vmem>>, vector<16xi32>,
      %parallel_loop3A_34 = arith.constant 4096 : i32
      %parallel_loop3A_35 = arith.addi %parallel_loop3A_34, %parallel_loop3A_29 : i32
      %parallel_loop3A_36 = arith.index_cast %parallel_loop3A_35 : i32 to index
      %parallel_loop3A_37 = tpu.vector_load %arg6[%parallel_loop3A_36] {strides = array<i32>} : memref<65536xi32, #tpu.memory_space<vmem>>, vector<16xi32>,
      %parallel_loop3A_38 = arith.addi %parallel_loop3A_33, %parallel_loop3A_37 : vector<16xi32>
      %parallel_loop3A_39 = arith.constant 8192 : i32
      %parallel_loop3A_40 = arith.addi %parallel_loop3A_39, %parallel_loop3A_29 : i32
      %parallel_loop3A_41 = arith.index_cast %parallel_loop3A_40 : i32 to index
      %parallel_loop3A_42 = tpu.vector_load %arg6[%parallel_loop3A_41] {strides = array<i32>} : memref<65536xi32, #tpu.memory_space<vmem>>, vector<16xi32>,
      %parallel_loop3A_43 = arith.addi %parallel_loop3A_38, %parallel_loop3A_42 : vector<16xi32>
      %parallel_loop3A_44 = arith.constant 12288 : i32
      %parallel_loop3A_45 = arith.addi %parallel_loop3A_44, %parallel_loop3A_29 : i32
      %parallel_loop3A_46 = arith.index_cast %parallel_loop3A_45 : i32 to index
      %parallel_loop3A_47 = tpu.vector_load %arg6[%parallel_loop3A_46] {strides = array<i32>} : memref<65536xi32, #tpu.memory_space<vmem>>, vector<16xi32>,
      %parallel_loop3A_48 = arith.addi %parallel_loop3A_43, %parallel_loop3A_47 : vector<16xi32>
      %parallel_loop3A_49 = arith.constant 16384 : i32
      %parallel_loop3A_50 = arith.addi %parallel_loop3A_49, %parallel_loop3A_29 : i32
      %parallel_loop3A_51 = arith.index_cast %parallel_loop3A_50 : i32 to index
      %parallel_loop3A_52 = tpu.vector_load %arg6[%parallel_loop3A_51] {strides = array<i32>} : memref<65536xi32, #tpu.memory_space<vmem>>, vector<16xi32>,
      %parallel_loop3A_53 = arith.addi %parallel_loop3A_48, %parallel_loop3A_52 : vector<16xi32>
      %parallel_loop3A_54 = arith.constant 20480 : i32
      %parallel_loop3A_55 = arith.addi %parallel_loop3A_54, %parallel_loop3A_29 : i32
      %parallel_loop3A_56 = arith.index_cast %parallel_loop3A_55 : i32 to index
      %parallel_loop3A_57 = tpu.vector_load %arg6[%parallel_loop3A_56] {strides = array<i32>} : memref<65536xi32, #tpu.memory_space<vmem>>, vector<16xi32>,
      %parallel_loop3A_58 = arith.addi %parallel_loop3A_53, %parallel_loop3A_57 : vector<16xi32>
      %parallel_loop3A_59 = arith.constant 24576 : i32
      %parallel_loop3A_60 = arith.addi %parallel_loop3A_59, %parallel_loop3A_29 : i32
      %parallel_loop3A_61 = arith.index_cast %parallel_loop3A_60 : i32 to index
      %parallel_loop3A_62 = tpu.vector_load %arg6[%parallel_loop3A_61] {strides = array<i32>} : memref<65536xi32, #tpu.memory_space<vmem>>, vector<16xi32>,
      %parallel_loop3A_63 = arith.addi %parallel_loop3A_58, %parallel_loop3A_62 : vector<16xi32>
      %parallel_loop3A_64 = arith.constant 28672 : i32
      %parallel_loop3A_65 = arith.addi %parallel_loop3A_64, %parallel_loop3A_29 : i32
      %parallel_loop3A_66 = arith.index_cast %parallel_loop3A_65 : i32 to index
      %parallel_loop3A_67 = tpu.vector_load %arg6[%parallel_loop3A_66] {strides = array<i32>} : memref<65536xi32, #tpu.memory_space<vmem>>, vector<16xi32>,
      %parallel_loop3A_68 = arith.addi %parallel_loop3A_63, %parallel_loop3A_67 : vector<16xi32>
      %parallel_loop3A_69 = arith.constant 32768 : i32
      %parallel_loop3A_70 = arith.addi %parallel_loop3A_69, %parallel_loop3A_29 : i32
      %parallel_loop3A_71 = arith.index_cast %parallel_loop3A_70 : i32 to index
      %parallel_loop3A_72 = tpu.vector_load %arg6[%parallel_loop3A_71] {strides = array<i32>} : memref<65536xi32, #tpu.memory_space<vmem>>, vector<16xi32>,
      %parallel_loop3A_73 = arith.addi %parallel_loop3A_68, %parallel_loop3A_72 : vector<16xi32>
      %parallel_loop3A_74 = arith.constant 36864 : i32
      %parallel_loop3A_75 = arith.addi %parallel_loop3A_74, %parallel_loop3A_29 : i32
      %parallel_loop3A_76 = arith.index_cast %parallel_loop3A_75 : i32 to index
      %parallel_loop3A_77 = tpu.vector_load %arg6[%parallel_loop3A_76] {strides = array<i32>} : memref<65536xi32, #tpu.memory_space<vmem>>, vector<16xi32>,
      %parallel_loop3A_78 = arith.addi %parallel_loop3A_73, %parallel_loop3A_77 : vector<16xi32>
      %parallel_loop3A_79 = arith.constant 40960 : i32
      %parallel_loop3A_80 = arith.addi %parallel_loop3A_79, %parallel_loop3A_29 : i32
      %parallel_loop3A_81 = arith.index_cast %parallel_loop3A_80 : i32 to index
      %parallel_loop3A_82 = tpu.vector_load %arg6[%parallel_loop3A_81] {strides = array<i32>} : memref<65536xi32, #tpu.memory_space<vmem>>, vector<16xi32>,
      %parallel_loop3A_83 = arith.addi %parallel_loop3A_78, %parallel_loop3A_82 : vector<16xi32>
      %parallel_loop3A_84 = arith.constant 45056 : i32
      %parallel_loop3A_85 = arith.addi %parallel_loop3A_84, %parallel_loop3A_29 : i32
      %parallel_loop3A_86 = arith.index_cast %parallel_loop3A_85 : i32 to index
      %parallel_loop3A_87 = tpu.vector_load %arg6[%parallel_loop3A_86] {strides = array<i32>} : memref<65536xi32, #tpu.memory_space<vmem>>, vector<16xi32>,
      %parallel_loop3A_88 = arith.addi %parallel_loop3A_83, %parallel_loop3A_87 : vector<16xi32>
      %parallel_loop3A_89 = arith.constant 49152 : i32
      %parallel_loop3A_90 = arith.addi %parallel_loop3A_89, %parallel_loop3A_29 : i32
      %parallel_loop3A_91 = arith.index_cast %parallel_loop3A_90 : i32 to index
      %parallel_loop3A_92 = tpu.vector_load %arg6[%parallel_loop3A_91] {strides = array<i32>} : memref<65536xi32, #tpu.memory_space<vmem>>, vector<16xi32>,
      %parallel_loop3A_93 = arith.addi %parallel_loop3A_88, %parallel_loop3A_92 : vector<16xi32>
      %parallel_loop3A_94 = arith.constant 53248 : i32
      %parallel_loop3A_95 = arith.addi %parallel_loop3A_94, %parallel_loop3A_29 : i32
      %parallel_loop3A_96 = arith.index_cast %parallel_loop3A_95 : i32 to index
      %parallel_loop3A_97 = tpu.vector_load %arg6[%parallel_loop3A_96] {strides = array<i32>} : memref<65536xi32, #tpu.memory_space<vmem>>, vector<16xi32>,
      %parallel_loop3A_98 = arith.addi %parallel_loop3A_93, %parallel_loop3A_97 : vector<16xi32>
      %parallel_loop3A_99 = arith.constant 57344 : i32
      %parallel_loop3A_100 = arith.addi %parallel_loop3A_99, %parallel_loop3A_29 : i32
      %parallel_loop3A_101 = arith.index_cast %parallel_loop3A_100 : i32 to index
      %parallel_loop3A_102 = tpu.vector_load %arg6[%parallel_loop3A_101] {strides = array<i32>} : memref<65536xi32, #tpu.memory_space<vmem>>, vector<16xi32>,
      %parallel_loop3A_103 = arith.addi %parallel_loop3A_98, %parallel_loop3A_102 : vector<16xi32>
      %parallel_loop3A_104 = arith.constant 61440 : i32
      %parallel_loop3A_105 = arith.addi %parallel_loop3A_104, %parallel_loop3A_29 : i32
      %parallel_loop3A_106 = arith.index_cast %parallel_loop3A_105 : i32 to index
      %parallel_loop3A_107 = tpu.vector_load %arg6[%parallel_loop3A_106] {strides = array<i32>} : memref<65536xi32, #tpu.memory_space<vmem>>, vector<16xi32>,
      %parallel_loop3A_108 = arith.addi %parallel_loop3A_103, %parallel_loop3A_107 : vector<16xi32>
      %parallel_loop3A_109 = arith.constant 0 : i32
      %parallel_loop3A_110 = arith.addi %parallel_loop3A_109, %parallel_loop3A_29 : i32
      %parallel_loop3A_111 = arith.index_cast %parallel_loop3A_110 : i32 to index
      %parallel_loop3A_112 = tpu.vector_load %arg6[%parallel_loop3A_111] {strides = array<i32>} : memref<65536xi32, #tpu.memory_space<vmem>>, vector<16xi32>,
      tpu.vector_store %arg6[%parallel_loop3A_111], %parallel_loop3A_108 {strides = array<i32>} : memref<65536xi32, #tpu.memory_space<vmem>>, vector<16xi32>,
    } {sc.loop_unroll_factor = 4 : i64, sc.parallel_access}
    "tpu.region"() ({
      %run_scoped3A = tpu.sem_alloc : memref<!tpu.dma_semaphore, #tpu.memory_space<semaphore_mem>>
      %dma_start3A_29 = arith.constant 0 : i32
      %dma_start3A_30 = tpu.memref_slice %arg6[%dma_start3A_29] : memref<65536xi32, #tpu.memory_space<vmem>> -> memref<4096xi32, #tpu.memory_space<vmem>>
      %dma_start3A_31 = arith.constant 0 : i32
      %dma_start3A_32 = tpu.memref_slice %arg3[%add3A, %dma_start3A_31] : memref<32x4096xi32, #tpu.memory_space<hbm>> -> memref<1x4096xi32, #tpu.memory_space<hbm>>
      %dma_start3A_33 = tpu.memref_squeeze %dma_start3A_32 : memref<1x4096xi32, #tpu.memory_space<hbm>> -> memref<4096xi32, #tpu.memory_space<hbm>>
      %dma_start3A_34 = arith.constant 0 : i32
      %dma_start3A_35 = tpu.memref_slice %arg3[%add3A, %dma_start3A_34] : memref<32x4096xi32, #tpu.memory_space<hbm>> -> memref<1x4096xi32, #tpu.memory_space<hbm>>
      %dma_start3A_36 = tpu.memref_squeeze %dma_start3A_35 : memref<1x4096xi32, #tpu.memory_space<hbm>> -> memref<4096xi32, #tpu.memory_space<hbm>>
      %dma_start3A_37 = arith.constant 0 : i32
      %dma_start3A_38 = tpu.memref_slice %arg6[%dma_start3A_37] : memref<65536xi32, #tpu.memory_space<vmem>> -> memref<4096xi32, #tpu.memory_space<vmem>>
      tpu.enqueue_dma source(%dma_start3A_38 : memref<4096xi32, #tpu.memory_space<vmem>>) target(%dma_start3A_36 : memref<4096xi32, #tpu.memory_space<hbm>>) target_semaphore(%run_scoped3A : memref<!tpu.dma_semaphore, #tpu.memory_space<semaphore_mem>>)
      %dma_wait3A_39 = arith.constant 0 : i32
      %dma_wait3A_40 = tpu.memref_slice %arg6[%dma_wait3A_39] : memref<65536xi32, #tpu.memory_space<vmem>> -> memref<4096xi32, #tpu.memory_space<vmem>>
      %dma_wait3A_41 = arith.constant 0 : i32
      %dma_wait3A_42 = tpu.memref_slice %arg3[%add3A, %dma_wait3A_41] : memref<32x4096xi32, #tpu.memory_space<hbm>> -> memref<1x4096xi32, #tpu.memory_space<hbm>>
      %dma_wait3A_43 = tpu.memref_squeeze %dma_wait3A_42 : memref<1x4096xi32, #tpu.memory_space<hbm>> -> memref<4096xi32, #tpu.memory_space<hbm>>
      %dma_wait3A_44 = arith.constant 0 : i32
      %dma_wait3A_45 = tpu.memref_slice %arg3[%add3A, %dma_wait3A_44] : memref<32x4096xi32, #tpu.memory_space<hbm>> -> memref<1x4096xi32, #tpu.memory_space<hbm>>
      %dma_wait3A_46 = tpu.memref_squeeze %dma_wait3A_45 : memref<1x4096xi32, #tpu.memory_space<hbm>> -> memref<4096xi32, #tpu.memory_space<hbm>>
      %dma_wait3A_47 = arith.constant 0 : i32
      %dma_wait3A_48 = tpu.memref_slice %arg6[%dma_wait3A_47] : memref<65536xi32, #tpu.memory_space<vmem>> -> memref<4096xi32, #tpu.memory_space<vmem>>
      tpu.wait_dma2 semaphore(%run_scoped3A : memref<!tpu.dma_semaphore, #tpu.memory_space<semaphore_mem>>) src(%dma_wait3A_48 : memref<4096xi32, #tpu.memory_space<vmem>>) dst(%dma_wait3A_46 : memref<4096xi32, #tpu.memory_space<hbm>>)
      tpu.yield
    }) : () -> ()
    return
  }
}

#map = affine_map<(d0, d1) -> (0, 0)>
#map1 = affine_map<(d0, d1) -> (0)>
module attributes {stable_mosaic.version = 14 : i64} {
  func.func @_winpass(%arg0: i32, %arg1: i32, %arg2: memref<4096x4096xi32, #tpu.memory_space<hbm>>, %arg3: memref<16xi32, #tpu.memory_space<hbm>>, %arg4: memref<32x4096xi32, #tpu.memory_space<hbm>>, %arg5: memref<32x16xi32, #tpu.memory_space<hbm>>, %arg6: memref<2x4096xi32, #tpu.memory_space<vmem>>, %arg7: memref<2x4096xi32, #tpu.memory_space<vmem>>, %arg8: memref<16xi32, #tpu.memory_space<vmem>>, %arg9: memref<65536xi32, #tpu.memory_space<vmem>>, %arg10: memref<!tpu.dma_semaphore, #tpu.memory_space<semaphore_mem>>, %arg11: memref<!tpu.dma_semaphore, #tpu.memory_space<semaphore_mem>>) attributes {dimension_semantics = [#tpu.dimension_semantics<core_parallel>, #tpu.dimension_semantics<subcore_parallel>], iteration_bounds = array<i64: 2, 16>, scalar_prefetch = 0 : i64, scratch_operands = 6 : i64, tpu.core_type = #tpu.core_type<sc_vector_subcore>, window_params = [{transform_indices = #map}, {transform_indices = #map1}, {transform_indices = #map}, {transform_indices = #map}]} {
    %mul3A = arith.constant 2 : i32
    %mul3A_0 = arith.muli %arg1, %mul3A : i32
    %add3A = arith.addi %mul3A_0, %arg0 : i32
    %mul3A_1 = arith.constant 128 : i32
    %mul3A_2 = arith.muli %add3A, %mul3A_1 : i32
    %iota3A = tpu.iota {dimensions = array<i32: 0>} : vector<16xi32>
    %mul3A_3 = arith.constant 4096 : i32
    %mul3A_4 = vector.broadcast %mul3A_3 : i32 to vector<16xi32>
    %mul3A_5 = arith.muli %iota3A, %mul3A_4 : vector<16xi32>
    %broadcast_in_dim3A = arith.constant 1 : i32
    %broadcast_in_dim3A_6 = vector.broadcast %broadcast_in_dim3A : i32 to vector<16xi32>
    "tpu.region"() ({
      %run_scoped3A = tpu.sem_alloc : memref<!tpu.dma_semaphore, #tpu.memory_space<semaphore_mem>>
      tpu.enqueue_dma source(%arg3 : memref<16xi32, #tpu.memory_space<hbm>>) target(%arg8 : memref<16xi32, #tpu.memory_space<vmem>>) target_semaphore(%run_scoped3A : memref<!tpu.dma_semaphore, #tpu.memory_space<semaphore_mem>>)
      tpu.wait_dma2 semaphore(%run_scoped3A : memref<!tpu.dma_semaphore, #tpu.memory_space<semaphore_mem>>) src(%arg3 : memref<16xi32, #tpu.memory_space<hbm>>) dst(%arg8 : memref<16xi32, #tpu.memory_space<vmem>>)
      tpu.yield
    }) : () -> ()
    %get3A = arith.constant 0 : index
    %get3A_7 = tpu.vector_load %arg8[%get3A] {strides = array<i32>} : memref<16xi32, #tpu.memory_space<vmem>>, vector<16xi32>,
    %broadcast_in_dim3A_8 = arith.constant 0 : i32
    %broadcast_in_dim3A_9 = vector.broadcast %broadcast_in_dim3A_8 : i32 to vector<16xi32>
    %parallel_loop3A = arith.constant 0 : i32
    %parallel_loop3A_10 = arith.constant 65536 : i32
    %parallel_loop3A_11 = arith.constant 16 : i32
    scf.for %parallel_loop3A_33 = %parallel_loop3A to %parallel_loop3A_10 step %parallel_loop3A_11  : i32 {
      %parallel_loop3A_34 = arith.index_cast %parallel_loop3A_33 : i32 to index
      %parallel_loop3A_35 = tpu.vector_load %arg9[%parallel_loop3A_34] {strides = array<i32>} : memref<65536xi32, #tpu.memory_space<vmem>>, vector<16xi32>,
      tpu.vector_store %arg9[%parallel_loop3A_34], %broadcast_in_dim3A_9 {strides = array<i32>} : memref<65536xi32, #tpu.memory_space<vmem>>, vector<16xi32>,
    } {sc.loop_unroll_factor = 8 : i64, sc.parallel_access}
    %broadcast_in_dim3A_12 = arith.constant 0 : i32
    %broadcast_in_dim3A_13 = vector.broadcast %broadcast_in_dim3A_12 : i32 to vector<16xi32>
    %add3A_14 = arith.constant 0 : i32
    %add3A_15 = arith.addi %mul3A_2, %add3A_14 : i32
    %dma_start3A = arith.constant 0 : i32
    %dma_start3A_16 = tpu.memref_slice %arg2[%add3A_15, %dma_start3A] : memref<4096x4096xi32, #tpu.memory_space<hbm>> -> memref<2x4096xi32, #tpu.memory_space<hbm>>
    %dma_start3A_17 = arith.constant 0 : i32
    %dma_start3A_18 = tpu.memref_slice %arg2[%add3A_15, %dma_start3A_17] : memref<4096x4096xi32, #tpu.memory_space<hbm>> -> memref<2x4096xi32, #tpu.memory_space<hbm>>
    tpu.enqueue_dma source(%dma_start3A_18 : memref<2x4096xi32, #tpu.memory_space<hbm>>) target(%arg6 : memref<2x4096xi32, #tpu.memory_space<vmem>>) target_semaphore(%arg10 : memref<!tpu.dma_semaphore, #tpu.memory_space<semaphore_mem>>)
    %scan3A = arith.constant 0 : i32
    %scan3A_19 = arith.constant 32 : i32
    %scan3A_20 = arith.addi %scan3A, %scan3A_19 : i32
    %scan3A_21 = arith.constant 1 : i32
    %scan3A_22 = scf.for %scan3A_33 = %scan3A to %scan3A_20 step %scan3A_21 iter_args(%scan3A_34 = %broadcast_in_dim3A_13) -> (vector<16xi32>)  : i32 {
      %mul3A_35 = arith.constant 2 : i32
      %mul3A_36 = arith.muli %mul3A_35, %scan3A_33 : i32
      %add3A_37 = arith.constant 1 : i32
      %add3A_38 = arith.addi %mul3A_36, %add3A_37 : i32
      %mul3A_39 = arith.constant 2 : i32
      %mul3A_40 = arith.muli %add3A_38, %mul3A_39 : i32
      %add3A_41 = arith.addi %mul3A_2, %mul3A_40 : i32
      %dma_start3A_42 = arith.constant 0 : i32
      %dma_start3A_43 = tpu.memref_slice %arg2[%add3A_41, %dma_start3A_42] : memref<4096x4096xi32, #tpu.memory_space<hbm>> -> memref<2x4096xi32, #tpu.memory_space<hbm>>
      %dma_start3A_44 = arith.constant 0 : i32
      %dma_start3A_45 = tpu.memref_slice %arg2[%add3A_41, %dma_start3A_44] : memref<4096x4096xi32, #tpu.memory_space<hbm>> -> memref<2x4096xi32, #tpu.memory_space<hbm>>
      tpu.enqueue_dma source(%dma_start3A_45 : memref<2x4096xi32, #tpu.memory_space<hbm>>) target(%arg7 : memref<2x4096xi32, #tpu.memory_space<vmem>>) target_semaphore(%arg11 : memref<!tpu.dma_semaphore, #tpu.memory_space<semaphore_mem>>)
      %add3A_46 = arith.constant 0 : i32
      %add3A_47 = arith.addi %mul3A_2, %add3A_46 : i32
      %dma_wait3A_48 = arith.constant 0 : i32
      %dma_wait3A_49 = tpu.memref_slice %arg2[%add3A_47, %dma_wait3A_48] : memref<4096x4096xi32, #tpu.memory_space<hbm>> -> memref<2x4096xi32, #tpu.memory_space<hbm>>
      %dma_wait3A_50 = arith.constant 0 : i32
      %dma_wait3A_51 = tpu.memref_slice %arg2[%add3A_47, %dma_wait3A_50] : memref<4096x4096xi32, #tpu.memory_space<hbm>> -> memref<2x4096xi32, #tpu.memory_space<hbm>>
      tpu.wait_dma2 semaphore(%arg10 : memref<!tpu.dma_semaphore, #tpu.memory_space<semaphore_mem>>) src(%dma_wait3A_51 : memref<2x4096xi32, #tpu.memory_space<hbm>>) dst(%arg6 : memref<2x4096xi32, #tpu.memory_space<vmem>>)
      %parallel_loop3A_52 = arith.constant 0 : i32
      %parallel_loop3A_53 = arith.constant 4096 : i32
      %parallel_loop3A_54 = arith.constant 16 : i32
      %parallel_loop3A_55 = scf.for %parallel_loop3A_84 = %parallel_loop3A_52 to %parallel_loop3A_53 step %parallel_loop3A_54 iter_args(%parallel_loop3A_85 = %scan3A_34) -> (vector<16xi32>)  : i32 {
        %parallel_loop3A_86 = arith.constant 0 : i32
        %parallel_loop3A_87 = arith.index_cast %parallel_loop3A_86 : i32 to index
        %parallel_loop3A_88 = arith.index_cast %parallel_loop3A_84 : i32 to index
        %parallel_loop3A_89 = tpu.vector_load %arg6[%parallel_loop3A_87, %parallel_loop3A_88] {strides = array<i32>} : memref<2x4096xi32, #tpu.memory_space<vmem>>, vector<16xi32>,
        %parallel_loop3A_90 = arith.constant 2147483647 : i32
        %parallel_loop3A_91 = vector.broadcast %parallel_loop3A_90 : i32 to vector<16xi32>
        %parallel_loop3A_92 = arith.andi %parallel_loop3A_89, %parallel_loop3A_91 : vector<16xi32>
        %parallel_loop3A_93 = arith.subi %parallel_loop3A_92, %get3A_7 : vector<16xi32>
        %parallel_loop3A_94 = arith.constant 31 : i32
        %parallel_loop3A_95 = vector.broadcast %parallel_loop3A_94 : i32 to vector<16xi32>
        %parallel_loop3A_96 = arith.shrsi %parallel_loop3A_93, %parallel_loop3A_95 : vector<16xi32>
        %parallel_loop3A_97 = arith.subi %parallel_loop3A_85, %parallel_loop3A_96 : vector<16xi32>
        %parallel_loop3A_98 = arith.constant 22 : i32
        %parallel_loop3A_99 = vector.broadcast %parallel_loop3A_98 : i32 to vector<16xi32>
        %parallel_loop3A_100 = arith.shrsi %parallel_loop3A_93, %parallel_loop3A_99 : vector<16xi32>
        %parallel_loop3A_101 = arith.constant 0 : i32
        %parallel_loop3A_102 = vector.broadcast %parallel_loop3A_101 : i32 to vector<16xi32>
        %parallel_loop3A_103 = arith.cmpi eq, %parallel_loop3A_100, %parallel_loop3A_102 : vector<16xi32>
        %parallel_loop3A_104 = arith.constant 10 : i32
        %parallel_loop3A_105 = vector.broadcast %parallel_loop3A_104 : i32 to vector<16xi32>
        %parallel_loop3A_106 = arith.shrsi %parallel_loop3A_93, %parallel_loop3A_105 : vector<16xi32>
        %parallel_loop3A_107 = arith.addi %mul3A_5, %parallel_loop3A_106 : vector<16xi32>
        tpu.vector_store_idx %arg9[%parallel_loop3A_107], %broadcast_in_dim3A_6 masked %parallel_loop3A_103 {add = true} : memref<65536xi32, #tpu.memory_space<vmem>>[vector<16xi32>], vector<16xi32>, vector<16xi1>
        scf.yield %parallel_loop3A_97 : vector<16xi32>
      } {sc.loop_unroll_factor = 8 : i64, sc.parallel_access}
      %parallel_loop3A_56 = arith.constant 0 : i32
      %parallel_loop3A_57 = arith.constant 4096 : i32
      %parallel_loop3A_58 = arith.constant 16 : i32
      %parallel_loop3A_59 = scf.for %parallel_loop3A_84 = %parallel_loop3A_56 to %parallel_loop3A_57 step %parallel_loop3A_58 iter_args(%parallel_loop3A_85 = %parallel_loop3A_55) -> (vector<16xi32>)  : i32 {
        %parallel_loop3A_86 = arith.constant 1 : i32
        %parallel_loop3A_87 = arith.index_cast %parallel_loop3A_86 : i32 to index
        %parallel_loop3A_88 = arith.index_cast %parallel_loop3A_84 : i32 to index
        %parallel_loop3A_89 = tpu.vector_load %arg6[%parallel_loop3A_87, %parallel_loop3A_88] {strides = array<i32>} : memref<2x4096xi32, #tpu.memory_space<vmem>>, vector<16xi32>,
        %parallel_loop3A_90 = arith.constant 2147483647 : i32
        %parallel_loop3A_91 = vector.broadcast %parallel_loop3A_90 : i32 to vector<16xi32>
        %parallel_loop3A_92 = arith.andi %parallel_loop3A_89, %parallel_loop3A_91 : vector<16xi32>
        %parallel_loop3A_93 = arith.subi %parallel_loop3A_92, %get3A_7 : vector<16xi32>
        %parallel_loop3A_94 = arith.constant 31 : i32
        %parallel_loop3A_95 = vector.broadcast %parallel_loop3A_94 : i32 to vector<16xi32>
        %parallel_loop3A_96 = arith.shrsi %parallel_loop3A_93, %parallel_loop3A_95 : vector<16xi32>
        %parallel_loop3A_97 = arith.subi %parallel_loop3A_85, %parallel_loop3A_96 : vector<16xi32>
        %parallel_loop3A_98 = arith.constant 22 : i32
        %parallel_loop3A_99 = vector.broadcast %parallel_loop3A_98 : i32 to vector<16xi32>
        %parallel_loop3A_100 = arith.shrsi %parallel_loop3A_93, %parallel_loop3A_99 : vector<16xi32>
        %parallel_loop3A_101 = arith.constant 0 : i32
        %parallel_loop3A_102 = vector.broadcast %parallel_loop3A_101 : i32 to vector<16xi32>
        %parallel_loop3A_103 = arith.cmpi eq, %parallel_loop3A_100, %parallel_loop3A_102 : vector<16xi32>
        %parallel_loop3A_104 = arith.constant 10 : i32
        %parallel_loop3A_105 = vector.broadcast %parallel_loop3A_104 : i32 to vector<16xi32>
        %parallel_loop3A_106 = arith.shrsi %parallel_loop3A_93, %parallel_loop3A_105 : vector<16xi32>
        %parallel_loop3A_107 = arith.addi %mul3A_5, %parallel_loop3A_106 : vector<16xi32>
        tpu.vector_store_idx %arg9[%parallel_loop3A_107], %broadcast_in_dim3A_6 masked %parallel_loop3A_103 {add = true} : memref<65536xi32, #tpu.memory_space<vmem>>[vector<16xi32>], vector<16xi32>, vector<16xi1>
        scf.yield %parallel_loop3A_97 : vector<16xi32>
      } {sc.loop_unroll_factor = 8 : i64, sc.parallel_access}
      %add3A_60 = arith.constant 2 : i32
      %add3A_61 = arith.addi %mul3A_36, %add3A_60 : i32
      %min3A = arith.constant 62 : i32
      %min3A_62 = arith.minsi %add3A_61, %min3A : i32
      %mul3A_63 = arith.constant 2 : i32
      %mul3A_64 = arith.muli %min3A_62, %mul3A_63 : i32
      %add3A_65 = arith.addi %mul3A_2, %mul3A_64 : i32
      %dma_start3A_66 = arith.constant 0 : i32
      %dma_start3A_67 = tpu.memref_slice %arg2[%add3A_65, %dma_start3A_66] : memref<4096x4096xi32, #tpu.memory_space<hbm>> -> memref<2x4096xi32, #tpu.memory_space<hbm>>
      %dma_start3A_68 = arith.constant 0 : i32
      %dma_start3A_69 = tpu.memref_slice %arg2[%add3A_65, %dma_start3A_68] : memref<4096x4096xi32, #tpu.memory_space<hbm>> -> memref<2x4096xi32, #tpu.memory_space<hbm>>
      tpu.enqueue_dma source(%dma_start3A_69 : memref<2x4096xi32, #tpu.memory_space<hbm>>) target(%arg6 : memref<2x4096xi32, #tpu.memory_space<vmem>>) target_semaphore(%arg10 : memref<!tpu.dma_semaphore, #tpu.memory_space<semaphore_mem>>)
      %add3A_70 = arith.constant 0 : i32
      %add3A_71 = arith.addi %mul3A_2, %add3A_70 : i32
      %dma_wait3A_72 = arith.constant 0 : i32
      %dma_wait3A_73 = tpu.memref_slice %arg2[%add3A_71, %dma_wait3A_72] : memref<4096x4096xi32, #tpu.memory_space<hbm>> -> memref<2x4096xi32, #tpu.memory_space<hbm>>
      %dma_wait3A_74 = arith.constant 0 : i32
      %dma_wait3A_75 = tpu.memref_slice %arg2[%add3A_71, %dma_wait3A_74] : memref<4096x4096xi32, #tpu.memory_space<hbm>> -> memref<2x4096xi32, #tpu.memory_space<hbm>>
      tpu.wait_dma2 semaphore(%arg11 : memref<!tpu.dma_semaphore, #tpu.memory_space<semaphore_mem>>) src(%dma_wait3A_75 : memref<2x4096xi32, #tpu.memory_space<hbm>>) dst(%arg7 : memref<2x4096xi32, #tpu.memory_space<vmem>>)
      %parallel_loop3A_76 = arith.constant 0 : i32
      %parallel_loop3A_77 = arith.constant 4096 : i32
      %parallel_loop3A_78 = arith.constant 16 : i32
      %parallel_loop3A_79 = scf.for %parallel_loop3A_84 = %parallel_loop3A_76 to %parallel_loop3A_77 step %parallel_loop3A_78 iter_args(%parallel_loop3A_85 = %parallel_loop3A_59) -> (vector<16xi32>)  : i32 {
        %parallel_loop3A_86 = arith.constant 0 : i32
        %parallel_loop3A_87 = arith.index_cast %parallel_loop3A_86 : i32 to index
        %parallel_loop3A_88 = arith.index_cast %parallel_loop3A_84 : i32 to index
        %parallel_loop3A_89 = tpu.vector_load %arg7[%parallel_loop3A_87, %parallel_loop3A_88] {strides = array<i32>} : memref<2x4096xi32, #tpu.memory_space<vmem>>, vector<16xi32>,
        %parallel_loop3A_90 = arith.constant 2147483647 : i32
        %parallel_loop3A_91 = vector.broadcast %parallel_loop3A_90 : i32 to vector<16xi32>
        %parallel_loop3A_92 = arith.andi %parallel_loop3A_89, %parallel_loop3A_91 : vector<16xi32>
        %parallel_loop3A_93 = arith.subi %parallel_loop3A_92, %get3A_7 : vector<16xi32>
        %parallel_loop3A_94 = arith.constant 31 : i32
        %parallel_loop3A_95 = vector.broadcast %parallel_loop3A_94 : i32 to vector<16xi32>
        %parallel_loop3A_96 = arith.shrsi %parallel_loop3A_93, %parallel_loop3A_95 : vector<16xi32>
        %parallel_loop3A_97 = arith.subi %parallel_loop3A_85, %parallel_loop3A_96 : vector<16xi32>
        %parallel_loop3A_98 = arith.constant 22 : i32
        %parallel_loop3A_99 = vector.broadcast %parallel_loop3A_98 : i32 to vector<16xi32>
        %parallel_loop3A_100 = arith.shrsi %parallel_loop3A_93, %parallel_loop3A_99 : vector<16xi32>
        %parallel_loop3A_101 = arith.constant 0 : i32
        %parallel_loop3A_102 = vector.broadcast %parallel_loop3A_101 : i32 to vector<16xi32>
        %parallel_loop3A_103 = arith.cmpi eq, %parallel_loop3A_100, %parallel_loop3A_102 : vector<16xi32>
        %parallel_loop3A_104 = arith.constant 10 : i32
        %parallel_loop3A_105 = vector.broadcast %parallel_loop3A_104 : i32 to vector<16xi32>
        %parallel_loop3A_106 = arith.shrsi %parallel_loop3A_93, %parallel_loop3A_105 : vector<16xi32>
        %parallel_loop3A_107 = arith.addi %mul3A_5, %parallel_loop3A_106 : vector<16xi32>
        tpu.vector_store_idx %arg9[%parallel_loop3A_107], %broadcast_in_dim3A_6 masked %parallel_loop3A_103 {add = true} : memref<65536xi32, #tpu.memory_space<vmem>>[vector<16xi32>], vector<16xi32>, vector<16xi1>
        scf.yield %parallel_loop3A_97 : vector<16xi32>
      } {sc.loop_unroll_factor = 8 : i64, sc.parallel_access}
      %parallel_loop3A_80 = arith.constant 0 : i32
      %parallel_loop3A_81 = arith.constant 4096 : i32
      %parallel_loop3A_82 = arith.constant 16 : i32
      %parallel_loop3A_83 = scf.for %parallel_loop3A_84 = %parallel_loop3A_80 to %parallel_loop3A_81 step %parallel_loop3A_82 iter_args(%parallel_loop3A_85 = %parallel_loop3A_79) -> (vector<16xi32>)  : i32 {
        %parallel_loop3A_86 = arith.constant 1 : i32
        %parallel_loop3A_87 = arith.index_cast %parallel_loop3A_86 : i32 to index
        %parallel_loop3A_88 = arith.index_cast %parallel_loop3A_84 : i32 to index
        %parallel_loop3A_89 = tpu.vector_load %arg7[%parallel_loop3A_87, %parallel_loop3A_88] {strides = array<i32>} : memref<2x4096xi32, #tpu.memory_space<vmem>>, vector<16xi32>,
        %parallel_loop3A_90 = arith.constant 2147483647 : i32
        %parallel_loop3A_91 = vector.broadcast %parallel_loop3A_90 : i32 to vector<16xi32>
        %parallel_loop3A_92 = arith.andi %parallel_loop3A_89, %parallel_loop3A_91 : vector<16xi32>
        %parallel_loop3A_93 = arith.subi %parallel_loop3A_92, %get3A_7 : vector<16xi32>
        %parallel_loop3A_94 = arith.constant 31 : i32
        %parallel_loop3A_95 = vector.broadcast %parallel_loop3A_94 : i32 to vector<16xi32>
        %parallel_loop3A_96 = arith.shrsi %parallel_loop3A_93, %parallel_loop3A_95 : vector<16xi32>
        %parallel_loop3A_97 = arith.subi %parallel_loop3A_85, %parallel_loop3A_96 : vector<16xi32>
        %parallel_loop3A_98 = arith.constant 22 : i32
        %parallel_loop3A_99 = vector.broadcast %parallel_loop3A_98 : i32 to vector<16xi32>
        %parallel_loop3A_100 = arith.shrsi %parallel_loop3A_93, %parallel_loop3A_99 : vector<16xi32>
        %parallel_loop3A_101 = arith.constant 0 : i32
        %parallel_loop3A_102 = vector.broadcast %parallel_loop3A_101 : i32 to vector<16xi32>
        %parallel_loop3A_103 = arith.cmpi eq, %parallel_loop3A_100, %parallel_loop3A_102 : vector<16xi32>
        %parallel_loop3A_104 = arith.constant 10 : i32
        %parallel_loop3A_105 = vector.broadcast %parallel_loop3A_104 : i32 to vector<16xi32>
        %parallel_loop3A_106 = arith.shrsi %parallel_loop3A_93, %parallel_loop3A_105 : vector<16xi32>
        %parallel_loop3A_107 = arith.addi %mul3A_5, %parallel_loop3A_106 : vector<16xi32>
        tpu.vector_store_idx %arg9[%parallel_loop3A_107], %broadcast_in_dim3A_6 masked %parallel_loop3A_103 {add = true} : memref<65536xi32, #tpu.memory_space<vmem>>[vector<16xi32>], vector<16xi32>, vector<16xi1>
        scf.yield %parallel_loop3A_97 : vector<16xi32>
      } {sc.loop_unroll_factor = 8 : i64, sc.parallel_access}
      scf.yield %parallel_loop3A_83 : vector<16xi32>
    }
    %scan3A_23 = arith.constant 32 : i32
    %add3A_24 = arith.constant 0 : i32
    %add3A_25 = arith.addi %mul3A_2, %add3A_24 : i32
    %dma_wait3A = arith.constant 0 : i32
    %dma_wait3A_26 = tpu.memref_slice %arg2[%add3A_25, %dma_wait3A] : memref<4096x4096xi32, #tpu.memory_space<hbm>> -> memref<2x4096xi32, #tpu.memory_space<hbm>>
    %dma_wait3A_27 = arith.constant 0 : i32
    %dma_wait3A_28 = tpu.memref_slice %arg2[%add3A_25, %dma_wait3A_27] : memref<4096x4096xi32, #tpu.memory_space<hbm>> -> memref<2x4096xi32, #tpu.memory_space<hbm>>
    tpu.wait_dma2 semaphore(%arg10 : memref<!tpu.dma_semaphore, #tpu.memory_space<semaphore_mem>>) src(%dma_wait3A_28 : memref<2x4096xi32, #tpu.memory_space<hbm>>) dst(%arg6 : memref<2x4096xi32, #tpu.memory_space<vmem>>)
    %swap3A = arith.constant 0 : index
    %swap3A_29 = tpu.vector_load %arg8[%swap3A] {strides = array<i32>} : memref<16xi32, #tpu.memory_space<vmem>>, vector<16xi32>,
    tpu.vector_store %arg8[%swap3A], %scan3A_22 {strides = array<i32>} : memref<16xi32, #tpu.memory_space<vmem>>, vector<16xi32>,
    "tpu.region"() ({
      %run_scoped3A = tpu.sem_alloc : memref<!tpu.dma_semaphore, #tpu.memory_space<semaphore_mem>>
      %dma_start3A_33 = arith.constant 0 : i32
      %dma_start3A_34 = tpu.memref_slice %arg5[%add3A, %dma_start3A_33] : memref<32x16xi32, #tpu.memory_space<hbm>> -> memref<1x16xi32, #tpu.memory_space<hbm>>
      %dma_start3A_35 = tpu.memref_squeeze %dma_start3A_34 : memref<1x16xi32, #tpu.memory_space<hbm>> -> memref<16xi32, #tpu.memory_space<hbm>>
      %dma_start3A_36 = arith.constant 0 : i32
      %dma_start3A_37 = tpu.memref_slice %arg5[%add3A, %dma_start3A_36] : memref<32x16xi32, #tpu.memory_space<hbm>> -> memref<1x16xi32, #tpu.memory_space<hbm>>
      %dma_start3A_38 = tpu.memref_squeeze %dma_start3A_37 : memref<1x16xi32, #tpu.memory_space<hbm>> -> memref<16xi32, #tpu.memory_space<hbm>>
      tpu.enqueue_dma source(%arg8 : memref<16xi32, #tpu.memory_space<vmem>>) target(%dma_start3A_38 : memref<16xi32, #tpu.memory_space<hbm>>) target_semaphore(%run_scoped3A : memref<!tpu.dma_semaphore, #tpu.memory_space<semaphore_mem>>)
      %dma_wait3A_39 = arith.constant 0 : i32
      %dma_wait3A_40 = tpu.memref_slice %arg5[%add3A, %dma_wait3A_39] : memref<32x16xi32, #tpu.memory_space<hbm>> -> memref<1x16xi32, #tpu.memory_space<hbm>>
      %dma_wait3A_41 = tpu.memref_squeeze %dma_wait3A_40 : memref<1x16xi32, #tpu.memory_space<hbm>> -> memref<16xi32, #tpu.memory_space<hbm>>
      %dma_wait3A_42 = arith.constant 0 : i32
      %dma_wait3A_43 = tpu.memref_slice %arg5[%add3A, %dma_wait3A_42] : memref<32x16xi32, #tpu.memory_space<hbm>> -> memref<1x16xi32, #tpu.memory_space<hbm>>
      %dma_wait3A_44 = tpu.memref_squeeze %dma_wait3A_43 : memref<1x16xi32, #tpu.memory_space<hbm>> -> memref<16xi32, #tpu.memory_space<hbm>>
      tpu.wait_dma2 semaphore(%run_scoped3A : memref<!tpu.dma_semaphore, #tpu.memory_space<semaphore_mem>>) src(%arg8 : memref<16xi32, #tpu.memory_space<vmem>>) dst(%dma_wait3A_44 : memref<16xi32, #tpu.memory_space<hbm>>)
      tpu.yield
    }) : () -> ()
    %parallel_loop3A_30 = arith.constant 0 : i32
    %parallel_loop3A_31 = arith.constant 4096 : i32
    %parallel_loop3A_32 = arith.constant 16 : i32
    scf.for %parallel_loop3A_33 = %parallel_loop3A_30 to %parallel_loop3A_31 step %parallel_loop3A_32  : i32 {
      %parallel_loop3A_34 = arith.constant 0 : i32
      %parallel_loop3A_35 = arith.addi %parallel_loop3A_34, %parallel_loop3A_33 : i32
      %parallel_loop3A_36 = arith.index_cast %parallel_loop3A_35 : i32 to index
      %parallel_loop3A_37 = tpu.vector_load %arg9[%parallel_loop3A_36] {strides = array<i32>} : memref<65536xi32, #tpu.memory_space<vmem>>, vector<16xi32>,
      %parallel_loop3A_38 = arith.constant 4096 : i32
      %parallel_loop3A_39 = arith.addi %parallel_loop3A_38, %parallel_loop3A_33 : i32
      %parallel_loop3A_40 = arith.index_cast %parallel_loop3A_39 : i32 to index
      %parallel_loop3A_41 = tpu.vector_load %arg9[%parallel_loop3A_40] {strides = array<i32>} : memref<65536xi32, #tpu.memory_space<vmem>>, vector<16xi32>,
      %parallel_loop3A_42 = arith.addi %parallel_loop3A_37, %parallel_loop3A_41 : vector<16xi32>
      %parallel_loop3A_43 = arith.constant 8192 : i32
      %parallel_loop3A_44 = arith.addi %parallel_loop3A_43, %parallel_loop3A_33 : i32
      %parallel_loop3A_45 = arith.index_cast %parallel_loop3A_44 : i32 to index
      %parallel_loop3A_46 = tpu.vector_load %arg9[%parallel_loop3A_45] {strides = array<i32>} : memref<65536xi32, #tpu.memory_space<vmem>>, vector<16xi32>,
      %parallel_loop3A_47 = arith.addi %parallel_loop3A_42, %parallel_loop3A_46 : vector<16xi32>
      %parallel_loop3A_48 = arith.constant 12288 : i32
      %parallel_loop3A_49 = arith.addi %parallel_loop3A_48, %parallel_loop3A_33 : i32
      %parallel_loop3A_50 = arith.index_cast %parallel_loop3A_49 : i32 to index
      %parallel_loop3A_51 = tpu.vector_load %arg9[%parallel_loop3A_50] {strides = array<i32>} : memref<65536xi32, #tpu.memory_space<vmem>>, vector<16xi32>,
      %parallel_loop3A_52 = arith.addi %parallel_loop3A_47, %parallel_loop3A_51 : vector<16xi32>
      %parallel_loop3A_53 = arith.constant 16384 : i32
      %parallel_loop3A_54 = arith.addi %parallel_loop3A_53, %parallel_loop3A_33 : i32
      %parallel_loop3A_55 = arith.index_cast %parallel_loop3A_54 : i32 to index
      %parallel_loop3A_56 = tpu.vector_load %arg9[%parallel_loop3A_55] {strides = array<i32>} : memref<65536xi32, #tpu.memory_space<vmem>>, vector<16xi32>,
      %parallel_loop3A_57 = arith.addi %parallel_loop3A_52, %parallel_loop3A_56 : vector<16xi32>
      %parallel_loop3A_58 = arith.constant 20480 : i32
      %parallel_loop3A_59 = arith.addi %parallel_loop3A_58, %parallel_loop3A_33 : i32
      %parallel_loop3A_60 = arith.index_cast %parallel_loop3A_59 : i32 to index
      %parallel_loop3A_61 = tpu.vector_load %arg9[%parallel_loop3A_60] {strides = array<i32>} : memref<65536xi32, #tpu.memory_space<vmem>>, vector<16xi32>,
      %parallel_loop3A_62 = arith.addi %parallel_loop3A_57, %parallel_loop3A_61 : vector<16xi32>
      %parallel_loop3A_63 = arith.constant 24576 : i32
      %parallel_loop3A_64 = arith.addi %parallel_loop3A_63, %parallel_loop3A_33 : i32
      %parallel_loop3A_65 = arith.index_cast %parallel_loop3A_64 : i32 to index
      %parallel_loop3A_66 = tpu.vector_load %arg9[%parallel_loop3A_65] {strides = array<i32>} : memref<65536xi32, #tpu.memory_space<vmem>>, vector<16xi32>,
      %parallel_loop3A_67 = arith.addi %parallel_loop3A_62, %parallel_loop3A_66 : vector<16xi32>
      %parallel_loop3A_68 = arith.constant 28672 : i32
      %parallel_loop3A_69 = arith.addi %parallel_loop3A_68, %parallel_loop3A_33 : i32
      %parallel_loop3A_70 = arith.index_cast %parallel_loop3A_69 : i32 to index
      %parallel_loop3A_71 = tpu.vector_load %arg9[%parallel_loop3A_70] {strides = array<i32>} : memref<65536xi32, #tpu.memory_space<vmem>>, vector<16xi32>,
      %parallel_loop3A_72 = arith.addi %parallel_loop3A_67, %parallel_loop3A_71 : vector<16xi32>
      %parallel_loop3A_73 = arith.constant 32768 : i32
      %parallel_loop3A_74 = arith.addi %parallel_loop3A_73, %parallel_loop3A_33 : i32
      %parallel_loop3A_75 = arith.index_cast %parallel_loop3A_74 : i32 to index
      %parallel_loop3A_76 = tpu.vector_load %arg9[%parallel_loop3A_75] {strides = array<i32>} : memref<65536xi32, #tpu.memory_space<vmem>>, vector<16xi32>,
      %parallel_loop3A_77 = arith.addi %parallel_loop3A_72, %parallel_loop3A_76 : vector<16xi32>
      %parallel_loop3A_78 = arith.constant 36864 : i32
      %parallel_loop3A_79 = arith.addi %parallel_loop3A_78, %parallel_loop3A_33 : i32
      %parallel_loop3A_80 = arith.index_cast %parallel_loop3A_79 : i32 to index
      %parallel_loop3A_81 = tpu.vector_load %arg9[%parallel_loop3A_80] {strides = array<i32>} : memref<65536xi32, #tpu.memory_space<vmem>>, vector<16xi32>,
      %parallel_loop3A_82 = arith.addi %parallel_loop3A_77, %parallel_loop3A_81 : vector<16xi32>
      %parallel_loop3A_83 = arith.constant 40960 : i32
      %parallel_loop3A_84 = arith.addi %parallel_loop3A_83, %parallel_loop3A_33 : i32
      %parallel_loop3A_85 = arith.index_cast %parallel_loop3A_84 : i32 to index
      %parallel_loop3A_86 = tpu.vector_load %arg9[%parallel_loop3A_85] {strides = array<i32>} : memref<65536xi32, #tpu.memory_space<vmem>>, vector<16xi32>,
      %parallel_loop3A_87 = arith.addi %parallel_loop3A_82, %parallel_loop3A_86 : vector<16xi32>
      %parallel_loop3A_88 = arith.constant 45056 : i32
      %parallel_loop3A_89 = arith.addi %parallel_loop3A_88, %parallel_loop3A_33 : i32
      %parallel_loop3A_90 = arith.index_cast %parallel_loop3A_89 : i32 to index
      %parallel_loop3A_91 = tpu.vector_load %arg9[%parallel_loop3A_90] {strides = array<i32>} : memref<65536xi32, #tpu.memory_space<vmem>>, vector<16xi32>,
      %parallel_loop3A_92 = arith.addi %parallel_loop3A_87, %parallel_loop3A_91 : vector<16xi32>
      %parallel_loop3A_93 = arith.constant 49152 : i32
      %parallel_loop3A_94 = arith.addi %parallel_loop3A_93, %parallel_loop3A_33 : i32
      %parallel_loop3A_95 = arith.index_cast %parallel_loop3A_94 : i32 to index
      %parallel_loop3A_96 = tpu.vector_load %arg9[%parallel_loop3A_95] {strides = array<i32>} : memref<65536xi32, #tpu.memory_space<vmem>>, vector<16xi32>,
      %parallel_loop3A_97 = arith.addi %parallel_loop3A_92, %parallel_loop3A_96 : vector<16xi32>
      %parallel_loop3A_98 = arith.constant 53248 : i32
      %parallel_loop3A_99 = arith.addi %parallel_loop3A_98, %parallel_loop3A_33 : i32
      %parallel_loop3A_100 = arith.index_cast %parallel_loop3A_99 : i32 to index
      %parallel_loop3A_101 = tpu.vector_load %arg9[%parallel_loop3A_100] {strides = array<i32>} : memref<65536xi32, #tpu.memory_space<vmem>>, vector<16xi32>,
      %parallel_loop3A_102 = arith.addi %parallel_loop3A_97, %parallel_loop3A_101 : vector<16xi32>
      %parallel_loop3A_103 = arith.constant 57344 : i32
      %parallel_loop3A_104 = arith.addi %parallel_loop3A_103, %parallel_loop3A_33 : i32
      %parallel_loop3A_105 = arith.index_cast %parallel_loop3A_104 : i32 to index
      %parallel_loop3A_106 = tpu.vector_load %arg9[%parallel_loop3A_105] {strides = array<i32>} : memref<65536xi32, #tpu.memory_space<vmem>>, vector<16xi32>,
      %parallel_loop3A_107 = arith.addi %parallel_loop3A_102, %parallel_loop3A_106 : vector<16xi32>
      %parallel_loop3A_108 = arith.constant 61440 : i32
      %parallel_loop3A_109 = arith.addi %parallel_loop3A_108, %parallel_loop3A_33 : i32
      %parallel_loop3A_110 = arith.index_cast %parallel_loop3A_109 : i32 to index
      %parallel_loop3A_111 = tpu.vector_load %arg9[%parallel_loop3A_110] {strides = array<i32>} : memref<65536xi32, #tpu.memory_space<vmem>>, vector<16xi32>,
      %parallel_loop3A_112 = arith.addi %parallel_loop3A_107, %parallel_loop3A_111 : vector<16xi32>
      %parallel_loop3A_113 = arith.constant 0 : i32
      %parallel_loop3A_114 = arith.addi %parallel_loop3A_113, %parallel_loop3A_33 : i32
      %parallel_loop3A_115 = arith.index_cast %parallel_loop3A_114 : i32 to index
      %parallel_loop3A_116 = tpu.vector_load %arg9[%parallel_loop3A_115] {strides = array<i32>} : memref<65536xi32, #tpu.memory_space<vmem>>, vector<16xi32>,
      tpu.vector_store %arg9[%parallel_loop3A_115], %parallel_loop3A_112 {strides = array<i32>} : memref<65536xi32, #tpu.memory_space<vmem>>, vector<16xi32>,
    } {sc.loop_unroll_factor = 4 : i64, sc.parallel_access}
    "tpu.region"() ({
      %run_scoped3A = tpu.sem_alloc : memref<!tpu.dma_semaphore, #tpu.memory_space<semaphore_mem>>
      %dma_start3A_33 = arith.constant 0 : i32
      %dma_start3A_34 = tpu.memref_slice %arg9[%dma_start3A_33] : memref<65536xi32, #tpu.memory_space<vmem>> -> memref<4096xi32, #tpu.memory_space<vmem>>
      %dma_start3A_35 = arith.constant 0 : i32
      %dma_start3A_36 = tpu.memref_slice %arg4[%add3A, %dma_start3A_35] : memref<32x4096xi32, #tpu.memory_space<hbm>> -> memref<1x4096xi32, #tpu.memory_space<hbm>>
      %dma_start3A_37 = tpu.memref_squeeze %dma_start3A_36 : memref<1x4096xi32, #tpu.memory_space<hbm>> -> memref<4096xi32, #tpu.memory_space<hbm>>
      %dma_start3A_38 = arith.constant 0 : i32
      %dma_start3A_39 = tpu.memref_slice %arg4[%add3A, %dma_start3A_38] : memref<32x4096xi32, #tpu.memory_space<hbm>> -> memref<1x4096xi32, #tpu.memory_space<hbm>>
      %dma_start3A_40 = tpu.memref_squeeze %dma_start3A_39 : memref<1x4096xi32, #tpu.memory_space<hbm>> -> memref<4096xi32, #tpu.memory_space<hbm>>
      %dma_start3A_41 = arith.constant 0 : i32
      %dma_start3A_42 = tpu.memref_slice %arg9[%dma_start3A_41] : memref<65536xi32, #tpu.memory_space<vmem>> -> memref<4096xi32, #tpu.memory_space<vmem>>
      tpu.enqueue_dma source(%dma_start3A_42 : memref<4096xi32, #tpu.memory_space<vmem>>) target(%dma_start3A_40 : memref<4096xi32, #tpu.memory_space<hbm>>) target_semaphore(%run_scoped3A : memref<!tpu.dma_semaphore, #tpu.memory_space<semaphore_mem>>)
      %dma_wait3A_43 = arith.constant 0 : i32
      %dma_wait3A_44 = tpu.memref_slice %arg9[%dma_wait3A_43] : memref<65536xi32, #tpu.memory_space<vmem>> -> memref<4096xi32, #tpu.memory_space<vmem>>
      %dma_wait3A_45 = arith.constant 0 : i32
      %dma_wait3A_46 = tpu.memref_slice %arg4[%add3A, %dma_wait3A_45] : memref<32x4096xi32, #tpu.memory_space<hbm>> -> memref<1x4096xi32, #tpu.memory_space<hbm>>
      %dma_wait3A_47 = tpu.memref_squeeze %dma_wait3A_46 : memref<1x4096xi32, #tpu.memory_space<hbm>> -> memref<4096xi32, #tpu.memory_space<hbm>>
      %dma_wait3A_48 = arith.constant 0 : i32
      %dma_wait3A_49 = tpu.memref_slice %arg4[%add3A, %dma_wait3A_48] : memref<32x4096xi32, #tpu.memory_space<hbm>> -> memref<1x4096xi32, #tpu.memory_space<hbm>>
      %dma_wait3A_50 = tpu.memref_squeeze %dma_wait3A_49 : memref<1x4096xi32, #tpu.memory_space<hbm>> -> memref<4096xi32, #tpu.memory_space<hbm>>
      %dma_wait3A_51 = arith.constant 0 : i32
      %dma_wait3A_52 = tpu.memref_slice %arg9[%dma_wait3A_51] : memref<65536xi32, #tpu.memory_space<vmem>> -> memref<4096xi32, #tpu.memory_space<vmem>>
      tpu.wait_dma2 semaphore(%run_scoped3A : memref<!tpu.dma_semaphore, #tpu.memory_space<semaphore_mem>>) src(%dma_wait3A_52 : memref<4096xi32, #tpu.memory_space<vmem>>) dst(%dma_wait3A_50 : memref<4096xi32, #tpu.memory_space<hbm>>)
      tpu.yield
    }) : () -> ()
    return
  }
}

#map = affine_map<(d0, d1) -> (0, 0)>
#map1 = affine_map<(d0, d1) -> (0)>
module attributes {stable_mosaic.version = 14 : i64} {
  func.func @_hist2(%arg0: i32, %arg1: i32, %arg2: memref<4096x4096xi32, #tpu.memory_space<hbm>>, %arg3: memref<32xi32, #tpu.memory_space<hbm>>, %arg4: memref<32x4096xi32, #tpu.memory_space<hbm>>, %arg5: memref<2x4096xi32, #tpu.memory_space<vmem>>, %arg6: memref<2x4096xi32, #tpu.memory_space<vmem>>, %arg7: memref<32xi32, #tpu.memory_space<vmem>>, %arg8: memref<65536xi32, #tpu.memory_space<vmem>>, %arg9: memref<!tpu.dma_semaphore, #tpu.memory_space<semaphore_mem>>, %arg10: memref<!tpu.dma_semaphore, #tpu.memory_space<semaphore_mem>>) attributes {dimension_semantics = [#tpu.dimension_semantics<core_parallel>, #tpu.dimension_semantics<subcore_parallel>], iteration_bounds = array<i64: 2, 16>, scalar_prefetch = 0 : i64, scratch_operands = 6 : i64, tpu.core_type = #tpu.core_type<sc_vector_subcore>, window_params = [{transform_indices = #map}, {transform_indices = #map1}, {transform_indices = #map}]} {
    %mul3A = arith.constant 2 : i32
    %mul3A_0 = arith.muli %arg1, %mul3A : i32
    %add3A = arith.addi %mul3A_0, %arg0 : i32
    %mul3A_1 = arith.constant 128 : i32
    %mul3A_2 = arith.muli %add3A, %mul3A_1 : i32
    %iota3A = tpu.iota {dimensions = array<i32: 0>} : vector<16xi32>
    %mul3A_3 = arith.constant 2048 : i32
    %mul3A_4 = vector.broadcast %mul3A_3 : i32 to vector<16xi32>
    %mul3A_5 = arith.muli %iota3A, %mul3A_4 : vector<16xi32>
    %broadcast_in_dim3A = arith.constant 1 : i32
    %broadcast_in_dim3A_6 = vector.broadcast %broadcast_in_dim3A : i32 to vector<16xi32>
    "tpu.region"() ({
      %run_scoped3A = tpu.sem_alloc : memref<!tpu.dma_semaphore, #tpu.memory_space<semaphore_mem>>
      tpu.enqueue_dma source(%arg3 : memref<32xi32, #tpu.memory_space<hbm>>) target(%arg7 : memref<32xi32, #tpu.memory_space<vmem>>) target_semaphore(%run_scoped3A : memref<!tpu.dma_semaphore, #tpu.memory_space<semaphore_mem>>)
      tpu.wait_dma2 semaphore(%run_scoped3A : memref<!tpu.dma_semaphore, #tpu.memory_space<semaphore_mem>>) src(%arg3 : memref<32xi32, #tpu.memory_space<hbm>>) dst(%arg7 : memref<32xi32, #tpu.memory_space<vmem>>)
      tpu.yield
    }) : () -> ()
    %get3A = arith.constant 0 : index
    %get3A_7 = tpu.vector_load %arg7[%get3A] {strides = array<i32>} : memref<32xi32, #tpu.memory_space<vmem>>, vector<16xi32>,
    %get3A_8 = arith.constant 16 : index
    %get3A_9 = tpu.vector_load %arg7[%get3A_8] {strides = array<i32>} : memref<32xi32, #tpu.memory_space<vmem>>, vector<16xi32>,
    %ne3A = arith.cmpi ne, %get3A_7, %get3A_9 : vector<16xi32>
    %jit3A = arith.constant 32768 : i32
    %jit3A_10 = arith.constant 0 : i32
    %broadcast_in_dim3A_11 = vector.broadcast %jit3A : i32 to vector<16xi32>
    %broadcast_in_dim3A_12 = vector.broadcast %jit3A_10 : i32 to vector<16xi32>
    %select_n3A = arith.select %ne3A, %broadcast_in_dim3A_11, %broadcast_in_dim3A_12 : vector<16xi1>, vector<16xi32>
    %broadcast_in_dim3A_13 = arith.constant 0 : i32
    %broadcast_in_dim3A_14 = vector.broadcast %broadcast_in_dim3A_13 : i32 to vector<16xi32>
    %parallel_loop3A = arith.constant 0 : i32
    %parallel_loop3A_15 = arith.constant 65536 : i32
    %parallel_loop3A_16 = arith.constant 16 : i32
    scf.for %parallel_loop3A_38 = %parallel_loop3A to %parallel_loop3A_15 step %parallel_loop3A_16  : i32 {
      %parallel_loop3A_39 = arith.index_cast %parallel_loop3A_38 : i32 to index
      %parallel_loop3A_40 = tpu.vector_load %arg8[%parallel_loop3A_39] {strides = array<i32>} : memref<65536xi32, #tpu.memory_space<vmem>>, vector<16xi32>,
      tpu.vector_store %arg8[%parallel_loop3A_39], %broadcast_in_dim3A_14 {strides = array<i32>} : memref<65536xi32, #tpu.memory_space<vmem>>, vector<16xi32>,
    } {sc.loop_unroll_factor = 8 : i64, sc.parallel_access}
    %add3A_17 = arith.constant 0 : i32
    %add3A_18 = arith.addi %mul3A_2, %add3A_17 : i32
    %dma_start3A = arith.constant 0 : i32
    %dma_start3A_19 = tpu.memref_slice %arg2[%add3A_18, %dma_start3A] : memref<4096x4096xi32, #tpu.memory_space<hbm>> -> memref<2x4096xi32, #tpu.memory_space<hbm>>
    %dma_start3A_20 = arith.constant 0 : i32
    %dma_start3A_21 = tpu.memref_slice %arg2[%add3A_18, %dma_start3A_20] : memref<4096x4096xi32, #tpu.memory_space<hbm>> -> memref<2x4096xi32, #tpu.memory_space<hbm>>
    tpu.enqueue_dma source(%dma_start3A_21 : memref<2x4096xi32, #tpu.memory_space<hbm>>) target(%arg5 : memref<2x4096xi32, #tpu.memory_space<vmem>>) target_semaphore(%arg9 : memref<!tpu.dma_semaphore, #tpu.memory_space<semaphore_mem>>)
    %scan3A = arith.constant 0 : i32
    %scan3A_22 = arith.constant 0 : i32
    %scan3A_23 = arith.constant 32 : i32
    %scan3A_24 = arith.addi %scan3A_22, %scan3A_23 : i32
    %scan3A_25 = arith.constant 1 : i32
    scf.for %scan3A_38 = %scan3A_22 to %scan3A_24 step %scan3A_25  : i32 {
      %mul3A_39 = arith.constant 2 : i32
      %mul3A_40 = arith.muli %mul3A_39, %scan3A_38 : i32
      %add3A_41 = arith.constant 1 : i32
      %add3A_42 = arith.addi %mul3A_40, %add3A_41 : i32
      %mul3A_43 = arith.constant 2 : i32
      %mul3A_44 = arith.muli %add3A_42, %mul3A_43 : i32
      %add3A_45 = arith.addi %mul3A_2, %mul3A_44 : i32
      %dma_start3A_46 = arith.constant 0 : i32
      %dma_start3A_47 = tpu.memref_slice %arg2[%add3A_45, %dma_start3A_46] : memref<4096x4096xi32, #tpu.memory_space<hbm>> -> memref<2x4096xi32, #tpu.memory_space<hbm>>
      %dma_start3A_48 = arith.constant 0 : i32
      %dma_start3A_49 = tpu.memref_slice %arg2[%add3A_45, %dma_start3A_48] : memref<4096x4096xi32, #tpu.memory_space<hbm>> -> memref<2x4096xi32, #tpu.memory_space<hbm>>
      tpu.enqueue_dma source(%dma_start3A_49 : memref<2x4096xi32, #tpu.memory_space<hbm>>) target(%arg6 : memref<2x4096xi32, #tpu.memory_space<vmem>>) target_semaphore(%arg10 : memref<!tpu.dma_semaphore, #tpu.memory_space<semaphore_mem>>)
      %add3A_50 = arith.constant 0 : i32
      %add3A_51 = arith.addi %mul3A_2, %add3A_50 : i32
      %dma_wait3A_52 = arith.constant 0 : i32
      %dma_wait3A_53 = tpu.memref_slice %arg2[%add3A_51, %dma_wait3A_52] : memref<4096x4096xi32, #tpu.memory_space<hbm>> -> memref<2x4096xi32, #tpu.memory_space<hbm>>
      %dma_wait3A_54 = arith.constant 0 : i32
      %dma_wait3A_55 = tpu.memref_slice %arg2[%add3A_51, %dma_wait3A_54] : memref<4096x4096xi32, #tpu.memory_space<hbm>> -> memref<2x4096xi32, #tpu.memory_space<hbm>>
      tpu.wait_dma2 semaphore(%arg9 : memref<!tpu.dma_semaphore, #tpu.memory_space<semaphore_mem>>) src(%dma_wait3A_55 : memref<2x4096xi32, #tpu.memory_space<hbm>>) dst(%arg5 : memref<2x4096xi32, #tpu.memory_space<vmem>>)
      %parallel_loop3A_56 = arith.constant 0 : i32
      %parallel_loop3A_57 = arith.constant 4096 : i32
      %parallel_loop3A_58 = arith.constant 16 : i32
      scf.for %parallel_loop3A_84 = %parallel_loop3A_56 to %parallel_loop3A_57 step %parallel_loop3A_58  : i32 {
        %parallel_loop3A_85 = arith.constant 0 : i32
        %parallel_loop3A_86 = arith.index_cast %parallel_loop3A_85 : i32 to index
        %parallel_loop3A_87 = arith.index_cast %parallel_loop3A_84 : i32 to index
        %parallel_loop3A_88 = tpu.vector_load %arg5[%parallel_loop3A_86, %parallel_loop3A_87] {strides = array<i32>} : memref<2x4096xi32, #tpu.memory_space<vmem>>, vector<16xi32>,
        %parallel_loop3A_89 = arith.constant 2147483647 : i32
        %parallel_loop3A_90 = vector.broadcast %parallel_loop3A_89 : i32 to vector<16xi32>
        %parallel_loop3A_91 = arith.andi %parallel_loop3A_88, %parallel_loop3A_90 : vector<16xi32>
        %parallel_loop3A_92 = arith.constant 19 : i32
        %parallel_loop3A_93 = vector.broadcast %parallel_loop3A_92 : i32 to vector<16xi32>
        %parallel_loop3A_94 = arith.shrsi %parallel_loop3A_91, %parallel_loop3A_93 : vector<16xi32>
        %parallel_loop3A_95 = arith.cmpi eq, %parallel_loop3A_94, %get3A_9 : vector<16xi32>
        %parallel_loop3A_96 = arith.constant 8 : i32
        %parallel_loop3A_97 = vector.broadcast %parallel_loop3A_96 : i32 to vector<16xi32>
        %parallel_loop3A_98 = arith.shrsi %parallel_loop3A_91, %parallel_loop3A_97 : vector<16xi32>
        %parallel_loop3A_99 = arith.constant 2047 : i32
        %parallel_loop3A_100 = vector.broadcast %parallel_loop3A_99 : i32 to vector<16xi32>
        %parallel_loop3A_101 = arith.andi %parallel_loop3A_98, %parallel_loop3A_100 : vector<16xi32>
        %parallel_loop3A_102 = arith.addi %mul3A_5, %parallel_loop3A_101 : vector<16xi32>
        %parallel_loop3A_103 = arith.constant 0 : i32
        %parallel_loop3A_104 = vector.broadcast %parallel_loop3A_103 : i32 to vector<16xi32>
        %parallel_loop3A_105 = arith.select %parallel_loop3A_95, %select_n3A, %parallel_loop3A_104 : vector<16xi1>, vector<16xi32>
        %parallel_loop3A_106 = arith.addi %parallel_loop3A_102, %parallel_loop3A_105 : vector<16xi32>
        %parallel_loop3A_107 = arith.cmpi eq, %parallel_loop3A_94, %get3A_7 : vector<16xi32>
        %parallel_loop3A_108 = arith.ori %parallel_loop3A_107, %parallel_loop3A_95 : vector<16xi1>
        tpu.vector_store_idx %arg8[%parallel_loop3A_106], %broadcast_in_dim3A_6 masked %parallel_loop3A_108 {add = true} : memref<65536xi32, #tpu.memory_space<vmem>>[vector<16xi32>], vector<16xi32>, vector<16xi1>
      } {sc.loop_unroll_factor = 8 : i64, sc.parallel_access}
      %parallel_loop3A_59 = arith.constant 0 : i32
      %parallel_loop3A_60 = arith.constant 4096 : i32
      %parallel_loop3A_61 = arith.constant 16 : i32
      scf.for %parallel_loop3A_84 = %parallel_loop3A_59 to %parallel_loop3A_60 step %parallel_loop3A_61  : i32 {
        %parallel_loop3A_85 = arith.constant 1 : i32
        %parallel_loop3A_86 = arith.index_cast %parallel_loop3A_85 : i32 to index
        %parallel_loop3A_87 = arith.index_cast %parallel_loop3A_84 : i32 to index
        %parallel_loop3A_88 = tpu.vector_load %arg5[%parallel_loop3A_86, %parallel_loop3A_87] {strides = array<i32>} : memref<2x4096xi32, #tpu.memory_space<vmem>>, vector<16xi32>,
        %parallel_loop3A_89 = arith.constant 2147483647 : i32
        %parallel_loop3A_90 = vector.broadcast %parallel_loop3A_89 : i32 to vector<16xi32>
        %parallel_loop3A_91 = arith.andi %parallel_loop3A_88, %parallel_loop3A_90 : vector<16xi32>
        %parallel_loop3A_92 = arith.constant 19 : i32
        %parallel_loop3A_93 = vector.broadcast %parallel_loop3A_92 : i32 to vector<16xi32>
        %parallel_loop3A_94 = arith.shrsi %parallel_loop3A_91, %parallel_loop3A_93 : vector<16xi32>
        %parallel_loop3A_95 = arith.cmpi eq, %parallel_loop3A_94, %get3A_9 : vector<16xi32>
        %parallel_loop3A_96 = arith.constant 8 : i32
        %parallel_loop3A_97 = vector.broadcast %parallel_loop3A_96 : i32 to vector<16xi32>
        %parallel_loop3A_98 = arith.shrsi %parallel_loop3A_91, %parallel_loop3A_97 : vector<16xi32>
        %parallel_loop3A_99 = arith.constant 2047 : i32
        %parallel_loop3A_100 = vector.broadcast %parallel_loop3A_99 : i32 to vector<16xi32>
        %parallel_loop3A_101 = arith.andi %parallel_loop3A_98, %parallel_loop3A_100 : vector<16xi32>
        %parallel_loop3A_102 = arith.addi %mul3A_5, %parallel_loop3A_101 : vector<16xi32>
        %parallel_loop3A_103 = arith.constant 0 : i32
        %parallel_loop3A_104 = vector.broadcast %parallel_loop3A_103 : i32 to vector<16xi32>
        %parallel_loop3A_105 = arith.select %parallel_loop3A_95, %select_n3A, %parallel_loop3A_104 : vector<16xi1>, vector<16xi32>
        %parallel_loop3A_106 = arith.addi %parallel_loop3A_102, %parallel_loop3A_105 : vector<16xi32>
        %parallel_loop3A_107 = arith.cmpi eq, %parallel_loop3A_94, %get3A_7 : vector<16xi32>
        %parallel_loop3A_108 = arith.ori %parallel_loop3A_107, %parallel_loop3A_95 : vector<16xi1>
        tpu.vector_store_idx %arg8[%parallel_loop3A_106], %broadcast_in_dim3A_6 masked %parallel_loop3A_108 {add = true} : memref<65536xi32, #tpu.memory_space<vmem>>[vector<16xi32>], vector<16xi32>, vector<16xi1>
      } {sc.loop_unroll_factor = 8 : i64, sc.parallel_access}
      %add3A_62 = arith.constant 2 : i32
      %add3A_63 = arith.addi %mul3A_40, %add3A_62 : i32
      %min3A = arith.constant 62 : i32
      %min3A_64 = arith.minsi %add3A_63, %min3A : i32
      %mul3A_65 = arith.constant 2 : i32
      %mul3A_66 = arith.muli %min3A_64, %mul3A_65 : i32
      %add3A_67 = arith.addi %mul3A_2, %mul3A_66 : i32
      %dma_start3A_68 = arith.constant 0 : i32
      %dma_start3A_69 = tpu.memref_slice %arg2[%add3A_67, %dma_start3A_68] : memref<4096x4096xi32, #tpu.memory_space<hbm>> -> memref<2x4096xi32, #tpu.memory_space<hbm>>
      %dma_start3A_70 = arith.constant 0 : i32
      %dma_start3A_71 = tpu.memref_slice %arg2[%add3A_67, %dma_start3A_70] : memref<4096x4096xi32, #tpu.memory_space<hbm>> -> memref<2x4096xi32, #tpu.memory_space<hbm>>
      tpu.enqueue_dma source(%dma_start3A_71 : memref<2x4096xi32, #tpu.memory_space<hbm>>) target(%arg5 : memref<2x4096xi32, #tpu.memory_space<vmem>>) target_semaphore(%arg9 : memref<!tpu.dma_semaphore, #tpu.memory_space<semaphore_mem>>)
      %add3A_72 = arith.constant 0 : i32
      %add3A_73 = arith.addi %mul3A_2, %add3A_72 : i32
      %dma_wait3A_74 = arith.constant 0 : i32
      %dma_wait3A_75 = tpu.memref_slice %arg2[%add3A_73, %dma_wait3A_74] : memref<4096x4096xi32, #tpu.memory_space<hbm>> -> memref<2x4096xi32, #tpu.memory_space<hbm>>
      %dma_wait3A_76 = arith.constant 0 : i32
      %dma_wait3A_77 = tpu.memref_slice %arg2[%add3A_73, %dma_wait3A_76] : memref<4096x4096xi32, #tpu.memory_space<hbm>> -> memref<2x4096xi32, #tpu.memory_space<hbm>>
      tpu.wait_dma2 semaphore(%arg10 : memref<!tpu.dma_semaphore, #tpu.memory_space<semaphore_mem>>) src(%dma_wait3A_77 : memref<2x4096xi32, #tpu.memory_space<hbm>>) dst(%arg6 : memref<2x4096xi32, #tpu.memory_space<vmem>>)
      %parallel_loop3A_78 = arith.constant 0 : i32
      %parallel_loop3A_79 = arith.constant 4096 : i32
      %parallel_loop3A_80 = arith.constant 16 : i32
      scf.for %parallel_loop3A_84 = %parallel_loop3A_78 to %parallel_loop3A_79 step %parallel_loop3A_80  : i32 {
        %parallel_loop3A_85 = arith.constant 0 : i32
        %parallel_loop3A_86 = arith.index_cast %parallel_loop3A_85 : i32 to index
        %parallel_loop3A_87 = arith.index_cast %parallel_loop3A_84 : i32 to index
        %parallel_loop3A_88 = tpu.vector_load %arg6[%parallel_loop3A_86, %parallel_loop3A_87] {strides = array<i32>} : memref<2x4096xi32, #tpu.memory_space<vmem>>, vector<16xi32>,
        %parallel_loop3A_89 = arith.constant 2147483647 : i32
        %parallel_loop3A_90 = vector.broadcast %parallel_loop3A_89 : i32 to vector<16xi32>
        %parallel_loop3A_91 = arith.andi %parallel_loop3A_88, %parallel_loop3A_90 : vector<16xi32>
        %parallel_loop3A_92 = arith.constant 19 : i32
        %parallel_loop3A_93 = vector.broadcast %parallel_loop3A_92 : i32 to vector<16xi32>
        %parallel_loop3A_94 = arith.shrsi %parallel_loop3A_91, %parallel_loop3A_93 : vector<16xi32>
        %parallel_loop3A_95 = arith.cmpi eq, %parallel_loop3A_94, %get3A_9 : vector<16xi32>
        %parallel_loop3A_96 = arith.constant 8 : i32
        %parallel_loop3A_97 = vector.broadcast %parallel_loop3A_96 : i32 to vector<16xi32>
        %parallel_loop3A_98 = arith.shrsi %parallel_loop3A_91, %parallel_loop3A_97 : vector<16xi32>
        %parallel_loop3A_99 = arith.constant 2047 : i32
        %parallel_loop3A_100 = vector.broadcast %parallel_loop3A_99 : i32 to vector<16xi32>
        %parallel_loop3A_101 = arith.andi %parallel_loop3A_98, %parallel_loop3A_100 : vector<16xi32>
        %parallel_loop3A_102 = arith.addi %mul3A_5, %parallel_loop3A_101 : vector<16xi32>
        %parallel_loop3A_103 = arith.constant 0 : i32
        %parallel_loop3A_104 = vector.broadcast %parallel_loop3A_103 : i32 to vector<16xi32>
        %parallel_loop3A_105 = arith.select %parallel_loop3A_95, %select_n3A, %parallel_loop3A_104 : vector<16xi1>, vector<16xi32>
        %parallel_loop3A_106 = arith.addi %parallel_loop3A_102, %parallel_loop3A_105 : vector<16xi32>
        %parallel_loop3A_107 = arith.cmpi eq, %parallel_loop3A_94, %get3A_7 : vector<16xi32>
        %parallel_loop3A_108 = arith.ori %parallel_loop3A_107, %parallel_loop3A_95 : vector<16xi1>
        tpu.vector_store_idx %arg8[%parallel_loop3A_106], %broadcast_in_dim3A_6 masked %parallel_loop3A_108 {add = true} : memref<65536xi32, #tpu.memory_space<vmem>>[vector<16xi32>], vector<16xi32>, vector<16xi1>
      } {sc.loop_unroll_factor = 8 : i64, sc.parallel_access}
      %parallel_loop3A_81 = arith.constant 0 : i32
      %parallel_loop3A_82 = arith.constant 4096 : i32
      %parallel_loop3A_83 = arith.constant 16 : i32
      scf.for %parallel_loop3A_84 = %parallel_loop3A_81 to %parallel_loop3A_82 step %parallel_loop3A_83  : i32 {
        %parallel_loop3A_85 = arith.constant 1 : i32
        %parallel_loop3A_86 = arith.index_cast %parallel_loop3A_85 : i32 to index
        %parallel_loop3A_87 = arith.index_cast %parallel_loop3A_84 : i32 to index
        %parallel_loop3A_88 = tpu.vector_load %arg6[%parallel_loop3A_86, %parallel_loop3A_87] {strides = array<i32>} : memref<2x4096xi32, #tpu.memory_space<vmem>>, vector<16xi32>,
        %parallel_loop3A_89 = arith.constant 2147483647 : i32
        %parallel_loop3A_90 = vector.broadcast %parallel_loop3A_89 : i32 to vector<16xi32>
        %parallel_loop3A_91 = arith.andi %parallel_loop3A_88, %parallel_loop3A_90 : vector<16xi32>
        %parallel_loop3A_92 = arith.constant 19 : i32
        %parallel_loop3A_93 = vector.broadcast %parallel_loop3A_92 : i32 to vector<16xi32>
        %parallel_loop3A_94 = arith.shrsi %parallel_loop3A_91, %parallel_loop3A_93 : vector<16xi32>
        %parallel_loop3A_95 = arith.cmpi eq, %parallel_loop3A_94, %get3A_9 : vector<16xi32>
        %parallel_loop3A_96 = arith.constant 8 : i32
        %parallel_loop3A_97 = vector.broadcast %parallel_loop3A_96 : i32 to vector<16xi32>
        %parallel_loop3A_98 = arith.shrsi %parallel_loop3A_91, %parallel_loop3A_97 : vector<16xi32>
        %parallel_loop3A_99 = arith.constant 2047 : i32
        %parallel_loop3A_100 = vector.broadcast %parallel_loop3A_99 : i32 to vector<16xi32>
        %parallel_loop3A_101 = arith.andi %parallel_loop3A_98, %parallel_loop3A_100 : vector<16xi32>
        %parallel_loop3A_102 = arith.addi %mul3A_5, %parallel_loop3A_101 : vector<16xi32>
        %parallel_loop3A_103 = arith.constant 0 : i32
        %parallel_loop3A_104 = vector.broadcast %parallel_loop3A_103 : i32 to vector<16xi32>
        %parallel_loop3A_105 = arith.select %parallel_loop3A_95, %select_n3A, %parallel_loop3A_104 : vector<16xi1>, vector<16xi32>
        %parallel_loop3A_106 = arith.addi %parallel_loop3A_102, %parallel_loop3A_105 : vector<16xi32>
        %parallel_loop3A_107 = arith.cmpi eq, %parallel_loop3A_94, %get3A_7 : vector<16xi32>
        %parallel_loop3A_108 = arith.ori %parallel_loop3A_107, %parallel_loop3A_95 : vector<16xi1>
        tpu.vector_store_idx %arg8[%parallel_loop3A_106], %broadcast_in_dim3A_6 masked %parallel_loop3A_108 {add = true} : memref<65536xi32, #tpu.memory_space<vmem>>[vector<16xi32>], vector<16xi32>, vector<16xi1>
      } {sc.loop_unroll_factor = 8 : i64, sc.parallel_access}
    }
    %scan3A_26 = arith.constant 32 : i32
    %add3A_27 = arith.constant 0 : i32
    %add3A_28 = arith.addi %mul3A_2, %add3A_27 : i32
    %dma_wait3A = arith.constant 0 : i32
    %dma_wait3A_29 = tpu.memref_slice %arg2[%add3A_28, %dma_wait3A] : memref<4096x4096xi32, #tpu.memory_space<hbm>> -> memref<2x4096xi32, #tpu.memory_space<hbm>>
    %dma_wait3A_30 = arith.constant 0 : i32
    %dma_wait3A_31 = tpu.memref_slice %arg2[%add3A_28, %dma_wait3A_30] : memref<4096x4096xi32, #tpu.memory_space<hbm>> -> memref<2x4096xi32, #tpu.memory_space<hbm>>
    tpu.wait_dma2 semaphore(%arg9 : memref<!tpu.dma_semaphore, #tpu.memory_space<semaphore_mem>>) src(%dma_wait3A_31 : memref<2x4096xi32, #tpu.memory_space<hbm>>) dst(%arg5 : memref<2x4096xi32, #tpu.memory_space<vmem>>)
    %parallel_loop3A_32 = arith.constant 0 : i32
    %parallel_loop3A_33 = arith.constant 2048 : i32
    %parallel_loop3A_34 = arith.constant 16 : i32
    scf.for %parallel_loop3A_38 = %parallel_loop3A_32 to %parallel_loop3A_33 step %parallel_loop3A_34  : i32 {
      %parallel_loop3A_39 = arith.constant 0 : i32
      %parallel_loop3A_40 = arith.addi %parallel_loop3A_39, %parallel_loop3A_38 : i32
      %parallel_loop3A_41 = arith.index_cast %parallel_loop3A_40 : i32 to index
      %parallel_loop3A_42 = tpu.vector_load %arg8[%parallel_loop3A_41] {strides = array<i32>} : memref<65536xi32, #tpu.memory_space<vmem>>, vector<16xi32>,
      %parallel_loop3A_43 = arith.constant 2048 : i32
      %parallel_loop3A_44 = arith.addi %parallel_loop3A_43, %parallel_loop3A_38 : i32
      %parallel_loop3A_45 = arith.index_cast %parallel_loop3A_44 : i32 to index
      %parallel_loop3A_46 = tpu.vector_load %arg8[%parallel_loop3A_45] {strides = array<i32>} : memref<65536xi32, #tpu.memory_space<vmem>>, vector<16xi32>,
      %parallel_loop3A_47 = arith.addi %parallel_loop3A_42, %parallel_loop3A_46 : vector<16xi32>
      %parallel_loop3A_48 = arith.constant 4096 : i32
      %parallel_loop3A_49 = arith.addi %parallel_loop3A_48, %parallel_loop3A_38 : i32
      %parallel_loop3A_50 = arith.index_cast %parallel_loop3A_49 : i32 to index
      %parallel_loop3A_51 = tpu.vector_load %arg8[%parallel_loop3A_50] {strides = array<i32>} : memref<65536xi32, #tpu.memory_space<vmem>>, vector<16xi32>,
      %parallel_loop3A_52 = arith.addi %parallel_loop3A_47, %parallel_loop3A_51 : vector<16xi32>
      %parallel_loop3A_53 = arith.constant 6144 : i32
      %parallel_loop3A_54 = arith.addi %parallel_loop3A_53, %parallel_loop3A_38 : i32
      %parallel_loop3A_55 = arith.index_cast %parallel_loop3A_54 : i32 to index
      %parallel_loop3A_56 = tpu.vector_load %arg8[%parallel_loop3A_55] {strides = array<i32>} : memref<65536xi32, #tpu.memory_space<vmem>>, vector<16xi32>,
      %parallel_loop3A_57 = arith.addi %parallel_loop3A_52, %parallel_loop3A_56 : vector<16xi32>
      %parallel_loop3A_58 = arith.constant 8192 : i32
      %parallel_loop3A_59 = arith.addi %parallel_loop3A_58, %parallel_loop3A_38 : i32
      %parallel_loop3A_60 = arith.index_cast %parallel_loop3A_59 : i32 to index
      %parallel_loop3A_61 = tpu.vector_load %arg8[%parallel_loop3A_60] {strides = array<i32>} : memref<65536xi32, #tpu.memory_space<vmem>>, vector<16xi32>,
      %parallel_loop3A_62 = arith.addi %parallel_loop3A_57, %parallel_loop3A_61 : vector<16xi32>
      %parallel_loop3A_63 = arith.constant 10240 : i32
      %parallel_loop3A_64 = arith.addi %parallel_loop3A_63, %parallel_loop3A_38 : i32
      %parallel_loop3A_65 = arith.index_cast %parallel_loop3A_64 : i32 to index
      %parallel_loop3A_66 = tpu.vector_load %arg8[%parallel_loop3A_65] {strides = array<i32>} : memref<65536xi32, #tpu.memory_space<vmem>>, vector<16xi32>,
      %parallel_loop3A_67 = arith.addi %parallel_loop3A_62, %parallel_loop3A_66 : vector<16xi32>
      %parallel_loop3A_68 = arith.constant 12288 : i32
      %parallel_loop3A_69 = arith.addi %parallel_loop3A_68, %parallel_loop3A_38 : i32
      %parallel_loop3A_70 = arith.index_cast %parallel_loop3A_69 : i32 to index
      %parallel_loop3A_71 = tpu.vector_load %arg8[%parallel_loop3A_70] {strides = array<i32>} : memref<65536xi32, #tpu.memory_space<vmem>>, vector<16xi32>,
      %parallel_loop3A_72 = arith.addi %parallel_loop3A_67, %parallel_loop3A_71 : vector<16xi32>
      %parallel_loop3A_73 = arith.constant 14336 : i32
      %parallel_loop3A_74 = arith.addi %parallel_loop3A_73, %parallel_loop3A_38 : i32
      %parallel_loop3A_75 = arith.index_cast %parallel_loop3A_74 : i32 to index
      %parallel_loop3A_76 = tpu.vector_load %arg8[%parallel_loop3A_75] {strides = array<i32>} : memref<65536xi32, #tpu.memory_space<vmem>>, vector<16xi32>,
      %parallel_loop3A_77 = arith.addi %parallel_loop3A_72, %parallel_loop3A_76 : vector<16xi32>
      %parallel_loop3A_78 = arith.constant 16384 : i32
      %parallel_loop3A_79 = arith.addi %parallel_loop3A_78, %parallel_loop3A_38 : i32
      %parallel_loop3A_80 = arith.index_cast %parallel_loop3A_79 : i32 to index
      %parallel_loop3A_81 = tpu.vector_load %arg8[%parallel_loop3A_80] {strides = array<i32>} : memref<65536xi32, #tpu.memory_space<vmem>>, vector<16xi32>,
      %parallel_loop3A_82 = arith.addi %parallel_loop3A_77, %parallel_loop3A_81 : vector<16xi32>
      %parallel_loop3A_83 = arith.constant 18432 : i32
      %parallel_loop3A_84 = arith.addi %parallel_loop3A_83, %parallel_loop3A_38 : i32
      %parallel_loop3A_85 = arith.index_cast %parallel_loop3A_84 : i32 to index
      %parallel_loop3A_86 = tpu.vector_load %arg8[%parallel_loop3A_85] {strides = array<i32>} : memref<65536xi32, #tpu.memory_space<vmem>>, vector<16xi32>,
      %parallel_loop3A_87 = arith.addi %parallel_loop3A_82, %parallel_loop3A_86 : vector<16xi32>
      %parallel_loop3A_88 = arith.constant 20480 : i32
      %parallel_loop3A_89 = arith.addi %parallel_loop3A_88, %parallel_loop3A_38 : i32
      %parallel_loop3A_90 = arith.index_cast %parallel_loop3A_89 : i32 to index
      %parallel_loop3A_91 = tpu.vector_load %arg8[%parallel_loop3A_90] {strides = array<i32>} : memref<65536xi32, #tpu.memory_space<vmem>>, vector<16xi32>,
      %parallel_loop3A_92 = arith.addi %parallel_loop3A_87, %parallel_loop3A_91 : vector<16xi32>
      %parallel_loop3A_93 = arith.constant 22528 : i32
      %parallel_loop3A_94 = arith.addi %parallel_loop3A_93, %parallel_loop3A_38 : i32
      %parallel_loop3A_95 = arith.index_cast %parallel_loop3A_94 : i32 to index
      %parallel_loop3A_96 = tpu.vector_load %arg8[%parallel_loop3A_95] {strides = array<i32>} : memref<65536xi32, #tpu.memory_space<vmem>>, vector<16xi32>,
      %parallel_loop3A_97 = arith.addi %parallel_loop3A_92, %parallel_loop3A_96 : vector<16xi32>
      %parallel_loop3A_98 = arith.constant 24576 : i32
      %parallel_loop3A_99 = arith.addi %parallel_loop3A_98, %parallel_loop3A_38 : i32
      %parallel_loop3A_100 = arith.index_cast %parallel_loop3A_99 : i32 to index
      %parallel_loop3A_101 = tpu.vector_load %arg8[%parallel_loop3A_100] {strides = array<i32>} : memref<65536xi32, #tpu.memory_space<vmem>>, vector<16xi32>,
      %parallel_loop3A_102 = arith.addi %parallel_loop3A_97, %parallel_loop3A_101 : vector<16xi32>
      %parallel_loop3A_103 = arith.constant 26624 : i32
      %parallel_loop3A_104 = arith.addi %parallel_loop3A_103, %parallel_loop3A_38 : i32
      %parallel_loop3A_105 = arith.index_cast %parallel_loop3A_104 : i32 to index
      %parallel_loop3A_106 = tpu.vector_load %arg8[%parallel_loop3A_105] {strides = array<i32>} : memref<65536xi32, #tpu.memory_space<vmem>>, vector<16xi32>,
      %parallel_loop3A_107 = arith.addi %parallel_loop3A_102, %parallel_loop3A_106 : vector<16xi32>
      %parallel_loop3A_108 = arith.constant 28672 : i32
      %parallel_loop3A_109 = arith.addi %parallel_loop3A_108, %parallel_loop3A_38 : i32
      %parallel_loop3A_110 = arith.index_cast %parallel_loop3A_109 : i32 to index
      %parallel_loop3A_111 = tpu.vector_load %arg8[%parallel_loop3A_110] {strides = array<i32>} : memref<65536xi32, #tpu.memory_space<vmem>>, vector<16xi32>,
      %parallel_loop3A_112 = arith.addi %parallel_loop3A_107, %parallel_loop3A_111 : vector<16xi32>
      %parallel_loop3A_113 = arith.constant 30720 : i32
      %parallel_loop3A_114 = arith.addi %parallel_loop3A_113, %parallel_loop3A_38 : i32
      %parallel_loop3A_115 = arith.index_cast %parallel_loop3A_114 : i32 to index
      %parallel_loop3A_116 = tpu.vector_load %arg8[%parallel_loop3A_115] {strides = array<i32>} : memref<65536xi32, #tpu.memory_space<vmem>>, vector<16xi32>,
      %parallel_loop3A_117 = arith.addi %parallel_loop3A_112, %parallel_loop3A_116 : vector<16xi32>
      %parallel_loop3A_118 = arith.constant 0 : i32
      %parallel_loop3A_119 = arith.addi %parallel_loop3A_118, %parallel_loop3A_38 : i32
      %parallel_loop3A_120 = arith.index_cast %parallel_loop3A_119 : i32 to index
      %parallel_loop3A_121 = tpu.vector_load %arg8[%parallel_loop3A_120] {strides = array<i32>} : memref<65536xi32, #tpu.memory_space<vmem>>, vector<16xi32>,
      tpu.vector_store %arg8[%parallel_loop3A_120], %parallel_loop3A_117 {strides = array<i32>} : memref<65536xi32, #tpu.memory_space<vmem>>, vector<16xi32>,
    } {sc.loop_unroll_factor = 4 : i64, sc.parallel_access}
    %parallel_loop3A_35 = arith.constant 0 : i32
    %parallel_loop3A_36 = arith.constant 2048 : i32
    %parallel_loop3A_37 = arith.constant 16 : i32
    scf.for %parallel_loop3A_38 = %parallel_loop3A_35 to %parallel_loop3A_36 step %parallel_loop3A_37  : i32 {
      %parallel_loop3A_39 = arith.constant 32768 : i32
      %parallel_loop3A_40 = arith.addi %parallel_loop3A_39, %parallel_loop3A_38 : i32
      %parallel_loop3A_41 = arith.index_cast %parallel_loop3A_40 : i32 to index
      %parallel_loop3A_42 = tpu.vector_load %arg8[%parallel_loop3A_41] {strides = array<i32>} : memref<65536xi32, #tpu.memory_space<vmem>>, vector<16xi32>,
      %parallel_loop3A_43 = arith.constant 34816 : i32
      %parallel_loop3A_44 = arith.addi %parallel_loop3A_43, %parallel_loop3A_38 : i32
      %parallel_loop3A_45 = arith.index_cast %parallel_loop3A_44 : i32 to index
      %parallel_loop3A_46 = tpu.vector_load %arg8[%parallel_loop3A_45] {strides = array<i32>} : memref<65536xi32, #tpu.memory_space<vmem>>, vector<16xi32>,
      %parallel_loop3A_47 = arith.addi %parallel_loop3A_42, %parallel_loop3A_46 : vector<16xi32>
      %parallel_loop3A_48 = arith.constant 36864 : i32
      %parallel_loop3A_49 = arith.addi %parallel_loop3A_48, %parallel_loop3A_38 : i32
      %parallel_loop3A_50 = arith.index_cast %parallel_loop3A_49 : i32 to index
      %parallel_loop3A_51 = tpu.vector_load %arg8[%parallel_loop3A_50] {strides = array<i32>} : memref<65536xi32, #tpu.memory_space<vmem>>, vector<16xi32>,
      %parallel_loop3A_52 = arith.addi %parallel_loop3A_47, %parallel_loop3A_51 : vector<16xi32>
      %parallel_loop3A_53 = arith.constant 38912 : i32
      %parallel_loop3A_54 = arith.addi %parallel_loop3A_53, %parallel_loop3A_38 : i32
      %parallel_loop3A_55 = arith.index_cast %parallel_loop3A_54 : i32 to index
      %parallel_loop3A_56 = tpu.vector_load %arg8[%parallel_loop3A_55] {strides = array<i32>} : memref<65536xi32, #tpu.memory_space<vmem>>, vector<16xi32>,
      %parallel_loop3A_57 = arith.addi %parallel_loop3A_52, %parallel_loop3A_56 : vector<16xi32>
      %parallel_loop3A_58 = arith.constant 40960 : i32
      %parallel_loop3A_59 = arith.addi %parallel_loop3A_58, %parallel_loop3A_38 : i32
      %parallel_loop3A_60 = arith.index_cast %parallel_loop3A_59 : i32 to index
      %parallel_loop3A_61 = tpu.vector_load %arg8[%parallel_loop3A_60] {strides = array<i32>} : memref<65536xi32, #tpu.memory_space<vmem>>, vector<16xi32>,
      %parallel_loop3A_62 = arith.addi %parallel_loop3A_57, %parallel_loop3A_61 : vector<16xi32>
      %parallel_loop3A_63 = arith.constant 43008 : i32
      %parallel_loop3A_64 = arith.addi %parallel_loop3A_63, %parallel_loop3A_38 : i32
      %parallel_loop3A_65 = arith.index_cast %parallel_loop3A_64 : i32 to index
      %parallel_loop3A_66 = tpu.vector_load %arg8[%parallel_loop3A_65] {strides = array<i32>} : memref<65536xi32, #tpu.memory_space<vmem>>, vector<16xi32>,
      %parallel_loop3A_67 = arith.addi %parallel_loop3A_62, %parallel_loop3A_66 : vector<16xi32>
      %parallel_loop3A_68 = arith.constant 45056 : i32
      %parallel_loop3A_69 = arith.addi %parallel_loop3A_68, %parallel_loop3A_38 : i32
      %parallel_loop3A_70 = arith.index_cast %parallel_loop3A_69 : i32 to index
      %parallel_loop3A_71 = tpu.vector_load %arg8[%parallel_loop3A_70] {strides = array<i32>} : memref<65536xi32, #tpu.memory_space<vmem>>, vector<16xi32>,
      %parallel_loop3A_72 = arith.addi %parallel_loop3A_67, %parallel_loop3A_71 : vector<16xi32>
      %parallel_loop3A_73 = arith.constant 47104 : i32
      %parallel_loop3A_74 = arith.addi %parallel_loop3A_73, %parallel_loop3A_38 : i32
      %parallel_loop3A_75 = arith.index_cast %parallel_loop3A_74 : i32 to index
      %parallel_loop3A_76 = tpu.vector_load %arg8[%parallel_loop3A_75] {strides = array<i32>} : memref<65536xi32, #tpu.memory_space<vmem>>, vector<16xi32>,
      %parallel_loop3A_77 = arith.addi %parallel_loop3A_72, %parallel_loop3A_76 : vector<16xi32>
      %parallel_loop3A_78 = arith.constant 49152 : i32
      %parallel_loop3A_79 = arith.addi %parallel_loop3A_78, %parallel_loop3A_38 : i32
      %parallel_loop3A_80 = arith.index_cast %parallel_loop3A_79 : i32 to index
      %parallel_loop3A_81 = tpu.vector_load %arg8[%parallel_loop3A_80] {strides = array<i32>} : memref<65536xi32, #tpu.memory_space<vmem>>, vector<16xi32>,
      %parallel_loop3A_82 = arith.addi %parallel_loop3A_77, %parallel_loop3A_81 : vector<16xi32>
      %parallel_loop3A_83 = arith.constant 51200 : i32
      %parallel_loop3A_84 = arith.addi %parallel_loop3A_83, %parallel_loop3A_38 : i32
      %parallel_loop3A_85 = arith.index_cast %parallel_loop3A_84 : i32 to index
      %parallel_loop3A_86 = tpu.vector_load %arg8[%parallel_loop3A_85] {strides = array<i32>} : memref<65536xi32, #tpu.memory_space<vmem>>, vector<16xi32>,
      %parallel_loop3A_87 = arith.addi %parallel_loop3A_82, %parallel_loop3A_86 : vector<16xi32>
      %parallel_loop3A_88 = arith.constant 53248 : i32
      %parallel_loop3A_89 = arith.addi %parallel_loop3A_88, %parallel_loop3A_38 : i32
      %parallel_loop3A_90 = arith.index_cast %parallel_loop3A_89 : i32 to index
      %parallel_loop3A_91 = tpu.vector_load %arg8[%parallel_loop3A_90] {strides = array<i32>} : memref<65536xi32, #tpu.memory_space<vmem>>, vector<16xi32>,
      %parallel_loop3A_92 = arith.addi %parallel_loop3A_87, %parallel_loop3A_91 : vector<16xi32>
      %parallel_loop3A_93 = arith.constant 55296 : i32
      %parallel_loop3A_94 = arith.addi %parallel_loop3A_93, %parallel_loop3A_38 : i32
      %parallel_loop3A_95 = arith.index_cast %parallel_loop3A_94 : i32 to index
      %parallel_loop3A_96 = tpu.vector_load %arg8[%parallel_loop3A_95] {strides = array<i32>} : memref<65536xi32, #tpu.memory_space<vmem>>, vector<16xi32>,
      %parallel_loop3A_97 = arith.addi %parallel_loop3A_92, %parallel_loop3A_96 : vector<16xi32>
      %parallel_loop3A_98 = arith.constant 57344 : i32
      %parallel_loop3A_99 = arith.addi %parallel_loop3A_98, %parallel_loop3A_38 : i32
      %parallel_loop3A_100 = arith.index_cast %parallel_loop3A_99 : i32 to index
      %parallel_loop3A_101 = tpu.vector_load %arg8[%parallel_loop3A_100] {strides = array<i32>} : memref<65536xi32, #tpu.memory_space<vmem>>, vector<16xi32>,
      %parallel_loop3A_102 = arith.addi %parallel_loop3A_97, %parallel_loop3A_101 : vector<16xi32>
      %parallel_loop3A_103 = arith.constant 59392 : i32
      %parallel_loop3A_104 = arith.addi %parallel_loop3A_103, %parallel_loop3A_38 : i32
      %parallel_loop3A_105 = arith.index_cast %parallel_loop3A_104 : i32 to index
      %parallel_loop3A_106 = tpu.vector_load %arg8[%parallel_loop3A_105] {strides = array<i32>} : memref<65536xi32, #tpu.memory_space<vmem>>, vector<16xi32>,
      %parallel_loop3A_107 = arith.addi %parallel_loop3A_102, %parallel_loop3A_106 : vector<16xi32>
      %parallel_loop3A_108 = arith.constant 61440 : i32
      %parallel_loop3A_109 = arith.addi %parallel_loop3A_108, %parallel_loop3A_38 : i32
      %parallel_loop3A_110 = arith.index_cast %parallel_loop3A_109 : i32 to index
      %parallel_loop3A_111 = tpu.vector_load %arg8[%parallel_loop3A_110] {strides = array<i32>} : memref<65536xi32, #tpu.memory_space<vmem>>, vector<16xi32>,
      %parallel_loop3A_112 = arith.addi %parallel_loop3A_107, %parallel_loop3A_111 : vector<16xi32>
      %parallel_loop3A_113 = arith.constant 63488 : i32
      %parallel_loop3A_114 = arith.addi %parallel_loop3A_113, %parallel_loop3A_38 : i32
      %parallel_loop3A_115 = arith.index_cast %parallel_loop3A_114 : i32 to index
      %parallel_loop3A_116 = tpu.vector_load %arg8[%parallel_loop3A_115] {strides = array<i32>} : memref<65536xi32, #tpu.memory_space<vmem>>, vector<16xi32>,
      %parallel_loop3A_117 = arith.addi %parallel_loop3A_112, %parallel_loop3A_116 : vector<16xi32>
      %parallel_loop3A_118 = arith.constant 2048 : i32
      %parallel_loop3A_119 = arith.addi %parallel_loop3A_118, %parallel_loop3A_38 : i32
      %parallel_loop3A_120 = arith.index_cast %parallel_loop3A_119 : i32 to index
      %parallel_loop3A_121 = tpu.vector_load %arg8[%parallel_loop3A_120] {strides = array<i32>} : memref<65536xi32, #tpu.memory_space<vmem>>, vector<16xi32>,
      tpu.vector_store %arg8[%parallel_loop3A_120], %parallel_loop3A_117 {strides = array<i32>} : memref<65536xi32, #tpu.memory_space<vmem>>, vector<16xi32>,
    } {sc.loop_unroll_factor = 4 : i64, sc.parallel_access}
    "tpu.region"() ({
      %run_scoped3A = tpu.sem_alloc : memref<!tpu.dma_semaphore, #tpu.memory_space<semaphore_mem>>
      %dma_start3A_38 = arith.constant 0 : i32
      %dma_start3A_39 = tpu.memref_slice %arg8[%dma_start3A_38] : memref<65536xi32, #tpu.memory_space<vmem>> -> memref<4096xi32, #tpu.memory_space<vmem>>
      %dma_start3A_40 = arith.constant 0 : i32
      %dma_start3A_41 = tpu.memref_slice %arg4[%add3A, %dma_start3A_40] : memref<32x4096xi32, #tpu.memory_space<hbm>> -> memref<1x4096xi32, #tpu.memory_space<hbm>>
      %dma_start3A_42 = tpu.memref_squeeze %dma_start3A_41 : memref<1x4096xi32, #tpu.memory_space<hbm>> -> memref<4096xi32, #tpu.memory_space<hbm>>
      %dma_start3A_43 = arith.constant 0 : i32
      %dma_start3A_44 = tpu.memref_slice %arg4[%add3A, %dma_start3A_43] : memref<32x4096xi32, #tpu.memory_space<hbm>> -> memref<1x4096xi32, #tpu.memory_space<hbm>>
      %dma_start3A_45 = tpu.memref_squeeze %dma_start3A_44 : memref<1x4096xi32, #tpu.memory_space<hbm>> -> memref<4096xi32, #tpu.memory_space<hbm>>
      %dma_start3A_46 = arith.constant 0 : i32
      %dma_start3A_47 = tpu.memref_slice %arg8[%dma_start3A_46] : memref<65536xi32, #tpu.memory_space<vmem>> -> memref<4096xi32, #tpu.memory_space<vmem>>
      tpu.enqueue_dma source(%dma_start3A_47 : memref<4096xi32, #tpu.memory_space<vmem>>) target(%dma_start3A_45 : memref<4096xi32, #tpu.memory_space<hbm>>) target_semaphore(%run_scoped3A : memref<!tpu.dma_semaphore, #tpu.memory_space<semaphore_mem>>)
      %dma_wait3A_48 = arith.constant 0 : i32
      %dma_wait3A_49 = tpu.memref_slice %arg8[%dma_wait3A_48] : memref<65536xi32, #tpu.memory_space<vmem>> -> memref<4096xi32, #tpu.memory_space<vmem>>
      %dma_wait3A_50 = arith.constant 0 : i32
      %dma_wait3A_51 = tpu.memref_slice %arg4[%add3A, %dma_wait3A_50] : memref<32x4096xi32, #tpu.memory_space<hbm>> -> memref<1x4096xi32, #tpu.memory_space<hbm>>
      %dma_wait3A_52 = tpu.memref_squeeze %dma_wait3A_51 : memref<1x4096xi32, #tpu.memory_space<hbm>> -> memref<4096xi32, #tpu.memory_space<hbm>>
      %dma_wait3A_53 = arith.constant 0 : i32
      %dma_wait3A_54 = tpu.memref_slice %arg4[%add3A, %dma_wait3A_53] : memref<32x4096xi32, #tpu.memory_space<hbm>> -> memref<1x4096xi32, #tpu.memory_space<hbm>>
      %dma_wait3A_55 = tpu.memref_squeeze %dma_wait3A_54 : memref<1x4096xi32, #tpu.memory_space<hbm>> -> memref<4096xi32, #tpu.memory_space<hbm>>
      %dma_wait3A_56 = arith.constant 0 : i32
      %dma_wait3A_57 = tpu.memref_slice %arg8[%dma_wait3A_56] : memref<65536xi32, #tpu.memory_space<vmem>> -> memref<4096xi32, #tpu.memory_space<vmem>>
      tpu.wait_dma2 semaphore(%run_scoped3A : memref<!tpu.dma_semaphore, #tpu.memory_space<semaphore_mem>>) src(%dma_wait3A_57 : memref<4096xi32, #tpu.memory_space<vmem>>) dst(%dma_wait3A_55 : memref<4096xi32, #tpu.memory_space<hbm>>)
      tpu.yield
    }) : () -> ()
    return
  }
}

module attributes {stable_mosaic.version = 14 : i64} {
  func.func @_mask_body(%arg0: i32, %arg1: memref<1x1xf32, #tpu.memory_space<vmem>>, %arg2: memref<256x4096xf32, #tpu.memory_space<vmem>>, %arg3: memref<256x4096xf32, #tpu.memory_space<vmem>>) attributes {dimension_semantics = [#tpu.dimension_semantics<arbitrary>], iteration_bounds = array<i64: 16>, scalar_prefetch = 0 : i64, scratch_operands = 0 : i64, tpu.core_type = #tpu.core_type<tc>, window_params = [{pipeline_mode = #tpu.pipeline_mode<synchronous>, transform_indices = @transform_0, window_bounds = array<i64: 1, 1>}, {transform_indices = @transform_1, window_bounds = array<i64: 256, 4096>}, {transform_indices = @transform_2, window_bounds = array<i64: 256, 4096>}]} {
    %get3A = arith.constant 0 : index
    %get3A_0 = arith.constant 0 : index
    %get3A_1 = vector.load %arg2[%get3A, %get3A_0] : memref<256x4096xf32, #tpu.memory_space<vmem>>, vector<256x4096xf32>
    %mul3A = arith.mulf %get3A_1, %get3A_1 : vector<256x4096xf32>
    %get3A_2 = arith.constant 0 : index
    %get3A_3 = arith.constant 0 : index
    %get3A_4 = vector.load %arg1[%get3A_2, %get3A_3] : memref<1x1xf32, #tpu.memory_space<vmem>>, vector<1x1xf32>
    %get3A_5 = vector.extract %get3A_4[0, 0] : f32 from vector<1x1xf32>
    %sub3A = vector.broadcast %get3A_5 : f32 to vector<256x4096xf32>
    %sub3A_6 = arith.subf %mul3A, %sub3A : vector<256x4096xf32>
    %mul3A_7 = arith.constant 5.000000e+04 : f32
    %mul3A_8 = vector.broadcast %mul3A_7 : f32 to vector<256x4096xf32>
    %mul3A_9 = arith.mulf %sub3A_6, %mul3A_8 : vector<256x4096xf32>
    %tanh3A = math.tanh %mul3A_9 : vector<256x4096xf32>
    %add3A = arith.constant 1.000000e+00 : f32
    %add3A_10 = vector.broadcast %add3A : f32 to vector<256x4096xf32>
    %add3A_11 = arith.addf %add3A_10, %tanh3A : vector<256x4096xf32>
    %mul3A_12 = arith.constant 5.000000e-01 : f32
    %mul3A_13 = vector.broadcast %mul3A_12 : f32 to vector<256x4096xf32>
    %mul3A_14 = arith.mulf %mul3A_13, %add3A_11 : vector<256x4096xf32>
    %mul3A_15 = arith.mulf %get3A_1, %mul3A_14 : vector<256x4096xf32>
    %swap3A = arith.constant 0 : index
    %swap3A_16 = arith.constant 0 : index
    %swap3A_17 = vector.load %arg3[%swap3A, %swap3A_16] : memref<256x4096xf32, #tpu.memory_space<vmem>>, vector<256x4096xf32>
    tpu.vector_store %arg3[%swap3A, %swap3A_16], %mul3A_15 {strides = array<i32>} : memref<256x4096xf32, #tpu.memory_space<vmem>>, vector<256x4096xf32>,
    return
  }
  func.func @transform_0(%arg0: i32) -> (i32, i32) {
    %c0_i32 = arith.constant 0 : i32
    %c0_i32_0 = arith.constant 0 : i32
    %c0_i32_1 = arith.constant 0 : i32
    return %c0_i32, %c0_i32_0 : i32, i32
  }
  func.func @transform_1(%arg0: i32) -> (i32, i32) {
    %c0_i32 = arith.constant 0 : i32
    %c0_i32_0 = arith.constant 0 : i32
    return %arg0, %c0_i32 : i32, i32
  }
  func.func @transform_2(%arg0: i32) -> (i32, i32) {
    %c0_i32 = arith.constant 0 : i32
    %c0_i32_0 = arith.constant 0 : i32
    return %arg0, %c0_i32 : i32, i32
  }
}

</mosaic_0001>

<sc_bundles>
// kernel: branch_0_fun.4.cloned.1.call-start
scs
__scs_entry_jumppad:
0x0: {  	(pc) =	sbr.rel $0x88, $3  }
0x1: {  	(tag) =	ssettag $0x0;
	lr =	simm.s32 $0x1  }
0x2: {  	[smem:$0x3FA0] =	sst lr;
	_ =	strace $0xD0000000  }
0x3: {  	_ = 	snop  }
0x4: {  	_ = 	snop  }
0x5: {  	_ = 	snop  }
0x6: {  	_ = 	snop  }
0x7: {  	_ = 	snop  }
__scs_overlays_trampoline_lowered:
0x8: {  	[smem:$0x3FAF] =	sst s0  }
0x9: {  	[smem:$0x3FB0] =	sst s1  }
0xa: {  	[smem:$0x3FB1] =	sst s2  }
0xb: {  	[smem:$0x3FB2] =	sst s3  }
0xc: {  	[smem:$0x3FB3] =	sst s4  }
0xd: {  	[smem:$0x3FB4] =	sst s5  }
0xe: {  	[smem:$0x3FB5] =	sst s6  }
0xf: {  	[smem:$0x3FB6] =	sst s7  }
0x10: {  	[smem:$0x3FB7] =	sst s8  }
0x11: {  	[smem:$0x3FB8] =	sst s9;
	s0 =	simm.s32 @!p0 $0x0  }
0x12: {  	s1 =	sld [smem:$0x3F9E];
	s0 =	simm.s32 @p0 $0x1  }
0x13: {  	[smem:$0x3FB9] =	sst s0;
	s0 =	simm.s32 @!p1 $0x0  }
0x14: {  	s2 =	sld [smem:$0x3F9D];
	s0 =	simm.s32 @p1 $0x1  }
0x15: {  	[smem:$0x3FBA] =	sst s0;
	s0 =	simm.s32 @!p2 $0x0  }
0x16: {  	s3 =	sld [smem:$0x3FDB];
	s0 =	simm.s32 @p2 $0x1  }
0x17: {  	s4 =	simm.s32 $0x1BF5;
	[smem:$0x3FBC] =	sst s0  }
0x18: {  	s0 =	sld [smem:$0x3F9F];
	_ =	swait.ge [sflag:s4], $0x0  }
0x19: {  	s7 =	sld [smem:$0x3FA0]  }
0x1a: {  	s8 =	sadd.s32 $0xFFFFE003, lr  }
0x1b: {  	s9 =	sadd.s32 $0xFFFFFEF7, lr;
	s5 =	simm.s32 $0xFFFFFFFF;
	p2 =	slt.u32 s8, $0xFFFFF086  }
0x1c: {  	p1 =	slt.u32 s9, $0xF7A;
	s5 =	simm.s32 @!p2 $0x0  }
0x1d: {  	s5 =	simm.s32 @p1 $0x1;
	p0 =	seq.s32 s7, s2  }
0x1e: {  	s7 =	smul.u32 @!p0 $0xF7A, s2;
	p2 =	seq.s32 @!p0 s5, $0x0  }
0x1f: {  	s9 =	smul.u32 $0xF7A, s1;
	s8 =	simm.s32 @!p0 $0x1BF5;
	p2 =	por !p2, p0  }
0x20: {  	[sflag:s8] =	ssyncset.s32 @!p0 $0xFFFFF086;
	s6 =	sadd.s32 @!p0 s3, s7;
	s7 =	simm.s32 @!p0 $0x108  }
0x21: {  	s3 =	sadd.s32 s3, s9;
	s6 =	sadd.s32 @!p0 $0x88, s6;
	s7 =	simm.s32 @p2 $0x1082  }
0x22: {  	[simem:s7], [sflag:s8] =	dma.local @!p0 [hbm:s6], $0xF7A  }
0x23: {  	s9 =	sor.u32 $0xD0000000, s2;
	s6 =	simm.s32 $0x108;
	_ =	swait.ge @!p0 [sflag:s8], $0x0  }
0x24: {  	s3 =	sadd.s32 $0x88, s3;
	s6 =	simm.s32 @!p1 $0x1082;
	[sflag:s4] =	ssyncset.s32 $0xFFFFF086  }
0x25: {  	[simem:s6], [sflag:s4] =	dma.local [hbm:s3], $0xF7A  }
0x26: {  	[smem:$0x3FA0] =	sst s1;
	(tag) =	ssettag s2;
	_ =	strace s9  }
0x27: {  	s1 =	sld [smem:$0x3FB0]  }
0x28: {  	s2 =	sld [smem:$0x3FB1]  }
0x29: {  	s4 =	sld [smem:$0x3FB3]  }
0x2a: {  	p0 =	seq.s32 s5, $0x0;
	s5 =	sld [smem:$0x3FB4]  }
0x2b: {  	s6 =	sld [smem:$0x3FB5]  }
0x2c: {  	s7 =	sld [smem:$0x3FB6]  }
0x2d: {  	s3 =	simm.s32 $0x108;
	s8 =	sld [smem:$0x3FB7]  }
0x2e: {  	s3 =	simm.s32 @!p0 $0x1082;
	s9 =	sld [smem:$0x3FB8]  }
0x2f: {  	lr =	sadd.s32 s0, s3;
	s0 =	sld [smem:$0x3FAF]  }
0x30: {  	s3 =	sld [smem:$0x3FB2]  }
0x31: {  	[smem:$0x3FBB] =	sst s10  }
0x32: {  	s10 =	sld [smem:$0x3FB9];
	_ =	sdelay $0x3  }
0x33: {  	p0 =	seq.s32 s10, $0x1;
	s10 =	sld [smem:$0x3FBB];
	_ =	sdelay $0x3  }
0x34: {  	[smem:$0x3FBB] =	sst s10  }
0x35: {  	s10 =	sld [smem:$0x3FBA];
	_ =	sdelay $0x3  }
0x36: {  	p1 =	seq.s32 s10, $0x1;
	s10 =	sld [smem:$0x3FBB];
	_ =	sdelay $0x3  }
0x37: {  	[smem:$0x3FBB] =	sst s10  }
0x38: {  	s10 =	sld [smem:$0x3FBC]  }
0x39: {  	_ = 	snop;
	(pc) =	sbr.ind lr, $3  }
0x3a: {  	_ = 	snop  }
0x3b: {  	_ = 	snop  }
0x3c: {  	p2 =	seq.s32 s10, $0x1;
	s10 =	sld [smem:$0x3FBB]  }
0x3d: {  	_ =	shalt  }
0x3e: {  	_ =	shalt  }
0x3f: {  	_ =	shalt  }
0x40: {  	_ =	shalt  }
0x41: {  	_ =	shalt  }
0x42: {  	_ =	shalt  }
0x43: {  	_ =	shalt  }
0x44: {  	_ =	shalt  }
0x45: {  	_ =	shalt  }
0x46: {  	_ =	shalt  }
0x47: {  	_ =	shalt  }
0x48: {  	_ =	shalt  }
0x49: {  	_ =	shalt  }
0x4a: {  	_ =	shalt  }
0x4b: {  	_ =	shalt  }
0x4c: {  	_ =	shalt  }
0x4d: {  	_ =	shalt  }
0x4e: {  	_ =	shalt  }
0x4f: {  	_ =	shalt  }
0x50: {  	_ =	shalt  }
0x51: {  	_ =	shalt  }
0x52: {  	_ =	shalt  }
0x53: {  	_ =	shalt  }
0x54: {  	_ =	shalt  }
0x55: {  	_ =	shalt  }
0x56: {  	_ =	shalt  }
0x57: {  	_ =	shalt  }
0x58: {  	_ =	shalt  }
0x59: {  	_ =	shalt  }
0x5a: {  	_ =	shalt  }
0x5b: {  	_ =	shalt  }
0x5c: {  	_ =	shalt  }
0x5d: {  	_ =	shalt  }
0x5e: {  	_ =	shalt  }
0x5f: {  	_ =	shalt  }
0x60: {  	_ =	shalt  }
0x61: {  	_ =	shalt  }
0x62: {  	_ =	shalt  }
0x63: {  	_ =	shalt  }
0x64: {  	_ =	shalt  }
0x65: {  	_ =	shalt  }
0x66: {  	_ =	shalt  }
0x67: {  	_ =	shalt  }
0x68: {  	_ =	shalt  }
0x69: {  	_ =	shalt  }
0x6a: {  	_ =	shalt  }
0x6b: {  	_ =	shalt  }
0x6c: {  	_ =	shalt  }
0x6d: {  	_ =	shalt  }
0x6e: {  	_ =	shalt  }
0x6f: {  	_ =	shalt  }
0x70: {  	_ =	shalt  }
0x71: {  	_ =	shalt  }
0x72: {  	_ =	shalt  }
0x73: {  	_ =	shalt  }
0x74: {  	_ =	shalt  }
0x75: {  	_ =	shalt  }
0x76: {  	_ =	shalt  }
0x77: {  	_ =	shalt  }
0x78: {  	_ =	shalt  }
0x79: {  	_ =	shalt  }
0x7a: {  	_ =	shalt  }
0x7b: {  	_ =	shalt  }
0x7c: {  	_ =	shalt  }
0x7d: {  	_ =	shalt  }
0x7e: {  	_ =	shalt  }
0x7f: {  	_ =	shalt  }
0x80: {  	_ =	shalt  }
0x81: {  	_ =	shalt  }
0x82: {  	_ =	shalt  }
0x83: {  	_ =	shalt  }
0x84: {  	_ =	shalt  }
0x85: {  	_ =	shalt  }
0x86: {  	_ =	shalt  }
0x87: {  	_ =	shalt  }
.Lfunc_end0:
.L_simem_size_0:
called_computation_lowered:
.L_overlay_start_0:
0x88: {  	s2 =	sld [smem:$0x3FD9]  }
0x89: {  	s3 =	sld [smem:$0x3FFE];
	_ =	sdelay $0x1  }
0x8a: {  	s1 =	srdreg.scid  }
0x8b: {  	s0 =	sand.u32 $0x1, s1  }
0x8c: {  	s17 =	sshll.u32 s0, $0xA;
	s2 =	sadd.s32 s3, s2  }
0x8d: {  	s2 =	sadd.s32 s2, s17  }
0x8e: {  	[smem:$0x3FC7] =	sst s2  }
0x8f: {  	_ = 	snop  }
0x90: {  	s2 =	sld [smem:$0x3FD0];
	(tm) =	ssettm $0x1  }
0x91: {  	s18 =	sld [smem:$0x3FFB];
	_ =	sdelay $0x3  }
0x92: {  	_ =	strace s18  }
0x93: {  	s3 =	sld [smem:$0x3FFC];
	_ =	sdelay $0x3  }
0x94: {  	_ =	strace s3  }
0x95: {  	s3 =	sld [smem:$0x3FFD];
	_ =	sdelay $0x3  }
0x96: {  	_ =	strace s3  }
0x97: {  	_ =	strace $0x8FFFFFFF  }
0x98: {  	s19 =	sld [smem:$0x3FDB];
	_ =	sdelay $0x1  }
0x99: {  	s4 =	simm.s32 $_scs_section_size  }
0x9a: {  	s5 =	simm.s32 $_size__tile_overlayer_lowered;
	s6 =	simm.s32 $_tile_overlayer_lowered  }
0x9b: {  	s22 =	simm.s32 $0x1BFF;
	s21 =	sshll.u32 s6, $0x1;
	s3 =	sadd.s32 s4, s19  }
0x9c: {  	s7 =	simm.s32 $0x0;
	s20 =	sshll.u32 s5, $0x1;
	s5 =	sadd.s32 s21, s3  }
0x9d: {  	[timem:s7], [sflag:s22] =	dma.local [hbm:s5], s20  }
0x9e: {  	_ =	swait.ge [sflag:s22], s20  }
0x9f: {  	s4 =	ssub.s32 $0x0, s20;
	[sflag:s22] =	ssyncset.done $0x0  }
0xa0: {  	[sflag:s22] =	ssyncadd.s32 s4;
	_ =	sdelay $0x1  }
0xa1: {  	s23 =	simm.s32 $0x1B8B  }
0xa2: {  	_ =	swait.ge [sflag:s23], $0x1  }
0xa3: {  	[sflag:s23] =	ssyncset.done $0x0  }
0xa4: {  	s25 =	simm.s32 $0x1B8E;
	s24 =	sld [smem:$0x3FFE];
	[sflag:s23] =	ssyncadd.s32 $0xFFFFFFFF  }
0xa5: {  	s26 =	simm.s32 $execute0_lowered;
	[smem:$0x3FD2] =	sst s25  }
0xa6: {  	s5 =	sshll.u32 s26, $0x1;
	_ =	strace $0x80000046;
	[dreg:$0x1] =	wrdreg $0xFFFFFFFF  }
0xa7: {  	s28 =	simm.s32 $_size_execute0_lowered;
	s3 =	sadd.s32 s3, s5;
	[dreg:$0x0] =	wrdreg $0x0  }
0xa8: {  	s5 =	sshll.u32 s28, $0x1;
	[dreg:$0x2] =	wrdreg s3  }
0xa9: {  	[dreg:$0x3] =	wrdreg s5  }
0xaa: {  	[dreg:$0x4] =	wrdreg $0xC0  }
0xab: {  	_ =	task [dreg:s7], $0x5FFFF  }
0xac: {  	[dreg:$0x1] =	wrdreg $0xFFFFFFFF  }
0xad: {  	[dreg:$0x0] =	wrdreg $0x60  }
0xae: {  	[dreg:$0x2] =	wrdreg s2  }
0xaf: {  	[dreg:$0x3] =	wrdreg s24  }
0xb0: {  	[dreg:$0x4] =	wrdreg $0x9  }
0xb1: {  	_ =	task.clear_ibuf [dreg:s7], $0x5FFFF;
	_ =	strace $0x90000046  }
0xb2: {  	s29 =	simm.s32 $0x9;
	_ =	strace $0x80000048  }
0xb3: {  	_ =	swait.ge [sflag:s29], $0x1  }
0xb4: {  	[sflag:s29] =	ssyncadd.s32 $0xFFFFFFFF  }
0xb5: {  	_ =	strace $0x90000048  }
0xb6: {  	_ =	sfence  }
0xb7: {  	s30 =	sld [smem:$0x0];
	_ =	sdelay $0x2  }
0xb8: {  	s31 =	sshll.u32 s1, $0xD;
	s1 =	sshrl.u32 s1, $0x2  }
0xb9: {  	s3 =	sand.u32 $0x4000, s31;
	s1 =	sadd.s32 s1, s30  }
0xba: {  	s0 =	sor.u32 s3, s0;
	s1 =	sshll.u32 s1, $0x11  }
0xbb: {  	s0 =	sor.u32 s1, s0  }
0xbc: {  	s0 =	sadd.s32 $0x8F2B, s0  }
0xbd: {  	[sflag:s0] =	ssyncadd.remote.s32 $0x1  }
0xbe: {  	_ =	sfence.sel $0xFFFF  }
0xbf: {  	[dreg:$0x0] =	wrdreg $0xFFFFFFFF;
	(pc) =	sbr.abs _section_cstart, $3  }
0xc0: {  	[dreg:$0x1] =	wrdreg $0xFFFFFFFF  }
0xc1: {  	_ =	task.clear_ibuf [dreg:s7], $0x2FFFF;
	_ =	strace $0x9FFFFFFF  }
0xc2: {  	(tm) =	ssettm $0x7FFFFFFF  }
0xc3: {  	_ =	shalt  }
tec
execute0_lowered:
.L_overlay_start_1:
0x0: {  	(tag) =	ssettag $0x1  }
0x1: {  	s1 =	rddreg [dreg:$0x0]  }
0x2: {  	s4 =	rddreg [dreg:$0x1]  }
0x3: {  	s0 =	rddreg [dreg:$0x2];
	s3 =	simm.s32 $0x0  }
0x4: {  	s2 =	stileid.u32;
	s5 =	srdreg.scid;
	s10 =	simm.s32 $0x400  }
0x5: {  	s11 =	simm.s32 $0x2000;
	s12 =	simm.s32 $0x1;
	s13 =	simm.s32 $0x4000  }
0x6: {  	s14 =	simm.s32 $0x2;
	s15 =	simm.s32 $0x80;
	s16 =	simm.s32 $0x3  }
0x7: {  	s17 =	simm.s32 $0x0;
	[smem:$0x7FF] =	sst s3;
	s6 =	sshll.u32 s2, $0xA  }
0x8: {  	s5 =	sand.u32 $0x1, s5;
	s7 =	sshll.u32 s2, $0x1;
	_ =	strace $0x80000047  }
0x9: {  	s6 =	sand.u32 $0x3000, s6;
	s7 =	sor.u32 s5, s7;
	s5 =	ssub.s32 $0x2, s5  }
0xa: {  	s6 =	sadd.s32 s6, s4;
	s8 =	sshll.u32 s7, $0x4;
	s9 =	sshrl.u32 s5, $0x1  }
0xb: {  	s4 =	sshll.u32 s7, $0x10;
	s30 =	sand.u32 $0x70, s8;
	s31 =	ssub.s32 s5, s9  }
0xc: {  	v1 =	vlaneseq.u32;
	s5 =	sadd.s32 s1, s4;
	s9 =	simm.s32 $0x100;
	s7 =	sadd.s32 s30, s6  }
0xd: {  	v0 =	vimm.s32 $0x0;
	v2 =	vimm.s32 $0x1;
	v1 =	vmul.u32 $0x1000, v1;
	s6 =	sadd.s32 $0x20, s5;
	s8 =	smax.u32 s31, $0x1;
	s7 =	sadd.s32 $0x200, s7  }
.LBB2_1:
0xe: {  	s18 =	simm.s32 $0x4040  }
0xf: {  	[tilespmem:s18+$0xFFFFFFC0] =	vst v0  }
0x10: {  	[tilespmem:s18+$0x30] =	vst v0  }
0x11: {  	[tilespmem:s18+$0x20] =	vst v0  }
0x12: {  	[tilespmem:s18+$0x10] =	vst v0  }
0x13: {  	[tilespmem:s18+$0x0] =	vst v0  }
0x14: {  	[tilespmem:s18+$0xFFFFFFF0] =	vst v0  }
0x15: {  	s19 =	simm.s32 $0x0;
	[tilespmem:s18+$0xFFFFFFE0] =	vst v0  }
.LBB2_2:
0x16: {  	s19 =	sadd.s32 $0x80, s19;
	[tilespmem:s18+$0xFFFFFFD0] =	vst v0;
	s18 =	sadd.s32 $0x80, s18  }
0x17: {  	[tilespmem:s18+$0xFFFFFFC0] =	vst v0;
	p0 =	slt.u32 s19, $0xFF80  }
0x18: {  	[tilespmem:s18+$0x30] =	vst v0  }
.Ltmp0:
0x19: {  	[tilespmem:s18+$0x20] =	vst v0;
	(pc) =	sbr.rel @p0 .LBB2_2-.Ltmp0, $4  }
0x1a: {  	[tilespmem:s18+$0x10] =	vst v0  }
0x1b: {  	[tilespmem:s18+$0x0] =	vst v0  }
0x1c: {  	[tilespmem:s18+$0xFFFFFFF0] =	vst v0  }
0x1d: {  	[tilespmem:s18+$0xFFFFFFE0] =	vst v0  }
0x1e: {  	[tilespmem:s18+$0xFFFFFFD0] =	vst v0;
	s18 =	simm.s32 $0x0  }
0x1f: {  	[tilespmem:s18], [sflag:$0x1] =	stream.strided.gather [hbm4b:s5+s9], $0x2000, s10, s9, $0x38;
	[tilespmem:$0x14000] =	vst v63  }
.LBB2_4:
0x20: {  	s19 =	sshll.u32 s18, $0x6  }
0x21: {  	s20 =	sshll.u32 s18, $0xB;
	s19 =	sand.u32 $0x40, s19  }
0x22: {  	s20 =	sand.u32 $0xF000, s20;
	s19 =	sadd.s32 s19, s6  }
0x23: {  	s19 =	sadd.s32 s20, s19  }
0x24: {  	[tilespmem:s11], [sflag:$0x2] =	stream.strided.gather [hbm4b:s19+s9], $0x2000, s10, s9, $0x38;
	[tilespmem:$0x14000] =	vst v63  }
0x25: {  	_ =	swait.ge [sflag:s12], $0x2000  }
0x26: {  	[sflag:s12] =	ssyncset.done $0x0  }
0x27: {  	s31 =	simm.s32 $0x40;
	[sflag:s12] =	ssyncadd.s32 $0xFFFFE000  }
0x28: {  	v3 =	vld [tilespmem:s31+$0x30]  }
0x29: {  	v4 =	vld [tilespmem:s31+$0xFFFFFFD0]  }
0x2a: {  	v5 =	vld [tilespmem:s31+$0xFFFFFFE0]  }
0x2b: {  	v6 =	vld [tilespmem:s31+$0xFFFFFFF0];
	_ =	sdelay $0x1  }
0x2c: {  	v7 =	vld [tilespmem:s31+$0x0];
	v3 =	vshrl.u32 v3, $0x13  }
0x2d: {  	v8 =	vld [tilespmem:s31+$0x10];
	v4 =	vshrl.u32 v4, $0x13;
	v3 =	vand.u32 $0xFFF, v3  }
0x2e: {  	v11 =	vld [tilespmem:s31+$0xFFFFFFC0];
	v5 =	vshrl.u32 v5, $0x13;
	v4 =	vand.u32 $0xFFF, v4;
	v10 =	vor.u32 v1, v3  }
0x2f: {  	v9 =	vld [tilespmem:s31+$0x20];
	v4 =	vor.u32 v1, v4;
	v3 =	vand.u32 $0xFFF, v5;
	v5 =	vshrl.u32 v6, $0x13  }
0x30: {  	v6 =	vor.u32 v1, v3;
	v3 =	vand.u32 $0xFFF, v5  }
0x31: {  	v5 =	vshrl.u32 v7, $0x13;
	v7 =	vor.u32 v1, v3;
	_ =	sdelay $0x1  }
0x32: {  	v63 =	vshrl.u32 v11, $0x13;
	v3 =	vand.u32 $0xFFF, v5;
	v5 =	vshrl.u32 v8, $0x13;
	[tilespmem:v10+s13+$0x0] =	vst.idx.add.s32.msk $0xffff, v2  }
0x33: {  	v8 =	vshrl.u32 v9, $0x13;
	v3 =	vor.u32 v1, v3;
	v5 =	vand.u32 $0xFFF, v5;
	[tilespmem:v4+s13+$0x0] =	vst.idx.add.s32.msk $0xffff, v2  }
0x34: {  	v4 =	vor.u32 v1, v5;
	v5 =	vand.u32 $0xFFF, v8;
	v8 =	vand.u32 $0xFFF, v63;
	[tilespmem:v6+s13+$0x0] =	vst.idx.add.s32.msk $0xffff, v2  }
0x35: {  	s21 =	simm.s32 $0x140;
	s20 =	simm.s32 $0x0;
	s19 =	simm.s32 $0xF0;
	v5 =	vor.u32 v1, v5;
	v6 =	vor.u32 v1, v8;
	[tilespmem:v7+s13+$0x0] =	vst.idx.add.s32.msk $0xffff, v2  }
.LBB2_5:
0x36: {  	v7 =	vld [tilespmem:s21+$0x30];
	s20 =	sadd.s32 $0x80, s20  }
0x37: {  	v8 =	vld [tilespmem:s21+$0xFFFFFFD0];
	p0 =	slt.u32 s20, $0xF80  }
0x38: {  	v9 =	vld [tilespmem:s21+$0xFFFFFFE0]  }
0x39: {  	v10 =	vld [tilespmem:s21+$0xFFFFFFF0]  }
0x3a: {  	v11 =	vld [tilespmem:s21+$0x0]  }
0x3b: {  	v12 =	vld [tilespmem:s21+$0x10];
	v7 =	vshrl.u32 v7, $0x13  }
0x3c: {  	v8 =	vshrl.u32 v8, $0x13;
	v13 =	vld [tilespmem:s21+$0x20];
	v7 =	vand.u32 $0xFFF, v7  }
0x3d: {  	v14 =	vld [tilespmem:s21+$0xFFFFFFC0];
	v8 =	vand.u32 $0xFFF, v8;
	v9 =	vshrl.u32 v9, $0x13;
	v7 =	vor.u32 v1, v7  }
0x3e: {  	v8 =	vor.u32 v1, v8;
	v9 =	vand.u32 $0xFFF, v9;
	v10 =	vshrl.u32 v10, $0x13;
	[tilespmem:v6+s13+$0x0] =	vst.idx.add.s32.msk $0xffff, v2  }
0x3f: {  	v9 =	vor.u32 v1, v9;
	v6 =	vand.u32 $0xFFF, v10;
	v10 =	vshrl.u32 v11, $0x13;
	[tilespmem:v3+s13+$0x0] =	vst.idx.add.s32.msk $0xffff, v2  }
0x40: {  	v11 =	vor.u32 v1, v6;
	v3 =	vand.u32 $0xFFF, v10;
	v6 =	vshrl.u32 v12, $0x13;
	[tilespmem:v4+s13+$0x0] =	vst.idx.add.s32.msk $0xffff, v2  }
.Ltmp1:
0x41: {  	v3 =	vor.u32 v1, v3;
	v4 =	vand.u32 $0xFFF, v6;
	v6 =	vshrl.u32 v13, $0x13;
	[tilespmem:v5+s13+$0x0] =	vst.idx.add.s32.msk $0xffff, v2;
	(pc) =	sbr.rel @p0 .LBB2_5-.Ltmp1, $4  }
0x42: {  	v5 =	vshrl.u32 v14, $0x13;
	v4 =	vor.u32 v1, v4;
	v6 =	vand.u32 $0xFFF, v6;
	[tilespmem:v7+s13+$0x0] =	vst.idx.add.s32.msk $0xffff, v2  }
0x43: {  	v7 =	vand.u32 $0xFFF, v5;
	[tilespmem:v8+s13+$0x0] =	vst.idx.add.s32.msk $0xffff, v2;
	v5 =	vor.u32 v1, v6  }
0x44: {  	v6 =	vor.u32 v1, v7;
	[tilespmem:v9+s13+$0x0] =	vst.idx.add.s32.msk $0xffff, v2  }
0x45: {  	s21 =	sadd.s32 $0x100, s21;
	[tilespmem:v11+s13+$0x0] =	vst.idx.add.s32.msk $0xffff, v2  }
0x46: {  	_ =	sdelay $0x3  }
0x47: {  	[tilespmem:v6+s13+$0x0] =	vst.idx.add.s32.msk $0xffff, v2  }
0x48: {  	[tilespmem:v3+s13+$0x0] =	vst.idx.add.s32.msk $0xffff, v2  }
0x49: {  	[tilespmem:v4+s13+$0x0] =	vst.idx.add.s32.msk $0xffff, v2  }
0x4a: {  	[tilespmem:v5+s13+$0x0] =	vst.idx.add.s32.msk $0xffff, v2  }
0x4b: {  	v3 =	vld [tilespmem:s19+$0x0]  }
0x4c: {  	v4 =	vld [tilespmem:s19+$0xFFFFFFA0]  }
0x4d: {  	v5 =	vld [tilespmem:s19+$0xFFFFFFB0]  }
0x4e: {  	v6 =	vld [tilespmem:s19+$0xFFFFFFC0];
	_ =	sdelay $0x1  }
0x4f: {  	v7 =	vld [tilespmem:s19+$0xFFFFFFD0];
	v3 =	vshrl.u32 v3, $0x13  }
0x50: {  	v8 =	vld [tilespmem:s19+$0xFFFFFFE0];
	v4 =	vshrl.u32 v4, $0x13;
	v3 =	vand.u32 $0xFFF, v3  }
0x51: {  	v11 =	vld [tilespmem:s19+$0xFFFFFF90];
	v5 =	vshrl.u32 v5, $0x13;
	v4 =	vand.u32 $0xFFF, v4;
	v10 =	vor.u32 v1, v3  }
0x52: {  	v9 =	vld [tilespmem:s19+$0xFFFFFFF0];
	v4 =	vor.u32 v1, v4;
	v3 =	vand.u32 $0xFFF, v5;
	v5 =	vshrl.u32 v6, $0x13  }
0x53: {  	v6 =	vor.u32 v1, v3;
	v3 =	vand.u32 $0xFFF, v5  }
0x54: {  	v5 =	vshrl.u32 v7, $0x13;
	v7 =	vor.u32 v1, v3;
	_ =	sdelay $0x1  }
0x55: {  	v63 =	vshrl.u32 v11, $0x13;
	v3 =	vand.u32 $0xFFF, v5;
	v5 =	vshrl.u32 v8, $0x13;
	[tilespmem:v10+s13+$0x0] =	vst.idx.add.s32.msk $0xffff, v2  }
0x56: {  	v8 =	vshrl.u32 v9, $0x13;
	v3 =	vor.u32 v1, v3;
	v5 =	vand.u32 $0xFFF, v5;
	[tilespmem:v4+s13+$0x0] =	vst.idx.add.s32.msk $0xffff, v2  }
0x57: {  	v4 =	vor.u32 v1, v5;
	v5 =	vand.u32 $0xFFF, v8;
	v8 =	vand.u32 $0xFFF, v63;
	[tilespmem:v6+s13+$0x0] =	vst.idx.add.s32.msk $0xffff, v2  }
0x58: {  	s20 =	simm.s32 $0x1F0;
	s19 =	simm.s32 $0x0;
	v5 =	vor.u32 v1, v5;
	v6 =	vor.u32 v1, v8;
	[tilespmem:v7+s13+$0x0] =	vst.idx.add.s32.msk $0xffff, v2  }
.LBB2_7:
0x59: {  	v7 =	vld [tilespmem:s20+$0x0];
	s19 =	sadd.s32 $0x80, s19  }
0x5a: {  	v8 =	vld [tilespmem:s20+$0xFFFFFFA0];
	p0 =	slt.u32 s19, $0xF80  }
0x5b: {  	v9 =	vld [tilespmem:s20+$0xFFFFFFB0]  }
0x5c: {  	v10 =	vld [tilespmem:s20+$0xFFFFFFC0]  }
0x5d: {  	v11 =	vld [tilespmem:s20+$0xFFFFFFD0]  }
0x5e: {  	v12 =	vld [tilespmem:s20+$0xFFFFFFE0];
	v7 =	vshrl.u32 v7, $0x13  }
0x5f: {  	v8 =	vshrl.u32 v8, $0x13;
	v13 =	vld [tilespmem:s20+$0xFFFFFFF0];
	v7 =	vand.u32 $0xFFF, v7  }
0x60: {  	v14 =	vld [tilespmem:s20+$0xFFFFFF90];
	v8 =	vand.u32 $0xFFF, v8;
	v9 =	vshrl.u32 v9, $0x13;
	v7 =	vor.u32 v1, v7  }
0x61: {  	v8 =	vor.u32 v1, v8;
	v9 =	vand.u32 $0xFFF, v9;
	v10 =	vshrl.u32 v10, $0x13;
	[tilespmem:v6+s13+$0x0] =	vst.idx.add.s32.msk $0xffff, v2  }
0x62: {  	v9 =	vor.u32 v1, v9;
	v6 =	vand.u32 $0xFFF, v10;
	v10 =	vshrl.u32 v11, $0x13;
	[tilespmem:v3+s13+$0x0] =	vst.idx.add.s32.msk $0xffff, v2  }
0x63: {  	v11 =	vor.u32 v1, v6;
	v3 =	vand.u32 $0xFFF, v10;
	v6 =	vshrl.u32 v12, $0x13;
	[tilespmem:v4+s13+$0x0] =	vst.idx.add.s32.msk $0xffff, v2  }
.Ltmp2:
0x64: {  	v3 =	vor.u32 v1, v3;
	v4 =	vand.u32 $0xFFF, v6;
	v6 =	vshrl.u32 v13, $0x13;
	[tilespmem:v5+s13+$0x0] =	vst.idx.add.s32.msk $0xffff, v2;
	(pc) =	sbr.rel @p0 .LBB2_7-.Ltmp2, $4  }
0x65: {  	v5 =	vshrl.u32 v14, $0x13;
	v4 =	vor.u32 v1, v4;
	v6 =	vand.u32 $0xFFF, v6;
	[tilespmem:v7+s13+$0x0] =	vst.idx.add.s32.msk $0xffff, v2  }
0x66: {  	v7 =	vand.u32 $0xFFF, v5;
	[tilespmem:v8+s13+$0x0] =	vst.idx.add.s32.msk $0xffff, v2;
	v5 =	vor.u32 v1, v6  }
0x67: {  	v6 =	vor.u32 v1, v7;
	[tilespmem:v9+s13+$0x0] =	vst.idx.add.s32.msk $0xffff, v2  }
0x68: {  	s20 =	sadd.s32 $0x100, s20;
	[tilespmem:v11+s13+$0x0] =	vst.idx.add.s32.msk $0xffff, v2  }
0x69: {  	_ = 	snop  }
0x6a: {  	s19 =	sshll.u32 s18, $0x1  }
0x6b: {  	s19 =	smin.u32 s19, $0x3C  }
0x6c: {  	s19 =	sadd.s32 $0x2, s19  }
0x6d: {  	[tilespmem:v6+s13+$0x0] =	vst.idx.add.s32.msk $0xffff, v2;
	s20 =	sshll.u32 s19, $0xA;
	s19 =	sshll.u32 s19, $0x5  }
0x6e: {  	[tilespmem:v3+s13+$0x0] =	vst.idx.add.s32.msk $0xffff, v2;
	s20 =	sadd.s32 s4, s20;
	s19 =	sand.u32 $0x40, s19  }
0x6f: {  	[tilespmem:v4+s13+$0x0] =	vst.idx.add.s32.msk $0xffff, v2;
	s20 =	sand.u32 $0x3FF000, s20;
	s19 =	sadd.s32 s1, s19  }
0x70: {  	[tilespmem:v5+s13+$0x0] =	vst.idx.add.s32.msk $0xffff, v2;
	s19 =	sadd.s32 s20, s19  }
0x71: {  	[tilespmem:s3], [sflag:$0x1] =	stream.strided.gather [hbm4b:s19+s9], $0x2000, s10, s9, $0x38;
	[tilespmem:$0x14000] =	vst v63  }
0x72: {  	_ =	swait.ge [sflag:s14], $0x2000  }
0x73: {  	[sflag:s14] =	ssyncset.done $0x0  }
0x74: {  	s31 =	simm.s32 $0x2040;
	[sflag:s14] =	ssyncadd.s32 $0xFFFFE000  }
0x75: {  	v3 =	vld [tilespmem:s31+$0x30]  }
0x76: {  	v4 =	vld [tilespmem:s31+$0xFFFFFFD0]  }
0x77: {  	v5 =	vld [tilespmem:s31+$0xFFFFFFE0]  }
0x78: {  	v6 =	vld [tilespmem:s31+$0xFFFFFFF0];
	_ =	sdelay $0x1  }
0x79: {  	v7 =	vld [tilespmem:s31+$0x0];
	v3 =	vshrl.u32 v3, $0x13  }
0x7a: {  	v8 =	vld [tilespmem:s31+$0x10];
	v4 =	vshrl.u32 v4, $0x13;
	v3 =	vand.u32 $0xFFF, v3  }
0x7b: {  	v11 =	vld [tilespmem:s31+$0xFFFFFFC0];
	v5 =	vshrl.u32 v5, $0x13;
	v4 =	vand.u32 $0xFFF, v4;
	v10 =	vor.u32 v1, v3  }
0x7c: {  	v9 =	vld [tilespmem:s31+$0x20];
	v4 =	vor.u32 v1, v4;
	v3 =	vand.u32 $0xFFF, v5;
	v5 =	vshrl.u32 v6, $0x13  }
0x7d: {  	v6 =	vor.u32 v1, v3;
	v3 =	vand.u32 $0xFFF, v5  }
0x7e: {  	v5 =	vshrl.u32 v7, $0x13;
	v7 =	vor.u32 v1, v3;
	_ =	sdelay $0x1  }
0x7f: {  	v63 =	vshrl.u32 v11, $0x13;
	v3 =	vand.u32 $0xFFF, v5;
	v5 =	vshrl.u32 v8, $0x13;
	[tilespmem:v10+s13+$0x0] =	vst.idx.add.s32.msk $0xffff, v2  }
0x80: {  	v8 =	vshrl.u32 v9, $0x13;
	v3 =	vor.u32 v1, v3;
	v5 =	vand.u32 $0xFFF, v5;
	[tilespmem:v4+s13+$0x0] =	vst.idx.add.s32.msk $0xffff, v2  }
0x81: {  	v4 =	vor.u32 v1, v5;
	v5 =	vand.u32 $0xFFF, v8;
	v8 =	vand.u32 $0xFFF, v63;
	[tilespmem:v6+s13+$0x0] =	vst.idx.add.s32.msk $0xffff, v2  }
0x82: {  	s21 =	simm.s32 $0x2140;
	s20 =	simm.s32 $0x0;
	s19 =	simm.s32 $0x20F0;
	v5 =	vor.u32 v1, v5;
	v6 =	vor.u32 v1, v8;
	[tilespmem:v7+s13+$0x0] =	vst.idx.add.s32.msk $0xffff, v2  }
.LBB2_9:
0x83: {  	v7 =	vld [tilespmem:s21+$0x30];
	s20 =	sadd.s32 $0x80, s20  }
0x84: {  	v8 =	vld [tilespmem:s21+$0xFFFFFFD0];
	p0 =	slt.u32 s20, $0xF80  }
0x85: {  	v9 =	vld [tilespmem:s21+$0xFFFFFFE0]  }
0x86: {  	v10 =	vld [tilespmem:s21+$0xFFFFFFF0]  }
0x87: {  	v11 =	vld [tilespmem:s21+$0x0]  }
0x88: {  	v12 =	vld [tilespmem:s21+$0x10];
	v7 =	vshrl.u32 v7, $0x13  }
0x89: {  	v8 =	vshrl.u32 v8, $0x13;
	v13 =	vld [tilespmem:s21+$0x20];
	v7 =	vand.u32 $0xFFF, v7  }
0x8a: {  	v14 =	vld [tilespmem:s21+$0xFFFFFFC0];
	v8 =	vand.u32 $0xFFF, v8;
	v9 =	vshrl.u32 v9, $0x13;
	v7 =	vor.u32 v1, v7  }
0x8b: {  	v8 =	vor.u32 v1, v8;
	v9 =	vand.u32 $0xFFF, v9;
	v10 =	vshrl.u32 v10, $0x13;
	[tilespmem:v6+s13+$0x0] =	vst.idx.add.s32.msk $0xffff, v2  }
0x8c: {  	v9 =	vor.u32 v1, v9;
	v6 =	vand.u32 $0xFFF, v10;
	v10 =	vshrl.u32 v11, $0x13;
	[tilespmem:v3+s13+$0x0] =	vst.idx.add.s32.msk $0xffff, v2  }
0x8d: {  	v11 =	vor.u32 v1, v6;
	v3 =	vand.u32 $0xFFF, v10;
	v6 =	vshrl.u32 v12, $0x13;
	[tilespmem:v4+s13+$0x0] =	vst.idx.add.s32.msk $0xffff, v2  }
.Ltmp3:
0x8e: {  	v3 =	vor.u32 v1, v3;
	v4 =	vand.u32 $0xFFF, v6;
	v6 =	vshrl.u32 v13, $0x13;
	[tilespmem:v5+s13+$0x0] =	vst.idx.add.s32.msk $0xffff, v2;
	(pc) =	sbr.rel @p0 .LBB2_9-.Ltmp3, $4  }
0x8f: {  	v5 =	vshrl.u32 v14, $0x13;
	v4 =	vor.u32 v1, v4;
	v6 =	vand.u32 $0xFFF, v6;
	[tilespmem:v7+s13+$0x0] =	vst.idx.add.s32.msk $0xffff, v2  }
0x90: {  	v7 =	vand.u32 $0xFFF, v5;
	[tilespmem:v8+s13+$0x0] =	vst.idx.add.s32.msk $0xffff, v2;
	v5 =	vor.u32 v1, v6  }
0x91: {  	v6 =	vor.u32 v1, v7;
	[tilespmem:v9+s13+$0x0] =	vst.idx.add.s32.msk $0xffff, v2  }
0x92: {  	s21 =	sadd.s32 $0x100, s21;
	[tilespmem:v11+s13+$0x0] =	vst.idx.add.s32.msk $0xffff, v2  }
0x93: {  	_ =	sdelay $0x3  }
0x94: {  	[tilespmem:v6+s13+$0x0] =	vst.idx.add.s32.msk $0xffff, v2  }
0x95: {  	[tilespmem:v3+s13+$0x0] =	vst.idx.add.s32.msk $0xffff, v2  }
0x96: {  	[tilespmem:v4+s13+$0x0] =	vst.idx.add.s32.msk $0xffff, v2  }
0x97: {  	[tilespmem:v5+s13+$0x0] =	vst.idx.add.s32.msk $0xffff, v2  }
0x98: {  	v3 =	vld [tilespmem:s19+$0x0]  }
0x99: {  	v4 =	vld [tilespmem:s19+$0xFFFFFFA0]  }
0x9a: {  	v5 =	vld [tilespmem:s19+$0xFFFFFFB0]  }
0x9b: {  	v6 =	vld [tilespmem:s19+$0xFFFFFFC0];
	_ =	sdelay $0x1  }
0x9c: {  	v7 =	vld [tilespmem:s19+$0xFFFFFFD0];
	v3 =	vshrl.u32 v3, $0x13  }
0x9d: {  	v8 =	vld [tilespmem:s19+$0xFFFFFFE0];
	v4 =	vshrl.u32 v4, $0x13;
	v3 =	vand.u32 $0xFFF, v3  }
0x9e: {  	v11 =	vld [tilespmem:s19+$0xFFFFFF90];
	v5 =	vshrl.u32 v5, $0x13;
	v4 =	vand.u32 $0xFFF, v4;
	v10 =	vor.u32 v1, v3  }
0x9f: {  	v9 =	vld [tilespmem:s19+$0xFFFFFFF0];
	v4 =	vor.u32 v1, v4;
	v3 =	vand.u32 $0xFFF, v5;
	v5 =	vshrl.u32 v6, $0x13  }
0xa0: {  	v6 =	vor.u32 v1, v3;
	v3 =	vand.u32 $0xFFF, v5  }
0xa1: {  	v5 =	vshrl.u32 v7, $0x13;
	v7 =	vor.u32 v1, v3;
	_ =	sdelay $0x1  }
0xa2: {  	v63 =	vshrl.u32 v11, $0x13;
	v3 =	vand.u32 $0xFFF, v5;
	v5 =	vshrl.u32 v8, $0x13;
	[tilespmem:v10+s13+$0x0] =	vst.idx.add.s32.msk $0xffff, v2  }
0xa3: {  	v8 =	vshrl.u32 v9, $0x13;
	v3 =	vor.u32 v1, v3;
	v5 =	vand.u32 $0xFFF, v5;
	[tilespmem:v4+s13+$0x0] =	vst.idx.add.s32.msk $0xffff, v2  }
0xa4: {  	v4 =	vor.u32 v1, v5;
	v5 =	vand.u32 $0xFFF, v8;
	v8 =	vand.u32 $0xFFF, v63;
	[tilespmem:v6+s13+$0x0] =	vst.idx.add.s32.msk $0xffff, v2  }
0xa5: {  	s20 =	simm.s32 $0x21F0;
	s19 =	simm.s32 $0x0;
	v5 =	vor.u32 v1, v5;
	v6 =	vor.u32 v1, v8;
	[tilespmem:v7+s13+$0x0] =	vst.idx.add.s32.msk $0xffff, v2  }
.LBB2_11:
0xa6: {  	v7 =	vld [tilespmem:s20+$0x0];
	s19 =	sadd.s32 $0x80, s19  }
0xa7: {  	v8 =	vld [tilespmem:s20+$0xFFFFFFA0];
	p0 =	slt.u32 s19, $0xF80  }
0xa8: {  	v9 =	vld [tilespmem:s20+$0xFFFFFFB0]  }
0xa9: {  	v10 =	vld [tilespmem:s20+$0xFFFFFFC0]  }
0xaa: {  	v11 =	vld [tilespmem:s20+$0xFFFFFFD0]  }
0xab: {  	v12 =	vld [tilespmem:s20+$0xFFFFFFE0];
	v7 =	vshrl.u32 v7, $0x13  }
0xac: {  	v8 =	vshrl.u32 v8, $0x13;
	v13 =	vld [tilespmem:s20+$0xFFFFFFF0];
	v7 =	vand.u32 $0xFFF, v7  }
0xad: {  	v14 =	vld [tilespmem:s20+$0xFFFFFF90];
	v8 =	vand.u32 $0xFFF, v8;
	v9 =	vshrl.u32 v9, $0x13;
	v7 =	vor.u32 v1, v7  }
0xae: {  	v8 =	vor.u32 v1, v8;
	v9 =	vand.u32 $0xFFF, v9;
	v10 =	vshrl.u32 v10, $0x13;
	[tilespmem:v6+s13+$0x0] =	vst.idx.add.s32.msk $0xffff, v2  }
0xaf: {  	v9 =	vor.u32 v1, v9;
	v6 =	vand.u32 $0xFFF, v10;
	v10 =	vshrl.u32 v11, $0x13;
	[tilespmem:v3+s13+$0x0] =	vst.idx.add.s32.msk $0xffff, v2  }
0xb0: {  	v11 =	vor.u32 v1, v6;
	v3 =	vand.u32 $0xFFF, v10;
	v6 =	vshrl.u32 v12, $0x13;
	[tilespmem:v4+s13+$0x0] =	vst.idx.add.s32.msk $0xffff, v2  }
.Ltmp4:
0xb1: {  	v3 =	vor.u32 v1, v3;
	v4 =	vand.u32 $0xFFF, v6;
	v6 =	vshrl.u32 v13, $0x13;
	[tilespmem:v5+s13+$0x0] =	vst.idx.add.s32.msk $0xffff, v2;
	(pc) =	sbr.rel @p0 .LBB2_11-.Ltmp4, $4  }
0xb2: {  	v5 =	vshrl.u32 v14, $0x13;
	v4 =	vor.u32 v1, v4;
	v6 =	vand.u32 $0xFFF, v6;
	[tilespmem:v7+s13+$0x0] =	vst.idx.add.s32.msk $0xffff, v2  }
0xb3: {  	v7 =	vand.u32 $0xFFF, v5;
	[tilespmem:v8+s13+$0x0] =	vst.idx.add.s32.msk $0xffff, v2;
	v5 =	vor.u32 v1, v6  }
0xb4: {  	v6 =	vor.u32 v1, v7;
	[tilespmem:v9+s13+$0x0] =	vst.idx.add.s32.msk $0xffff, v2  }
0xb5: {  	s20 =	sadd.s32 $0x100, s20;
	[tilespmem:v11+s13+$0x0] =	vst.idx.add.s32.msk $0xffff, v2  }
0xb6: {  	_ = 	snop  }
0xb7: {  	s18 =	sadd.s32 $0x1, s18  }
0xb8: {  	p0 =	sne.s32 s18, $0x20  }
.Ltmp5:
0xb9: {  	_ = 	snop;
	(pc) =	sbr.rel @p0 .LBB2_4-.Ltmp5, $4  }
0xba: {  	[tilespmem:v6+s13+$0x0] =	vst.idx.add.s32.msk $0xffff, v2  }
0xbb: {  	[tilespmem:v3+s13+$0x0] =	vst.idx.add.s32.msk $0xffff, v2  }
0xbc: {  	[tilespmem:v4+s13+$0x0] =	vst.idx.add.s32.msk $0xffff, v2  }
0xbd: {  	[tilespmem:v5+s13+$0x0] =	vst.idx.add.s32.msk $0xffff, v2  }
0xbe: {  	_ =	swait.ge [sflag:s12], $0x2000  }
0xbf: {  	[sflag:s12] =	ssyncset.done $0x0  }
0xc0: {  	s18 =	simm.s32 $0x13030;
	s19 =	simm.s32 $0x0;
	[sflag:s12] =	ssyncadd.s32 $0xFFFFE000  }
0xc1: {  	s20 =	sand.u32 $0xFC0, s19;
	v3 =	vld [tilespmem:s18+$0xFFFF0FD0]  }
0xc2: {  	v4 =	vld [tilespmem:s20+$0x5000]  }
0xc3: {  	v5 =	vld [tilespmem:s20+$0x6000]  }
0xc4: {  	v6 =	vld [tilespmem:s20+$0x7000]  }
0xc5: {  	v7 =	vld [tilespmem:s20+$0x8000]  }
0xc6: {  	v8 =	vld [tilespmem:s20+$0x9000]  }
0xc7: {  	v9 =	vld [tilespmem:s20+$0xA000]  }
0xc8: {  	v10 =	vld [tilespmem:s20+$0xB000]  }
0xc9: {  	v11 =	vld [tilespmem:s20+$0xC000]  }
0xca: {  	v12 =	vld [tilespmem:s20+$0xD000]  }
0xcb: {  	v13 =	vld [tilespmem:s20+$0xE000]  }
0xcc: {  	v14 =	vld [tilespmem:s20+$0xF000]  }
0xcd: {  	v15 =	vld [tilespmem:s20+$0x10000]  }
0xce: {  	v16 =	vld [tilespmem:s20+$0x11000]  }
0xcf: {  	v17 =	vld [tilespmem:s20+$0x12000]  }
0xd0: {  	v18 =	vld [tilespmem:s20+$0x13000]  }
0xd1: {  	v19 =	vld [tilespmem:s18+$0xFFFF0FE0]  }
0xd2: {  	v20 =	vld [tilespmem:s18+$0xFFFF1FE0]  }
0xd3: {  	v21 =	vld [tilespmem:s18+$0xFFFF0FF0]  }
0xd4: {  	v22 =	vld [tilespmem:s18+$0xFFFF1FF0]  }
0xd5: {  	v23 =	vld [tilespmem:s18+$0xFFFF1000]  }
0xd6: {  	v24 =	vld [tilespmem:s18+$0xFFFF2000]  }
0xd7: {  	v25 =	vld [tilespmem:s18+$0xFFFF2FE0]  }
0xd8: {  	v26 =	vld [tilespmem:s18+$0xFFFF2FF0]  }
0xd9: {  	v27 =	vld [tilespmem:s18+$0xFFFF3000]  }
0xda: {  	v28 =	vld [tilespmem:s18+$0xFFFF3FE0]  }
0xdb: {  	v29 =	vld [tilespmem:s18+$0xFFFF3FF0]  }
0xdc: {  	v30 =	vld [tilespmem:s18+$0xFFFF4000]  }
0xdd: {  	v31 =	vld [tilespmem:s18+$0xFFFF4FE0]  }
0xde: {  	v32 =	vld [tilespmem:s18+$0xFFFF4FF0]  }
0xdf: {  	v33 =	vld [tilespmem:s18+$0xFFFF5000]  }
0xe0: {  	v34 =	vld [tilespmem:s18+$0xFFFF5FE0]  }
0xe1: {  	v35 =	vld [tilespmem:s18+$0xFFFF5FF0]  }
0xe2: {  	v36 =	vld [tilespmem:s18+$0xFFFF6000]  }
0xe3: {  	v37 =	vld [tilespmem:s18+$0xFFFF6FE0]  }
0xe4: {  	v49 =	vld [tilespmem:s18+$0xFFFF9FE0]  }
0xe5: {  	v50 =	vld [tilespmem:s18+$0xFFFF9FF0];
	v3 =	vadd.s32 v3, v4  }
0xe6: {  	v51 =	vld [tilespmem:s18+$0xFFFFA000];
	v3 =	vadd.s32 v5, v3  }
0xe7: {  	v52 =	vld [tilespmem:s18+$0xFFFFAFE0];
	v3 =	vadd.s32 v6, v3  }
0xe8: {  	v53 =	vld [tilespmem:s18+$0xFFFFAFF0];
	v3 =	vadd.s32 v7, v3  }
0xe9: {  	v54 =	vld [tilespmem:s18+$0xFFFFB000];
	v3 =	vadd.s32 v8, v3  }
0xea: {  	v38 =	vld [tilespmem:s18+$0xFFFFBFE0];
	v3 =	vadd.s32 v9, v3  }
0xeb: {  	v57 =	vld [tilespmem:s18+$0xFFFFBFF0];
	v3 =	vadd.s32 v10, v3  }
0xec: {  	v58 =	vld [tilespmem:s18+$0xFFFFC000];
	v3 =	vadd.s32 v11, v3  }
0xed: {  	v59 =	vld [tilespmem:s18+$0xFFFFCFE0];
	v3 =	vadd.s32 v12, v3  }
0xee: {  	v4 =	vld [tilespmem:s18+$0xFFFF6FF0];
	v3 =	vadd.s32 v13, v3  }
0xef: {  	v5 =	vld [tilespmem:s18+$0xFFFF7000];
	v3 =	vadd.s32 v14, v3  }
0xf0: {  	v6 =	vld [tilespmem:s18+$0xFFFF7FE0];
	v3 =	vadd.s32 v15, v3  }
0xf1: {  	v7 =	vld [tilespmem:s18+$0xFFFF7FF0];
	v3 =	vadd.s32 v16, v3  }
0xf2: {  	v55 =	vadd.s32 v21, v22;
	v8 =	vld [tilespmem:s18+$0xFFFF8000];
	v3 =	vadd.s32 v17, v3  }
0xf3: {  	v56 =	vadd.s32 v23, v24;
	v9 =	vld [tilespmem:s18+$0xFFFF8FE0];
	v18 =	vadd.s32 v18, v3;
	v3 =	vadd.s32 v19, v20  }
0xf4: {  	v10 =	vld [tilespmem:s18+$0xFFFF8FF0];
	v19 =	vadd.s32 v26, v55;
	v20 =	vadd.s32 v27, v56;
	v3 =	vadd.s32 v25, v3  }
0xf5: {  	v11 =	vld [tilespmem:s18+$0xFFFF9000];
	v19 =	vadd.s32 v29, v19;
	v20 =	vadd.s32 v30, v20;
	v3 =	vadd.s32 v28, v3  }
0xf6: {  	v60 =	vld [tilespmem:s18+$0xFFFFCFF0];
	v19 =	vadd.s32 v32, v19;
	v20 =	vadd.s32 v33, v20;
	v3 =	vadd.s32 v31, v3  }
0xf7: {  	v61 =	vld [tilespmem:s18+$0xFFFFD000];
	v19 =	vadd.s32 v35, v19;
	v20 =	vadd.s32 v36, v20;
	v3 =	vadd.s32 v34, v3  }
0xf8: {  	v62 =	vld [tilespmem:s18+$0xFFFFDFE0];
	v4 =	vadd.s32 v4, v19;
	v5 =	vadd.s32 v5, v20;
	v3 =	vadd.s32 v37, v3  }
0xf9: {  	v4 =	vadd.s32 v7, v4;
	v5 =	vadd.s32 v8, v5;
	v7 =	vld [tilespmem:s18+$0xFFFFDFF0];
	v3 =	vadd.s32 v6, v3  }
0xfa: {  	v4 =	vadd.s32 v10, v4;
	v5 =	vadd.s32 v11, v5;
	v3 =	vadd.s32 v9, v3;
	v9 =	vld [tilespmem:s18+$0xFFFFE000]  }
0xfb: {  	v6 =	vadd.s32 v50, v4;
	v5 =	vadd.s32 v51, v5;
	v4 =	vld [tilespmem:s18+$0xFFFFEFE0];
	v3 =	vadd.s32 v49, v3  }
0xfc: {  	v6 =	vadd.s32 v53, v6;
	v5 =	vadd.s32 v54, v5;
	v8 =	vadd.s32 v52, v3;
	v3 =	vld [tilespmem:s18+$0xFFFFEFF0]  }
0xfd: {  	v6 =	vadd.s32 v57, v6;
	v10 =	vadd.s32 v58, v5;
	v5 =	vld [tilespmem:s18+$0xFFFFF000];
	v8 =	vadd.s32 v38, v8  }
0xfe: {  	v11 =	vadd.s32 v60, v6;
	v63 =	vadd.s32 v61, v10;
	v6 =	vld [tilespmem:s18+$0xFFFFFFE0];
	v8 =	vadd.s32 v59, v8  }
0xff: {  	s20 =	simm.s32 $0x13030;
	[tilespmem:s18+$0xFFFF0FD0] =	vst v18;
	v10 =	vadd.s32 v62, v8;
	v8 =	vadd.s32 v7, v11;
	v7 =	vld [tilespmem:s18+$0xFFFFFFF0];
	v9 =	vadd.s32 v9, v63  }
.LBB2_14:
0x100: {  	s19 =	sadd.s32 $0x40, s19;
	v4 =	vadd.s32 v4, v10;
	v10 =	vld [tilespmem:s18+$0x0];
	s20 =	sadd.s32 $0x40, s20  }
0x101: {  	v11 =	vld [tilespmem:s20+$0xFFFF0FD0];
	s21 =	sand.u32 $0xFC0, s19;
	p0 =	slt.u32 s19, $0xFC0;
	v3 =	vadd.s32 v3, v8  }
0x102: {  	v8 =	vld [tilespmem:s21+$0x5000];
	v5 =	vadd.s32 v5, v9  }
0x103: {  	v9 =	vld [tilespmem:s21+$0x6000];
	v4 =	vadd.s32 v6, v4  }
0x104: {  	v6 =	vld [tilespmem:s21+$0x7000];
	[tilespmem:s18+$0xFFFF0FE0] =	vst v4;
	v3 =	vadd.s32 v7, v3  }
0x105: {  	v4 =	vld [tilespmem:s21+$0x8000];
	[tilespmem:s18+$0xFFFF0FF0] =	vst v3;
	v3 =	vadd.s32 v10, v5  }
0x106: {  	v5 =	vld [tilespmem:s21+$0x9000];
	[tilespmem:s18+$0xFFFF1000] =	vst v3;
	s18 =	smov.u32 s20  }
0x107: {  	v3 =	vadd.s32 v11, v8;
	v7 =	vld [tilespmem:s21+$0xA000]  }
0x108: {  	v3 =	vadd.s32 v9, v3;
	v8 =	vld [tilespmem:s21+$0xB000]  }
0x109: {  	v3 =	vadd.s32 v6, v3;
	v6 =	vld [tilespmem:s21+$0xC000]  }
0x10a: {  	v3 =	vadd.s32 v4, v3;
	v4 =	vld [tilespmem:s21+$0xD000]  }
0x10b: {  	v3 =	vadd.s32 v5, v3;
	v5 =	vld [tilespmem:s21+$0xE000]  }
0x10c: {  	v3 =	vadd.s32 v7, v3;
	v7 =	vld [tilespmem:s21+$0xF000]  }
0x10d: {  	v3 =	vadd.s32 v8, v3;
	v8 =	vld [tilespmem:s21+$0x10000]  }
0x10e: {  	v3 =	vadd.s32 v6, v3;
	v6 =	vld [tilespmem:s21+$0x11000]  }
0x10f: {  	v3 =	vadd.s32 v4, v3;
	v4 =	vld [tilespmem:s21+$0x12000]  }
0x110: {  	v3 =	vadd.s32 v5, v3;
	v5 =	vld [tilespmem:s21+$0x13000]  }
0x111: {  	v3 =	vadd.s32 v7, v3;
	v7 =	vld [tilespmem:s20+$0xFFFF0FE0]  }
0x112: {  	v3 =	vadd.s32 v8, v3;
	v8 =	vld [tilespmem:s20+$0xFFFF1FE0]  }
0x113: {  	v3 =	vadd.s32 v6, v3;
	v6 =	vld [tilespmem:s20+$0xFFFF0FF0]  }
0x114: {  	v3 =	vadd.s32 v4, v3;
	v4 =	vld [tilespmem:s20+$0xFFFF1FF0]  }
0x115: {  	v3 =	vadd.s32 v5, v3;
	v5 =	vld [tilespmem:s20+$0xFFFF1000]  }
0x116: {  	[tilespmem:s20+$0xFFFF0FD0] =	vst v3;
	v3 =	vld [tilespmem:s20+$0xFFFF2000]  }
0x117: {  	v7 =	vadd.s32 v7, v8;
	v8 =	vld [tilespmem:s20+$0xFFFF2FE0]  }
0x118: {  	v9 =	vld [tilespmem:s20+$0xFFFF2FF0]  }
0x119: {  	v4 =	vadd.s32 v6, v4;
	v6 =	vld [tilespmem:s20+$0xFFFF3000]  }
0x11a: {  	v10 =	vld [tilespmem:s20+$0xFFFF3FE0]  }
0x11b: {  	v11 =	vld [tilespmem:s20+$0xFFFF3FF0];
	v3 =	vadd.s32 v5, v3  }
0x11c: {  	v5 =	vadd.s32 v8, v7;
	v7 =	vld [tilespmem:s20+$0xFFFF4000]  }
0x11d: {  	v8 =	vld [tilespmem:s20+$0xFFFF4FE0];
	v4 =	vadd.s32 v9, v4  }
0x11e: {  	v9 =	vld [tilespmem:s20+$0xFFFF4FF0];
	v3 =	vadd.s32 v6, v3  }
0x11f: {  	v5 =	vadd.s32 v10, v5;
	v6 =	vld [tilespmem:s20+$0xFFFF5000]  }
0x120: {  	v10 =	vld [tilespmem:s20+$0xFFFF5FE0];
	v4 =	vadd.s32 v11, v4  }
0x121: {  	v11 =	vld [tilespmem:s20+$0xFFFF5FF0];
	v3 =	vadd.s32 v7, v3  }
0x122: {  	v5 =	vadd.s32 v8, v5;
	v7 =	vld [tilespmem:s20+$0xFFFF6000]  }
0x123: {  	v8 =	vld [tilespmem:s20+$0xFFFF6FE0];
	v4 =	vadd.s32 v9, v4  }
0x124: {  	v9 =	vld [tilespmem:s20+$0xFFFF6FF0];
	v3 =	vadd.s32 v6, v3  }
0x125: {  	v5 =	vadd.s32 v10, v5;
	v6 =	vld [tilespmem:s20+$0xFFFF7000]  }
0x126: {  	v10 =	vld [tilespmem:s20+$0xFFFF7FE0];
	v4 =	vadd.s32 v11, v4  }
0x127: {  	v11 =	vld [tilespmem:s20+$0xFFFF7FF0];
	v3 =	vadd.s32 v7, v3  }
0x128: {  	v5 =	vadd.s32 v8, v5;
	v7 =	vld [tilespmem:s20+$0xFFFF8000]  }
0x129: {  	v8 =	vld [tilespmem:s20+$0xFFFF8FE0];
	v4 =	vadd.s32 v9, v4  }
0x12a: {  	v9 =	vld [tilespmem:s20+$0xFFFF8FF0];
	v3 =	vadd.s32 v6, v3  }
0x12b: {  	v5 =	vadd.s32 v10, v5;
	v6 =	vld [tilespmem:s20+$0xFFFF9000]  }
0x12c: {  	v10 =	vld [tilespmem:s20+$0xFFFF9FE0];
	v4 =	vadd.s32 v11, v4  }
0x12d: {  	v11 =	vld [tilespmem:s20+$0xFFFF9FF0];
	v3 =	vadd.s32 v7, v3  }
0x12e: {  	v5 =	vadd.s32 v8, v5;
	v7 =	vld [tilespmem:s20+$0xFFFFA000]  }
0x12f: {  	v8 =	vld [tilespmem:s20+$0xFFFFAFE0];
	v4 =	vadd.s32 v9, v4  }
0x130: {  	v9 =	vld [tilespmem:s20+$0xFFFFAFF0];
	v3 =	vadd.s32 v6, v3  }
0x131: {  	v5 =	vadd.s32 v10, v5;
	v6 =	vld [tilespmem:s20+$0xFFFFB000]  }
0x132: {  	v10 =	vld [tilespmem:s20+$0xFFFFBFE0];
	v4 =	vadd.s32 v11, v4  }
0x133: {  	v11 =	vld [tilespmem:s20+$0xFFFFBFF0];
	v3 =	vadd.s32 v7, v3  }
0x134: {  	v5 =	vadd.s32 v8, v5;
	v7 =	vld [tilespmem:s20+$0xFFFFC000]  }
0x135: {  	v8 =	vld [tilespmem:s20+$0xFFFFCFE0];
	v4 =	vadd.s32 v9, v4  }
0x136: {  	v9 =	vld [tilespmem:s20+$0xFFFFCFF0];
	v3 =	vadd.s32 v6, v3  }
0x137: {  	v5 =	vadd.s32 v10, v5;
	v6 =	vld [tilespmem:s20+$0xFFFFD000]  }
0x138: {  	v10 =	vld [tilespmem:s20+$0xFFFFDFE0];
	v11 =	vadd.s32 v11, v4  }
0x139: {  	v12 =	vld [tilespmem:s20+$0xFFFFDFF0];
	v7 =	vadd.s32 v7, v3  }
0x13a: {  	v5 =	vadd.s32 v8, v5;
	v13 =	vld [tilespmem:s20+$0xFFFFE000]  }
.Ltmp6:
0x13b: {  	v4 =	vld [tilespmem:s20+$0xFFFFEFE0];
	v8 =	vadd.s32 v9, v11;
	(pc) =	sbr.rel @p0 .LBB2_14-.Ltmp6, $4  }
0x13c: {  	v3 =	vld [tilespmem:s20+$0xFFFFEFF0];
	v9 =	vadd.s32 v6, v7  }
0x13d: {  	v10 =	vadd.s32 v10, v5;
	v5 =	vld [tilespmem:s20+$0xFFFFF000]  }
0x13e: {  	v6 =	vld [tilespmem:s20+$0xFFFFFFE0];
	v8 =	vadd.s32 v12, v8  }
0x13f: {  	v7 =	vld [tilespmem:s20+$0xFFFFFFF0];
	v9 =	vadd.s32 v13, v9  }
0x140: {  	v11 =	vld [tilespmem:s18+$0x0];
	_ =	sdelay $0x1  }
0x141: {  	v4 =	vadd.s32 v4, v10  }
0x142: {  	v3 =	vadd.s32 v3, v8;
	v4 =	vadd.s32 v6, v4  }
0x143: {  	s17 =	sadd.s32 $0x1, s17;
	v5 =	vadd.s32 v5, v9;
	[tilespmem:s18+$0xFFFF0FE0] =	vst v4;
	v3 =	vadd.s32 v7, v3  }
0x144: {  	p0 =	sne.s32 s17, s8;
	[tilespmem:s18+$0xFFFF0FF0] =	vst v3;
	v3 =	vadd.s32 v11, v5  }
.Ltmp7:
0x145: {  	[tilespmem:s18+$0xFFFF1000] =	vst v3;
	(pc) =	sbr.rel @p0 .LBB2_1-.Ltmp7, $4  }
0x146: {  	[hbm4b:s7+s15] =	stream.strided.scatter [tilespmem:s13], [sflag:$0x3], $0x1000, s10, s15, $0x38;
	[tilespmem:$0x14000] =	vst v63  }
0x147: {  	_ =	swait.ge [sflag:s16], $0x1000  }
0x148: {  	[sflag:s16] =	ssyncset.done $0x0  }
0x149: {  	[sflag:s16] =	ssyncadd.s32 $0xFFFFF000  }
0x14a: {  	_ =	sfence.sel $0x180000  }
0x14b: {  	[bflag:$0x0] =	sbarrier.arrive $0xFFFF  }
0x14c: {  	p0 =	sne.s32 s2, $0x0;
	_ =	strace $0x90000047  }
0x14d: {  	s0 =	sadd.s32 @!p0 $0x100000, s0;
	[bflag:$0x2] =	sbarrier.arrive $0xFFFF  }
0x14e: {  	[sflag:s0] =	ssyncadd.tile.s32 @!p0 $0x1;
	_ =	shalt  }
.Lfunc_end2:
_tile_overlayer_lowered:
.L_overlay_start_2:
0x14f: {  	(tag) =	ssettag $0x2  }
0x150: {  	s0 =	rddreg [dreg:$0x0];
	s2 =	stileid.u32  }
0x151: {  	s1 =	rddreg [dreg:$0x1];
	p0 =	sne.s32 s2, $0x0  }
0x152: {  	s3 =	rddreg [dreg:$0x2];
	[bflag:$0x3] =	sbarrier.arrive $0xFFFF;
	s2 =	simm.s32 @!p0 $0x1C03  }
0x153: {  	[timem:s3], [sflag:s2] =	dma.local @!p0 [hbm:s0], s1  }
0x154: {  	s0 =	simm.s32 @!p0 $0x3  }
0x155: {  	_ =	swait.ge @!p0 [sflag:s0], s1  }
0x156: {  	s1 =	ssub.s32 @!p0 $0x0, s1;
	[sflag:s0] =	ssyncset.done @!p0 $0x0  }
0x157: {  	[sflag:s0] =	ssyncadd.s32 @!p0 s1  }
0x158: {  	[bflag:$0x3] =	sbarrier.arrive $0xFFFF  }
0x159: {  	_ =	shalt  }

// kernel: branch_0_fun.7.cloned.1.call-start
scs
__scs_entry_jumppad:
0x0: {  	(pc) =	sbr.rel $0x88, $3  }
0x1: {  	(tag) =	ssettag $0x0;
	lr =	simm.s32 $0x1  }
0x2: {  	[smem:$0x3FA0] =	sst lr;
	_ =	strace $0xD0000000  }
0x3: {  	_ = 	snop  }
0x4: {  	_ = 	snop  }
0x5: {  	_ = 	snop  }
0x6: {  	_ = 	snop  }
0x7: {  	_ = 	snop  }
__scs_overlays_trampoline_lowered:
0x8: {  	[smem:$0x3FAF] =	sst s0  }
0x9: {  	[smem:$0x3FB0] =	sst s1  }
0xa: {  	[smem:$0x3FB1] =	sst s2  }
0xb: {  	[smem:$0x3FB2] =	sst s3  }
0xc: {  	[smem:$0x3FB3] =	sst s4  }
0xd: {  	[smem:$0x3FB4] =	sst s5  }
0xe: {  	[smem:$0x3FB5] =	sst s6  }
0xf: {  	[smem:$0x3FB6] =	sst s7  }
0x10: {  	[smem:$0x3FB7] =	sst s8  }
0x11: {  	[smem:$0x3FB8] =	sst s9;
	s0 =	simm.s32 @!p0 $0x0  }
0x12: {  	s1 =	sld [smem:$0x3F9E];
	s0 =	simm.s32 @p0 $0x1  }
0x13: {  	[smem:$0x3FB9] =	sst s0;
	s0 =	simm.s32 @!p1 $0x0  }
0x14: {  	s2 =	sld [smem:$0x3F9D];
	s0 =	simm.s32 @p1 $0x1  }
0x15: {  	[smem:$0x3FBA] =	sst s0;
	s0 =	simm.s32 @!p2 $0x0  }
0x16: {  	s3 =	sld [smem:$0x3FDB];
	s0 =	simm.s32 @p2 $0x1  }
0x17: {  	s4 =	simm.s32 $0x1BF5;
	[smem:$0x3FBC] =	sst s0  }
0x18: {  	s0 =	sld [smem:$0x3F9F];
	_ =	swait.ge [sflag:s4], $0x0  }
0x19: {  	s7 =	sld [smem:$0x3FA0]  }
0x1a: {  	s8 =	sadd.s32 $0xFFFFE003, lr  }
0x1b: {  	s9 =	sadd.s32 $0xFFFFFEF7, lr;
	s5 =	simm.s32 $0xFFFFFFFF;
	p2 =	slt.u32 s8, $0xFFFFF086  }
0x1c: {  	p1 =	slt.u32 s9, $0xF7A;
	s5 =	simm.s32 @!p2 $0x0  }
0x1d: {  	s5 =	simm.s32 @p1 $0x1;
	p0 =	seq.s32 s7, s2  }
0x1e: {  	s7 =	smul.u32 @!p0 $0xF7A, s2;
	p2 =	seq.s32 @!p0 s5, $0x0  }
0x1f: {  	s9 =	smul.u32 $0xF7A, s1;
	s8 =	simm.s32 @!p0 $0x1BF5;
	p2 =	por !p2, p0  }
0x20: {  	[sflag:s8] =	ssyncset.s32 @!p0 $0xFFFFF086;
	s6 =	sadd.s32 @!p0 s3, s7;
	s7 =	simm.s32 @!p0 $0x108  }
0x21: {  	s3 =	sadd.s32 s3, s9;
	s6 =	sadd.s32 @!p0 $0x88, s6;
	s7 =	simm.s32 @p2 $0x1082  }
0x22: {  	[simem:s7], [sflag:s8] =	dma.local @!p0 [hbm:s6], $0xF7A  }
0x23: {  	s9 =	sor.u32 $0xD0000000, s2;
	s6 =	simm.s32 $0x108;
	_ =	swait.ge @!p0 [sflag:s8], $0x0  }
0x24: {  	s3 =	sadd.s32 $0x88, s3;
	s6 =	simm.s32 @!p1 $0x1082;
	[sflag:s4] =	ssyncset.s32 $0xFFFFF086  }
0x25: {  	[simem:s6], [sflag:s4] =	dma.local [hbm:s3], $0xF7A  }
0x26: {  	[smem:$0x3FA0] =	sst s1;
	(tag) =	ssettag s2;
	_ =	strace s9  }
0x27: {  	s1 =	sld [smem:$0x3FB0]  }
0x28: {  	s2 =	sld [smem:$0x3FB1]  }
0x29: {  	s4 =	sld [smem:$0x3FB3]  }
0x2a: {  	p0 =	seq.s32 s5, $0x0;
	s5 =	sld [smem:$0x3FB4]  }
0x2b: {  	s6 =	sld [smem:$0x3FB5]  }
0x2c: {  	s7 =	sld [smem:$0x3FB6]  }
0x2d: {  	s3 =	simm.s32 $0x108;
	s8 =	sld [smem:$0x3FB7]  }
0x2e: {  	s3 =	simm.s32 @!p0 $0x1082;
	s9 =	sld [smem:$0x3FB8]  }
0x2f: {  	lr =	sadd.s32 s0, s3;
	s0 =	sld [smem:$0x3FAF]  }
0x30: {  	s3 =	sld [smem:$0x3FB2]  }
0x31: {  	[smem:$0x3FBB] =	sst s10  }
0x32: {  	s10 =	sld [smem:$0x3FB9];
	_ =	sdelay $0x3  }
0x33: {  	p0 =	seq.s32 s10, $0x1;
	s10 =	sld [smem:$0x3FBB];
	_ =	sdelay $0x3  }
0x34: {  	[smem:$0x3FBB] =	sst s10  }
0x35: {  	s10 =	sld [smem:$0x3FBA];
	_ =	sdelay $0x3  }
0x36: {  	p1 =	seq.s32 s10, $0x1;
	s10 =	sld [smem:$0x3FBB];
	_ =	sdelay $0x3  }
0x37: {  	[smem:$0x3FBB] =	sst s10  }
0x38: {  	s10 =	sld [smem:$0x3FBC]  }
0x39: {  	_ = 	snop;
	(pc) =	sbr.ind lr, $3  }
0x3a: {  	_ = 	snop  }
0x3b: {  	_ = 	snop  }
0x3c: {  	p2 =	seq.s32 s10, $0x1;
	s10 =	sld [smem:$0x3FBB]  }
0x3d: {  	_ =	shalt  }
0x3e: {  	_ =	shalt  }
0x3f: {  	_ =	shalt  }
0x40: {  	_ =	shalt  }
0x41: {  	_ =	shalt  }
0x42: {  	_ =	shalt  }
0x43: {  	_ =	shalt  }
0x44: {  	_ =	shalt  }
0x45: {  	_ =	shalt  }
0x46: {  	_ =	shalt  }
0x47: {  	_ =	shalt  }
0x48: {  	_ =	shalt  }
0x49: {  	_ =	shalt  }
0x4a: {  	_ =	shalt  }
0x4b: {  	_ =	shalt  }
0x4c: {  	_ =	shalt  }
0x4d: {  	_ =	shalt  }
0x4e: {  	_ =	shalt  }
0x4f: {  	_ =	shalt  }
0x50: {  	_ =	shalt  }
0x51: {  	_ =	shalt  }
0x52: {  	_ =	shalt  }
0x53: {  	_ =	shalt  }
0x54: {  	_ =	shalt  }
0x55: {  	_ =	shalt  }
0x56: {  	_ =	shalt  }
0x57: {  	_ =	shalt  }
0x58: {  	_ =	shalt  }
0x59: {  	_ =	shalt  }
0x5a: {  	_ =	shalt  }
0x5b: {  	_ =	shalt  }
0x5c: {  	_ =	shalt  }
0x5d: {  	_ =	shalt  }
0x5e: {  	_ =	shalt  }
0x5f: {  	_ =	shalt  }
0x60: {  	_ =	shalt  }
0x61: {  	_ =	shalt  }
0x62: {  	_ =	shalt  }
0x63: {  	_ =	shalt  }
0x64: {  	_ =	shalt  }
0x65: {  	_ =	shalt  }
0x66: {  	_ =	shalt  }
0x67: {  	_ =	shalt  }
0x68: {  	_ =	shalt  }
0x69: {  	_ =	shalt  }
0x6a: {  	_ =	shalt  }
0x6b: {  	_ =	shalt  }
0x6c: {  	_ =	shalt  }
0x6d: {  	_ =	shalt  }
0x6e: {  	_ =	shalt  }
0x6f: {  	_ =	shalt  }
0x70: {  	_ =	shalt  }
0x71: {  	_ =	shalt  }
0x72: {  	_ =	shalt  }
0x73: {  	_ =	shalt  }
0x74: {  	_ =	shalt  }
0x75: {  	_ =	shalt  }
0x76: {  	_ =	shalt  }
0x77: {  	_ =	shalt  }
0x78: {  	_ =	shalt  }
0x79: {  	_ =	shalt  }
0x7a: {  	_ =	shalt  }
0x7b: {  	_ =	shalt  }
0x7c: {  	_ =	shalt  }
0x7d: {  	_ =	shalt  }
0x7e: {  	_ =	shalt  }
0x7f: {  	_ =	shalt  }
0x80: {  	_ =	shalt  }
0x81: {  	_ =	shalt  }
0x82: {  	_ =	shalt  }
0x83: {  	_ =	shalt  }
0x84: {  	_ =	shalt  }
0x85: {  	_ =	shalt  }
0x86: {  	_ =	shalt  }
0x87: {  	_ =	shalt  }
.Lfunc_end0:
.L_simem_size_0:
called_computation.1_lowered:
.L_overlay_start_0:
0x88: {  	s2 =	sld [smem:$0x3FD9]  }
0x89: {  	s3 =	sld [smem:$0x3FFE];
	_ =	sdelay $0x1  }
0x8a: {  	s1 =	srdreg.scid  }
0x8b: {  	s0 =	sand.u32 $0x1, s1  }
0x8c: {  	s17 =	sshll.u32 s0, $0xA;
	s2 =	sadd.s32 s3, s2  }
0x8d: {  	s2 =	sadd.s32 s2, s17  }
0x8e: {  	[smem:$0x3FC7] =	sst s2  }
0x8f: {  	_ = 	snop  }
0x90: {  	s2 =	sld [smem:$0x3FD0];
	(tm) =	ssettm $0x1  }
0x91: {  	s18 =	sld [smem:$0x3FFB];
	_ =	sdelay $0x3  }
0x92: {  	_ =	strace s18  }
0x93: {  	s3 =	sld [smem:$0x3FFC];
	_ =	sdelay $0x3  }
0x94: {  	_ =	strace s3  }
0x95: {  	s3 =	sld [smem:$0x3FFD];
	_ =	sdelay $0x3  }
0x96: {  	_ =	strace s3  }
0x97: {  	_ =	strace $0x8FFFFFFF  }
0x98: {  	s19 =	sld [smem:$0x3FDB];
	_ =	sdelay $0x1  }
0x99: {  	s4 =	simm.s32 $_scs_section_size  }
0x9a: {  	s5 =	simm.s32 $_size__tile_overlayer_lowered;
	s6 =	simm.s32 $_tile_overlayer_lowered  }
0x9b: {  	s22 =	simm.s32 $0x1BFF;
	s21 =	sshll.u32 s6, $0x1;
	s3 =	sadd.s32 s4, s19  }
0x9c: {  	s7 =	simm.s32 $0x0;
	s20 =	sshll.u32 s5, $0x1;
	s5 =	sadd.s32 s21, s3  }
0x9d: {  	[timem:s7], [sflag:s22] =	dma.local [hbm:s5], s20  }
0x9e: {  	_ =	swait.ge [sflag:s22], s20  }
0x9f: {  	s4 =	ssub.s32 $0x0, s20;
	[sflag:s22] =	ssyncset.done $0x0  }
0xa0: {  	[sflag:s22] =	ssyncadd.s32 s4;
	_ =	sdelay $0x1  }
0xa1: {  	s23 =	simm.s32 $0x1B8B  }
0xa2: {  	_ =	swait.ge [sflag:s23], $0x1  }
0xa3: {  	[sflag:s23] =	ssyncset.done $0x0  }
0xa4: {  	s25 =	simm.s32 $0x1B8E;
	s24 =	sld [smem:$0x3FFE];
	[sflag:s23] =	ssyncadd.s32 $0xFFFFFFFF  }
0xa5: {  	s26 =	simm.s32 $execute0_lowered;
	[smem:$0x3FD2] =	sst s25  }
0xa6: {  	s5 =	sshll.u32 s26, $0x1;
	_ =	strace $0x80000049;
	[dreg:$0x1] =	wrdreg $0xFFFFFFFF  }
0xa7: {  	s28 =	simm.s32 $_size_execute0_lowered;
	s3 =	sadd.s32 s3, s5;
	[dreg:$0x0] =	wrdreg $0x0  }
0xa8: {  	s5 =	sshll.u32 s28, $0x1;
	[dreg:$0x2] =	wrdreg s3  }
0xa9: {  	[dreg:$0x3] =	wrdreg s5  }
0xaa: {  	[dreg:$0x4] =	wrdreg $0xC0  }
0xab: {  	_ =	task [dreg:s7], $0x5FFFF  }
0xac: {  	[dreg:$0x1] =	wrdreg $0xFFFFFFFF  }
0xad: {  	[dreg:$0x0] =	wrdreg $0x60  }
0xae: {  	[dreg:$0x2] =	wrdreg s2  }
0xaf: {  	[dreg:$0x3] =	wrdreg s24  }
0xb0: {  	[dreg:$0x4] =	wrdreg $0x9  }
0xb1: {  	_ =	task.clear_ibuf [dreg:s7], $0x5FFFF;
	_ =	strace $0x90000049  }
0xb2: {  	s29 =	simm.s32 $0x9;
	_ =	strace $0x8000004B  }
0xb3: {  	_ =	swait.ge [sflag:s29], $0x1  }
0xb4: {  	[sflag:s29] =	ssyncadd.s32 $0xFFFFFFFF  }
0xb5: {  	_ =	strace $0x9000004B  }
0xb6: {  	_ =	sfence  }
0xb7: {  	s30 =	sld [smem:$0x0];
	_ =	sdelay $0x2  }
0xb8: {  	s31 =	sshll.u32 s1, $0xD;
	s1 =	sshrl.u32 s1, $0x2  }
0xb9: {  	s3 =	sand.u32 $0x4000, s31;
	s1 =	sadd.s32 s1, s30  }
0xba: {  	s0 =	sor.u32 s3, s0;
	s1 =	sshll.u32 s1, $0x11  }
0xbb: {  	s0 =	sor.u32 s1, s0  }
0xbc: {  	s0 =	sadd.s32 $0x8F2B, s0  }
0xbd: {  	[sflag:s0] =	ssyncadd.remote.s32 $0x1  }
0xbe: {  	_ =	sfence.sel $0xFFFF  }
0xbf: {  	[dreg:$0x0] =	wrdreg $0xFFFFFFFF;
	(pc) =	sbr.abs _section_cstart, $3  }
0xc0: {  	[dreg:$0x1] =	wrdreg $0xFFFFFFFF  }
0xc1: {  	_ =	task.clear_ibuf [dreg:s7], $0x2FFFF;
	_ =	strace $0x9FFFFFFF  }
0xc2: {  	(tm) =	ssettm $0x7FFFFFFF  }
0xc3: {  	_ =	shalt  }
tec
execute0_lowered:
.L_overlay_start_1:
0x0: {  	(tag) =	ssettag $0x1  }
0x1: {  	s1 =	rddreg [dreg:$0x0]  }
0x2: {  	s5 =	rddreg [dreg:$0x1]  }
0x3: {  	s0 =	rddreg [dreg:$0x2]  }
0x4: {  	s3 =	simm.s32 $0x0;
	s2 =	stileid.u32;
	s6 =	srdreg.scid  }
0x5: {  	s12 =	simm.s32 $0x100;
	s13 =	simm.s32 $0x400;
	s14 =	simm.s32 $0x2000  }
0x6: {  	s15 =	simm.s32 $0x1;
	s16 =	simm.s32 $0x4080;
	s17 =	simm.s32 $0x2  }
0x7: {  	s18 =	simm.s32 $0x80;
	s19 =	simm.s32 $0x0;
	[smem:$0x7FF] =	sst s3  }
0x8: {  	s4 =	sshll.u32 s2, $0xA;
	s6 =	sand.u32 $0x1, s6;
	s8 =	sshll.u32 s2, $0x1  }
0x9: {  	_ =	strace $0x8000004A;
	s7 =	sand.u32 $0x3000, s4;
	s4 =	sadd.s32 $0x600, s5  }
0xa: {  	s29 =	sor.u32 s6, s8;
	s30 =	ssub.s32 $0x2, s6;
	s9 =	sadd.s32 s7, s5  }
0xb: {  	s5 =	sshll.u32 s29, $0x10;
	s7 =	sshll.u32 s29, $0x4;
	s10 =	sshrl.u32 s30, $0x1  }
0xc: {  	v2 =	vlaneseq.u32;
	s6 =	sadd.s32 s1, s5;
	s11 =	sand.u32 $0x70, s7;
	s10 =	ssub.s32 s30, s10  }
0xd: {  	v2 =	vmul.u32 $0x800, v2;
	s7 =	sadd.s32 $0x20, s6;
	s31 =	sadd.s32 s11, s9;
	s9 =	smax.u32 s10, $0x1  }
0xe: {  	v0 =	vimm.s32 $0x0;
	v1 =	vimm.s32 $0x8000;
	v3 =	vimm.s32 $0x1;
	s10 =	simm.s32 $0x4000;
	s11 =	simm.s32 $0x3;
	s8 =	sadd.s32 $0x800, s31  }
.LBB2_1:
0xf: {  	[tilespmem:s10], [sflag:$0x3] =	stream.linear.gather [hbm4b:s4+s3], $0x80, $0x38;
	[tilespmem:$0x14080] =	vst v63  }
0x10: {  	_ =	swait.ge [sflag:s11], $0x80  }
0x11: {  	[sflag:s11] =	ssyncset.done $0x0  }
0x12: {  	[sflag:s11] =	ssyncadd.s32 $0xFFFFFF80  }
0x13: {  	s20 =	simm.s32 $0x40C0;
	v4 =	vld [tilespmem:$0x4000]  }
0x14: {  	v5 =	vld [tilespmem:$0x4010];
	[tilespmem:s20+$0xFFFFFFC0] =	vst v0  }
0x15: {  	[tilespmem:s20+$0x30] =	vst v0  }
0x16: {  	[tilespmem:s20+$0x20] =	vst v0  }
0x17: {  	[tilespmem:s20+$0x10] =	vst v0  }
0x18: {  	[tilespmem:s20+$0x0] =	vst v0  }
0x19: {  	[tilespmem:s20+$0xFFFFFFF0] =	vst v0  }
0x1a: {  	s21 =	simm.s32 $0x0;
	[tilespmem:s20+$0xFFFFFFE0] =	vst v0  }
.LBB2_2:
0x1b: {  	s21 =	sadd.s32 $0x80, s21;
	[tilespmem:s20+$0xFFFFFFD0] =	vst v0;
	s20 =	sadd.s32 $0x80, s20  }
0x1c: {  	[tilespmem:s20+$0xFFFFFFC0] =	vst v0;
	p0 =	slt.u32 s21, $0xFF80  }
0x1d: {  	[tilespmem:s20+$0x30] =	vst v0  }
.Ltmp0:
0x1e: {  	[tilespmem:s20+$0x20] =	vst v0;
	(pc) =	sbr.rel @p0 .LBB2_2-.Ltmp0, $4  }
0x1f: {  	[tilespmem:s20+$0x10] =	vst v0  }
0x20: {  	[tilespmem:s20+$0x0] =	vst v0  }
0x21: {  	[tilespmem:s20+$0xFFFFFFF0] =	vst v0  }
0x22: {  	[tilespmem:s20+$0xFFFFFFE0] =	vst v0  }
0x23: {  	[tilespmem:s20+$0xFFFFFFD0] =	vst v0;
	s20 =	simm.s32 $0x0;
	vm0 =	veq.s32 v4, v5  }
0x24: {  	[tilespmem:s20], [sflag:$0x1] =	stream.strided.gather [hbm4b:s6+s12], $0x2000, s13, s12, $0x38;
	v6 =	vsel vm0, $0x0, v1;
	[tilespmem:$0x14080] =	vst v63  }
.LBB2_4:
0x25: {  	s21 =	sshll.u32 s20, $0x6  }
0x26: {  	s22 =	sshll.u32 s20, $0xB;
	s21 =	sand.u32 $0x40, s21  }
0x27: {  	s22 =	sand.u32 $0xF000, s22;
	s21 =	sadd.s32 s21, s7  }
0x28: {  	s21 =	sadd.s32 s22, s21  }
0x29: {  	[tilespmem:s14], [sflag:$0x2] =	stream.strided.gather [hbm4b:s21+s12], $0x2000, s13, s12, $0x38;
	[tilespmem:$0x14080] =	vst v63  }
0x2a: {  	_ =	swait.ge [sflag:s15], $0x2000  }
0x2b: {  	[sflag:s15] =	ssyncset.done $0x0  }
0x2c: {  	s31 =	simm.s32 $0x40;
	[sflag:s15] =	ssyncadd.s32 $0xFFFFE000  }
0x2d: {  	v7 =	vld [tilespmem:s31+$0x30]  }
0x2e: {  	v8 =	vld [tilespmem:s31+$0xFFFFFFD0]  }
0x2f: {  	v9 =	vld [tilespmem:s31+$0xFFFFFFE0]  }
0x30: {  	v11 =	vld [tilespmem:s31+$0x0]  }
0x31: {  	v12 =	vld [tilespmem:s31+$0x10];
	_ =	sdelay $0x2  }
0x32: {  	v13 =	vshrl.u32 v7, $0x13  }
0x33: {  	v14 =	vshrl.u32 v8, $0x13;
	v15 =	vshrl.u32 v8, $0x8;
	v17 =	vshrl.u32 v9, $0x13  }
0x34: {  	v10 =	vld [tilespmem:s31+$0xFFFFFFF0];
	v7 =	vshrl.u32 v7, $0x8;
	v61 =	vshrl.u32 v11, $0x13;
	v19 =	vshrl.u32 v12, $0x13  }
0x35: {  	v9 =	vshrl.u32 v9, $0x8;
	v11 =	vshrl.u32 v11, $0x8;
	v12 =	vshrl.u32 v12, $0x8  }
0x36: {  	v8 =	vand.u32 $0xFFF, v13;
	v7 =	vand.u32 $0x7FF, v7;
	v21 =	vand.u32 $0xFFF, v14  }
0x37: {  	v17 =	vand.u32 $0xFFF, v17;
	v29 =	vand.u32 $0x7FF, v15;
	v9 =	vand.u32 $0x7FF, v9  }
0x38: {  	v11 =	vand.u32 $0x7FF, v11;
	v63 =	vand.u32 $0x7FF, v12;
	vm0 =	veq.s32 v8, v5  }
0x39: {  	vm1 =	veq.s32 v8, v4;
	v8 =	vshrl.u32 v10, $0x13;
	vm5 =	veq.s32 v21, v5  }
0x3a: {  	v16 =	vld [tilespmem:s31+$0x20];
	vm2 =	veq.s32 v17, v5;
	v10 =	vshrl.u32 v10, $0x8;
	vm8 =	veq.s32 v21, v4  }
0x3b: {  	vm11 =	veq.s32 v17, v4;
	v18 =	vnsel vm0, $0x0, v6;
	vm7 =	vmor vm1, vm0  }
0x3c: {  	v13 =	vld [tilespmem:s31+$0xFFFFFFC0];
	v22 =	vand.u32 $0xFFF, v8;
	v8 =	vand.u32 $0xFFF, v19;
	v62 =	vnsel vm5, $0x0, v6  }
0x3d: {  	v24 =	vnsel vm2, $0x0, v6;
	v10 =	vand.u32 $0x7FF, v10;
	v7 =	vor.u32 v18, v7  }
0x3e: {  	v18 =	vand.u32 $0xFFF, v61;
	vm3 =	veq.s32 v22, v5;
	vm4 =	veq.s32 v8, v5  }
0x3f: {  	vm10 =	veq.s32 v22, v4;
	v20 =	vor.u32 v2, v7;
	v7 =	vshrl.u32 v16, $0x13  }
0x40: {  	vm1 =	veq.s32 v18, v5;
	v16 =	vshrl.u32 v16, $0x8;
	v25 =	vnsel vm3, $0x0, v6  }
0x41: {  	v14 =	vshrl.u32 v13, $0x13;
	v7 =	vand.u32 $0xFFF, v7;
	v13 =	vshrl.u32 v13, $0x8  }
0x42: {  	v26 =	vnsel vm1, $0x0, v6;
	v16 =	vand.u32 $0x7FF, v16;
	v12 =	vor.u32 v25, v10  }
0x43: {  	v23 =	vand.u32 $0xFFF, v14;
	vm0 =	veq.s32 v7, v5;
	v13 =	vand.u32 $0x7FF, v13  }
0x44: {  	v10 =	vor.u32 v26, v11;
	vm6 =	veq.s32 v23, v5;
	v28 =	vnsel vm0, $0x0, v6  }
0x45: {  	vm9 =	veq.s32 v23, v4;
	v14 =	vnsel vm6, $0x0, v6;
	v11 =	vor.u32 v28, v16  }
0x46: {  	v27 =	vnsel vm4, $0x0, v6;
	[tilespmem:v20+s16+$0x0] =	vst.idx.add.s32.msk vm7, v3;
	v15 =	vor.u32 v14, v13;
	v14 =	vor.u32 v62, v29  }
0x47: {  	s23 =	simm.s32 $0x140;
	s22 =	simm.s32 $0x0;
	s21 =	simm.s32 $0xF0;
	v13 =	vor.u32 v24, v9;
	v9 =	vor.u32 v27, v63;
	vm7 =	veq.s32 v18, v4  }
.LBB2_5:
0x48: {  	v16 =	vld [tilespmem:s23+$0x30];
	s22 =	sadd.s32 $0x80, s22;
	v15 =	vor.u32 v2, v15;
	vm12 =	veq.s32 v8, v4;
	vm13 =	veq.s32 v7, v4  }
0x49: {  	v8 =	vor.u32 v2, v14;
	v13 =	vor.u32 v2, v13;
	v12 =	vor.u32 v2, v12;
	v7 =	vld [tilespmem:s23+$0xFFFFFFD0];
	p0 =	slt.u32 s22, $0xF80  }
0x4a: {  	v10 =	vor.u32 v2, v10;
	v9 =	vor.u32 v2, v9;
	v11 =	vor.u32 v2, v11;
	v14 =	vld [tilespmem:s23+$0xFFFFFFE0]  }
0x4b: {  	vm9 =	vmor vm9, vm6;
	vm6 =	vmor vm8, vm5;
	vm5 =	vmor vm11, vm2;
	v17 =	vld [tilespmem:s23+$0xFFFFFFF0]  }
0x4c: {  	vm2 =	vmor vm10, vm3;
	vm1 =	vmor vm7, vm1;
	vm8 =	vmor vm12, vm4;
	v18 =	vld [tilespmem:s23+$0x0]  }
0x4d: {  	vm7 =	vmor vm13, vm0;
	v19 =	vld [tilespmem:s23+$0x10];
	v20 =	vshrl.u32 v16, $0x13  }
0x4e: {  	v21 =	vshrl.u32 v7, $0x13;
	v22 =	vshrl.u32 v7, $0x8;
	v23 =	vld [tilespmem:s23+$0x20];
	v7 =	vand.u32 $0xFFF, v20  }
0x4f: {  	v16 =	vshrl.u32 v16, $0x8;
	v20 =	vld [tilespmem:s23+$0xFFFFFFC0];
	v24 =	vshrl.u32 v14, $0x13;
	vm0 =	veq.s32 v7, v5  }
0x50: {  	vm3 =	veq.s32 v7, v4;
	v7 =	vand.u32 $0x7FF, v16;
	v25 =	vnsel vm0, $0x0, v6  }
0x51: {  	v16 =	vshrl.u32 v17, $0x13;
	vm0 =	vmor vm3, vm0;
	v7 =	vor.u32 v25, v7;
	[tilespmem:v15+s16+$0x0] =	vst.idx.add.s32.msk vm9, v3  }
0x52: {  	v15 =	vshrl.u32 v18, $0x13;
	v25 =	vshrl.u32 v19, $0x13;
	v26 =	vor.u32 v2, v7;
	[tilespmem:v8+s16+$0x0] =	vst.idx.add.s32.msk vm6, v3  }
0x53: {  	v21 =	vand.u32 $0xFFF, v21;
	v24 =	vand.u32 $0xFFF, v24;
	v7 =	vshrl.u32 v23, $0x13;
	[tilespmem:v13+s16+$0x0] =	vst.idx.add.s32.msk vm5, v3  }
0x54: {  	v16 =	vand.u32 $0xFFF, v16;
	v27 =	vand.u32 $0xFFF, v15;
	v8 =	vshrl.u32 v20, $0x13;
	[tilespmem:v12+s16+$0x0] =	vst.idx.add.s32.msk vm2, v3  }
0x55: {  	v7 =	vand.u32 $0xFFF, v7;
	v28 =	vand.u32 $0xFFF, v8;
	v8 =	vand.u32 $0xFFF, v25;
	[tilespmem:v10+s16+$0x0] =	vst.idx.add.s32.msk vm1, v3  }
0x56: {  	vm5 =	veq.s32 v21, v5;
	vm2 =	veq.s32 v24, v5;
	vm6 =	veq.s32 v28, v5  }
0x57: {  	vm3 =	veq.s32 v16, v5;
	v10 =	vshrl.u32 v20, $0x8;
	vm1 =	veq.s32 v27, v5;
	[tilespmem:v26+s16+$0x0] =	vst.idx.add.s32.msk vm0, v3  }
0x58: {  	v12 =	vshrl.u32 v14, $0x8;
	vm4 =	veq.s32 v8, v5;
	vm0 =	veq.s32 v7, v5;
	[tilespmem:v9+s16+$0x0] =	vst.idx.add.s32.msk vm8, v3  }
0x59: {  	v13 =	vshrl.u32 v18, $0x8;
	v14 =	vshrl.u32 v19, $0x8;
	v9 =	vshrl.u32 v17, $0x8;
	[tilespmem:v11+s16+$0x0] =	vst.idx.add.s32.msk vm7, v3  }
0x5a: {  	v15 =	vshrl.u32 v23, $0x8;
	v17 =	vnsel vm5, $0x0, v6;
	v11 =	vnsel vm6, $0x0, v6  }
0x5b: {  	v19 =	vnsel vm3, $0x0, v6;
	v18 =	vnsel vm2, $0x0, v6;
	v20 =	vnsel vm1, $0x0, v6  }
0x5c: {  	v10 =	vand.u32 $0x7FF, v10;
	v23 =	vnsel vm4, $0x0, v6;
	v25 =	vnsel vm0, $0x0, v6  }
0x5d: {  	v22 =	vand.u32 $0x7FF, v22;
	v12 =	vand.u32 $0x7FF, v12;
	v9 =	vand.u32 $0x7FF, v9  }
.Ltmp1:
0x5e: {  	v30 =	vand.u32 $0x7FF, v15;
	v29 =	vand.u32 $0x7FF, v14;
	v26 =	vand.u32 $0x7FF, v13;
	(pc) =	sbr.rel @p0 .LBB2_5-.Ltmp1, $4  }
0x5f: {  	v13 =	vor.u32 v18, v12;
	v14 =	vor.u32 v17, v22;
	v15 =	vor.u32 v11, v10  }
0x60: {  	v12 =	vor.u32 v19, v9;
	v10 =	vor.u32 v20, v26;
	v9 =	vor.u32 v23, v29  }
0x61: {  	vm9 =	veq.s32 v28, v4;
	vm8 =	veq.s32 v21, v4;
	v11 =	vor.u32 v25, v30  }
0x62: {  	s23 =	sadd.s32 $0x100, s23;
	vm11 =	veq.s32 v24, v4;
	vm10 =	veq.s32 v16, v4;
	vm7 =	veq.s32 v27, v4  }
0x63: {  	vm6 =	vmor vm9, vm6  }
0x64: {  	v15 =	vor.u32 v2, v15;
	vm5 =	vmor vm8, vm5  }
0x65: {  	v14 =	vor.u32 v2, v14;
	vm2 =	vmor vm11, vm2  }
0x66: {  	v13 =	vor.u32 v2, v13;
	vm3 =	vmor vm10, vm3  }
0x67: {  	vm8 =	veq.s32 v8, v4;
	v8 =	vor.u32 v2, v12;
	vm1 =	vmor vm7, vm1  }
0x68: {  	vm7 =	veq.s32 v7, v4;
	v7 =	vor.u32 v2, v10;
	vm4 =	vmor vm8, vm4  }
0x69: {  	v9 =	vor.u32 v2, v9;
	vm0 =	vmor vm7, vm0;
	[tilespmem:v15+s16+$0x0] =	vst.idx.add.s32.msk vm6, v3  }
0x6a: {  	v10 =	vor.u32 v2, v11;
	[tilespmem:v14+s16+$0x0] =	vst.idx.add.s32.msk vm5, v3  }
0x6b: {  	[tilespmem:v13+s16+$0x0] =	vst.idx.add.s32.msk vm2, v3  }
0x6c: {  	[tilespmem:v8+s16+$0x0] =	vst.idx.add.s32.msk vm3, v3  }
0x6d: {  	[tilespmem:v7+s16+$0x0] =	vst.idx.add.s32.msk vm1, v3  }
0x6e: {  	[tilespmem:v9+s16+$0x0] =	vst.idx.add.s32.msk vm4, v3  }
0x6f: {  	[tilespmem:v10+s16+$0x0] =	vst.idx.add.s32.msk vm0, v3  }
0x70: {  	v7 =	vld [tilespmem:s21+$0x0]  }
0x71: {  	v8 =	vld [tilespmem:s21+$0xFFFFFFA0]  }
0x72: {  	v9 =	vld [tilespmem:s21+$0xFFFFFFB0]  }
0x73: {  	v11 =	vld [tilespmem:s21+$0xFFFFFFD0]  }
0x74: {  	v12 =	vld [tilespmem:s21+$0xFFFFFFE0];
	_ =	sdelay $0x2  }
0x75: {  	v13 =	vshrl.u32 v7, $0x13  }
0x76: {  	v14 =	vshrl.u32 v8, $0x13;
	v15 =	vshrl.u32 v8, $0x8;
	v17 =	vshrl.u32 v9, $0x13  }
0x77: {  	v10 =	vld [tilespmem:s21+$0xFFFFFFC0];
	v7 =	vshrl.u32 v7, $0x8;
	v61 =	vshrl.u32 v11, $0x13;
	v19 =	vshrl.u32 v12, $0x13  }
0x78: {  	v9 =	vshrl.u32 v9, $0x8;
	v11 =	vshrl.u32 v11, $0x8;
	v12 =	vshrl.u32 v12, $0x8  }
0x79: {  	v8 =	vand.u32 $0xFFF, v13;
	v7 =	vand.u32 $0x7FF, v7;
	v21 =	vand.u32 $0xFFF, v14  }
0x7a: {  	v17 =	vand.u32 $0xFFF, v17;
	v29 =	vand.u32 $0x7FF, v15;
	v9 =	vand.u32 $0x7FF, v9  }
0x7b: {  	v11 =	vand.u32 $0x7FF, v11;
	v63 =	vand.u32 $0x7FF, v12;
	vm0 =	veq.s32 v8, v5  }
0x7c: {  	vm1 =	veq.s32 v8, v4;
	v8 =	vshrl.u32 v10, $0x13;
	vm5 =	veq.s32 v21, v5  }
0x7d: {  	v16 =	vld [tilespmem:s21+$0xFFFFFFF0];
	vm2 =	veq.s32 v17, v5;
	v10 =	vshrl.u32 v10, $0x8;
	vm8 =	veq.s32 v21, v4  }
0x7e: {  	vm11 =	veq.s32 v17, v4;
	v18 =	vnsel vm0, $0x0, v6;
	vm7 =	vmor vm1, vm0  }
0x7f: {  	v13 =	vld [tilespmem:s21+$0xFFFFFF90];
	v22 =	vand.u32 $0xFFF, v8;
	v8 =	vand.u32 $0xFFF, v19;
	v62 =	vnsel vm5, $0x0, v6  }
0x80: {  	v24 =	vnsel vm2, $0x0, v6;
	v10 =	vand.u32 $0x7FF, v10;
	v7 =	vor.u32 v18, v7  }
0x81: {  	v18 =	vand.u32 $0xFFF, v61;
	vm3 =	veq.s32 v22, v5;
	vm4 =	veq.s32 v8, v5  }
0x82: {  	vm9 =	veq.s32 v22, v4;
	v20 =	vor.u32 v2, v7;
	v7 =	vshrl.u32 v16, $0x13  }
0x83: {  	vm1 =	veq.s32 v18, v5;
	v16 =	vshrl.u32 v16, $0x8;
	v25 =	vnsel vm3, $0x0, v6  }
0x84: {  	v14 =	vshrl.u32 v13, $0x13;
	v7 =	vand.u32 $0xFFF, v7;
	v13 =	vshrl.u32 v13, $0x8  }
0x85: {  	v26 =	vnsel vm1, $0x0, v6;
	v16 =	vand.u32 $0x7FF, v16;
	v12 =	vor.u32 v25, v10  }
0x86: {  	v23 =	vand.u32 $0xFFF, v14;
	vm0 =	veq.s32 v7, v5;
	v13 =	vand.u32 $0x7FF, v13  }
0x87: {  	v10 =	vor.u32 v26, v11;
	vm6 =	veq.s32 v23, v5;
	v28 =	vnsel vm0, $0x0, v6  }
0x88: {  	vm10 =	veq.s32 v23, v4;
	v14 =	vnsel vm6, $0x0, v6;
	v11 =	vor.u32 v28, v16  }
0x89: {  	v27 =	vnsel vm4, $0x0, v6;
	[tilespmem:v20+s16+$0x0] =	vst.idx.add.s32.msk vm7, v3;
	v15 =	vor.u32 v14, v13;
	v14 =	vor.u32 v62, v29  }
0x8a: {  	s22 =	simm.s32 $0x1F0;
	s21 =	simm.s32 $0x0;
	v13 =	vor.u32 v24, v9;
	v9 =	vor.u32 v27, v63;
	vm7 =	veq.s32 v18, v4  }
.LBB2_7:
0x8b: {  	v16 =	vld [tilespmem:s22+$0x0];
	s21 =	sadd.s32 $0x80, s21;
	v15 =	vor.u32 v2, v15;
	vm12 =	veq.s32 v8, v4;
	vm13 =	veq.s32 v7, v4  }
0x8c: {  	v8 =	vor.u32 v2, v14;
	v13 =	vor.u32 v2, v13;
	v12 =	vor.u32 v2, v12;
	v7 =	vld [tilespmem:s22+$0xFFFFFFA0];
	p0 =	slt.u32 s21, $0xF80  }
0x8d: {  	v10 =	vor.u32 v2, v10;
	v9 =	vor.u32 v2, v9;
	v11 =	vor.u32 v2, v11;
	v14 =	vld [tilespmem:s22+$0xFFFFFFB0]  }
0x8e: {  	vm10 =	vmor vm10, vm6;
	vm6 =	vmor vm8, vm5;
	vm5 =	vmor vm11, vm2;
	v17 =	vld [tilespmem:s22+$0xFFFFFFC0]  }
0x8f: {  	vm2 =	vmor vm9, vm3;
	vm1 =	vmor vm7, vm1;
	vm8 =	vmor vm12, vm4;
	v18 =	vld [tilespmem:s22+$0xFFFFFFD0]  }
0x90: {  	vm7 =	vmor vm13, vm0;
	v19 =	vld [tilespmem:s22+$0xFFFFFFE0];
	v20 =	vshrl.u32 v16, $0x13  }
0x91: {  	v21 =	vshrl.u32 v7, $0x13;
	v22 =	vshrl.u32 v7, $0x8;
	v23 =	vld [tilespmem:s22+$0xFFFFFFF0];
	v7 =	vand.u32 $0xFFF, v20  }
0x92: {  	v16 =	vshrl.u32 v16, $0x8;
	v20 =	vld [tilespmem:s22+$0xFFFFFF90];
	v24 =	vshrl.u32 v14, $0x13;
	vm0 =	veq.s32 v7, v5  }
0x93: {  	vm3 =	veq.s32 v7, v4;
	v7 =	vand.u32 $0x7FF, v16;
	v25 =	vnsel vm0, $0x0, v6  }
0x94: {  	v16 =	vshrl.u32 v17, $0x13;
	vm0 =	vmor vm3, vm0;
	v7 =	vor.u32 v25, v7;
	[tilespmem:v15+s16+$0x0] =	vst.idx.add.s32.msk vm10, v3  }
0x95: {  	v15 =	vshrl.u32 v18, $0x13;
	v25 =	vshrl.u32 v19, $0x13;
	v26 =	vor.u32 v2, v7;
	[tilespmem:v8+s16+$0x0] =	vst.idx.add.s32.msk vm6, v3  }
0x96: {  	v21 =	vand.u32 $0xFFF, v21;
	v24 =	vand.u32 $0xFFF, v24;
	v7 =	vshrl.u32 v23, $0x13;
	[tilespmem:v13+s16+$0x0] =	vst.idx.add.s32.msk vm5, v3  }
0x97: {  	v16 =	vand.u32 $0xFFF, v16;
	v27 =	vand.u32 $0xFFF, v15;
	v8 =	vshrl.u32 v20, $0x13;
	[tilespmem:v12+s16+$0x0] =	vst.idx.add.s32.msk vm2, v3  }
0x98: {  	v7 =	vand.u32 $0xFFF, v7;
	v28 =	vand.u32 $0xFFF, v8;
	v8 =	vand.u32 $0xFFF, v25;
	[tilespmem:v10+s16+$0x0] =	vst.idx.add.s32.msk vm1, v3  }
0x99: {  	vm5 =	veq.s32 v21, v5;
	vm2 =	veq.s32 v24, v5;
	vm6 =	veq.s32 v28, v5  }
0x9a: {  	vm3 =	veq.s32 v16, v5;
	v10 =	vshrl.u32 v20, $0x8;
	vm1 =	veq.s32 v27, v5;
	[tilespmem:v26+s16+$0x0] =	vst.idx.add.s32.msk vm0, v3  }
0x9b: {  	v12 =	vshrl.u32 v14, $0x8;
	vm4 =	veq.s32 v8, v5;
	vm0 =	veq.s32 v7, v5;
	[tilespmem:v9+s16+$0x0] =	vst.idx.add.s32.msk vm8, v3  }
0x9c: {  	v13 =	vshrl.u32 v18, $0x8;
	v14 =	vshrl.u32 v19, $0x8;
	v9 =	vshrl.u32 v17, $0x8;
	[tilespmem:v11+s16+$0x0] =	vst.idx.add.s32.msk vm7, v3  }
0x9d: {  	v15 =	vshrl.u32 v23, $0x8;
	v17 =	vnsel vm5, $0x0, v6;
	v11 =	vnsel vm6, $0x0, v6  }
0x9e: {  	v19 =	vnsel vm3, $0x0, v6;
	v18 =	vnsel vm2, $0x0, v6;
	v20 =	vnsel vm1, $0x0, v6  }
0x9f: {  	v10 =	vand.u32 $0x7FF, v10;
	v23 =	vnsel vm4, $0x0, v6;
	v25 =	vnsel vm0, $0x0, v6  }
0xa0: {  	v22 =	vand.u32 $0x7FF, v22;
	v12 =	vand.u32 $0x7FF, v12;
	v9 =	vand.u32 $0x7FF, v9  }
.Ltmp2:
0xa1: {  	v30 =	vand.u32 $0x7FF, v15;
	v29 =	vand.u32 $0x7FF, v14;
	v26 =	vand.u32 $0x7FF, v13;
	(pc) =	sbr.rel @p0 .LBB2_7-.Ltmp2, $4  }
0xa2: {  	v13 =	vor.u32 v18, v12;
	v14 =	vor.u32 v17, v22;
	v15 =	vor.u32 v11, v10  }
0xa3: {  	v12 =	vor.u32 v19, v9;
	v10 =	vor.u32 v20, v26;
	v9 =	vor.u32 v23, v29  }
0xa4: {  	vm10 =	veq.s32 v28, v4;
	vm8 =	veq.s32 v21, v4;
	v11 =	vor.u32 v25, v30  }
0xa5: {  	s22 =	sadd.s32 $0x100, s22;
	vm11 =	veq.s32 v24, v4;
	vm9 =	veq.s32 v16, v4;
	vm7 =	veq.s32 v27, v4  }
0xa6: {  	vm6 =	vmor vm10, vm6  }
0xa7: {  	v15 =	vor.u32 v2, v15;
	vm5 =	vmor vm8, vm5  }
0xa8: {  	v14 =	vor.u32 v2, v14;
	vm2 =	vmor vm11, vm2  }
0xa9: {  	v13 =	vor.u32 v2, v13;
	vm3 =	vmor vm9, vm3  }
0xaa: {  	vm8 =	veq.s32 v8, v4;
	v8 =	vor.u32 v2, v12;
	vm1 =	vmor vm7, vm1  }
0xab: {  	vm7 =	veq.s32 v7, v4;
	v7 =	vor.u32 v2, v10;
	vm4 =	vmor vm8, vm4  }
0xac: {  	v9 =	vor.u32 v2, v9;
	s21 =	sshll.u32 s20, $0x1;
	vm0 =	vmor vm7, vm0;
	[tilespmem:v15+s16+$0x0] =	vst.idx.add.s32.msk vm6, v3  }
0xad: {  	v10 =	vor.u32 v2, v11;
	s21 =	smin.u32 s21, $0x3C;
	[tilespmem:v14+s16+$0x0] =	vst.idx.add.s32.msk vm5, v3  }
0xae: {  	s21 =	sadd.s32 $0x2, s21;
	[tilespmem:v13+s16+$0x0] =	vst.idx.add.s32.msk vm2, v3  }
0xaf: {  	s22 =	sshll.u32 s21, $0xA;
	s21 =	sshll.u32 s21, $0x5;
	[tilespmem:v8+s16+$0x0] =	vst.idx.add.s32.msk vm3, v3  }
0xb0: {  	s22 =	sadd.s32 s5, s22;
	s21 =	sand.u32 $0x40, s21;
	[tilespmem:v7+s16+$0x0] =	vst.idx.add.s32.msk vm1, v3  }
0xb1: {  	s22 =	sand.u32 $0x3FF000, s22;
	s21 =	sadd.s32 s1, s21;
	[tilespmem:v9+s16+$0x0] =	vst.idx.add.s32.msk vm4, v3  }
0xb2: {  	s21 =	sadd.s32 s22, s21;
	[tilespmem:v10+s16+$0x0] =	vst.idx.add.s32.msk vm0, v3  }
0xb3: {  	[tilespmem:s3], [sflag:$0x1] =	stream.strided.gather [hbm4b:s21+s12], $0x2000, s13, s12, $0x38;
	[tilespmem:$0x14080] =	vst v63  }
0xb4: {  	_ =	swait.ge [sflag:s17], $0x2000  }
0xb5: {  	[sflag:s17] =	ssyncset.done $0x0  }
0xb6: {  	s31 =	simm.s32 $0x2040;
	[sflag:s17] =	ssyncadd.s32 $0xFFFFE000  }
0xb7: {  	v7 =	vld [tilespmem:s31+$0x30]  }
0xb8: {  	v8 =	vld [tilespmem:s31+$0xFFFFFFD0]  }
0xb9: {  	v9 =	vld [tilespmem:s31+$0xFFFFFFE0]  }
0xba: {  	v11 =	vld [tilespmem:s31+$0x0]  }
0xbb: {  	v12 =	vld [tilespmem:s31+$0x10];
	_ =	sdelay $0x2  }
0xbc: {  	v13 =	vshrl.u32 v7, $0x13  }
0xbd: {  	v14 =	vshrl.u32 v8, $0x13;
	v15 =	vshrl.u32 v8, $0x8;
	v17 =	vshrl.u32 v9, $0x13  }
0xbe: {  	v10 =	vld [tilespmem:s31+$0xFFFFFFF0];
	v7 =	vshrl.u32 v7, $0x8;
	v61 =	vshrl.u32 v11, $0x13;
	v19 =	vshrl.u32 v12, $0x13  }
0xbf: {  	v9 =	vshrl.u32 v9, $0x8;
	v11 =	vshrl.u32 v11, $0x8;
	v12 =	vshrl.u32 v12, $0x8  }
0xc0: {  	v8 =	vand.u32 $0xFFF, v13;
	v7 =	vand.u32 $0x7FF, v7;
	v21 =	vand.u32 $0xFFF, v14  }
0xc1: {  	v17 =	vand.u32 $0xFFF, v17;
	v29 =	vand.u32 $0x7FF, v15;
	v9 =	vand.u32 $0x7FF, v9  }
0xc2: {  	v11 =	vand.u32 $0x7FF, v11;
	v63 =	vand.u32 $0x7FF, v12;
	vm0 =	veq.s32 v8, v5  }
0xc3: {  	vm1 =	veq.s32 v8, v4;
	v8 =	vshrl.u32 v10, $0x13;
	vm5 =	veq.s32 v21, v5  }
0xc4: {  	v16 =	vld [tilespmem:s31+$0x20];
	vm2 =	veq.s32 v17, v5;
	v10 =	vshrl.u32 v10, $0x8;
	vm8 =	veq.s32 v21, v4  }
0xc5: {  	vm11 =	veq.s32 v17, v4;
	v18 =	vnsel vm0, $0x0, v6;
	vm7 =	vmor vm1, vm0  }
0xc6: {  	v13 =	vld [tilespmem:s31+$0xFFFFFFC0];
	v22 =	vand.u32 $0xFFF, v8;
	v8 =	vand.u32 $0xFFF, v19;
	v62 =	vnsel vm5, $0x0, v6  }
0xc7: {  	v24 =	vnsel vm2, $0x0, v6;
	v10 =	vand.u32 $0x7FF, v10;
	v7 =	vor.u32 v18, v7  }
0xc8: {  	v18 =	vand.u32 $0xFFF, v61;
	vm3 =	veq.s32 v22, v5;
	vm4 =	veq.s32 v8, v5  }
0xc9: {  	vm10 =	veq.s32 v22, v4;
	v20 =	vor.u32 v2, v7;
	v7 =	vshrl.u32 v16, $0x13  }
0xca: {  	vm1 =	veq.s32 v18, v5;
	v16 =	vshrl.u32 v16, $0x8;
	v25 =	vnsel vm3, $0x0, v6  }
0xcb: {  	v14 =	vshrl.u32 v13, $0x13;
	v7 =	vand.u32 $0xFFF, v7;
	v13 =	vshrl.u32 v13, $0x8  }
0xcc: {  	v26 =	vnsel vm1, $0x0, v6;
	v16 =	vand.u32 $0x7FF, v16;
	v12 =	vor.u32 v25, v10  }
0xcd: {  	v23 =	vand.u32 $0xFFF, v14;
	vm0 =	veq.s32 v7, v5;
	v13 =	vand.u32 $0x7FF, v13  }
0xce: {  	v10 =	vor.u32 v26, v11;
	vm6 =	veq.s32 v23, v5;
	v28 =	vnsel vm0, $0x0, v6  }
0xcf: {  	vm9 =	veq.s32 v23, v4;
	v14 =	vnsel vm6, $0x0, v6;
	v11 =	vor.u32 v28, v16  }
0xd0: {  	v27 =	vnsel vm4, $0x0, v6;
	[tilespmem:v20+s16+$0x0] =	vst.idx.add.s32.msk vm7, v3;
	v15 =	vor.u32 v14, v13;
	v14 =	vor.u32 v62, v29  }
0xd1: {  	s23 =	simm.s32 $0x2140;
	s22 =	simm.s32 $0x0;
	s21 =	simm.s32 $0x20F0;
	v13 =	vor.u32 v24, v9;
	v9 =	vor.u32 v27, v63;
	vm7 =	veq.s32 v18, v4  }
.LBB2_9:
0xd2: {  	v16 =	vld [tilespmem:s23+$0x30];
	s22 =	sadd.s32 $0x80, s22;
	v15 =	vor.u32 v2, v15;
	vm12 =	veq.s32 v8, v4;
	vm13 =	veq.s32 v7, v4  }
0xd3: {  	v8 =	vor.u32 v2, v14;
	v13 =	vor.u32 v2, v13;
	v12 =	vor.u32 v2, v12;
	v7 =	vld [tilespmem:s23+$0xFFFFFFD0];
	p0 =	slt.u32 s22, $0xF80  }
0xd4: {  	v10 =	vor.u32 v2, v10;
	v9 =	vor.u32 v2, v9;
	v11 =	vor.u32 v2, v11;
	v14 =	vld [tilespmem:s23+$0xFFFFFFE0]  }
0xd5: {  	vm9 =	vmor vm9, vm6;
	vm6 =	vmor vm8, vm5;
	vm5 =	vmor vm11, vm2;
	v17 =	vld [tilespmem:s23+$0xFFFFFFF0]  }
0xd6: {  	vm2 =	vmor vm10, vm3;
	vm1 =	vmor vm7, vm1;
	vm8 =	vmor vm12, vm4;
	v18 =	vld [tilespmem:s23+$0x0]  }
0xd7: {  	vm7 =	vmor vm13, vm0;
	v19 =	vld [tilespmem:s23+$0x10];
	v20 =	vshrl.u32 v16, $0x13  }
0xd8: {  	v21 =	vshrl.u32 v7, $0x13;
	v22 =	vshrl.u32 v7, $0x8;
	v23 =	vld [tilespmem:s23+$0x20];
	v7 =	vand.u32 $0xFFF, v20  }
0xd9: {  	v16 =	vshrl.u32 v16, $0x8;
	v20 =	vld [tilespmem:s23+$0xFFFFFFC0];
	v24 =	vshrl.u32 v14, $0x13;
	vm0 =	veq.s32 v7, v5  }
0xda: {  	vm3 =	veq.s32 v7, v4;
	v7 =	vand.u32 $0x7FF, v16;
	v25 =	vnsel vm0, $0x0, v6  }
0xdb: {  	v16 =	vshrl.u32 v17, $0x13;
	vm0 =	vmor vm3, vm0;
	v7 =	vor.u32 v25, v7;
	[tilespmem:v15+s16+$0x0] =	vst.idx.add.s32.msk vm9, v3  }
0xdc: {  	v15 =	vshrl.u32 v18, $0x13;
	v25 =	vshrl.u32 v19, $0x13;
	v26 =	vor.u32 v2, v7;
	[tilespmem:v8+s16+$0x0] =	vst.idx.add.s32.msk vm6, v3  }
0xdd: {  	v21 =	vand.u32 $0xFFF, v21;
	v24 =	vand.u32 $0xFFF, v24;
	v7 =	vshrl.u32 v23, $0x13;
	[tilespmem:v13+s16+$0x0] =	vst.idx.add.s32.msk vm5, v3  }
0xde: {  	v16 =	vand.u32 $0xFFF, v16;
	v27 =	vand.u32 $0xFFF, v15;
	v8 =	vshrl.u32 v20, $0x13;
	[tilespmem:v12+s16+$0x0] =	vst.idx.add.s32.msk vm2, v3  }
0xdf: {  	v7 =	vand.u32 $0xFFF, v7;
	v28 =	vand.u32 $0xFFF, v8;
	v8 =	vand.u32 $0xFFF, v25;
	[tilespmem:v10+s16+$0x0] =	vst.idx.add.s32.msk vm1, v3  }
0xe0: {  	vm5 =	veq.s32 v21, v5;
	vm2 =	veq.s32 v24, v5;
	vm6 =	veq.s32 v28, v5  }
0xe1: {  	vm3 =	veq.s32 v16, v5;
	v10 =	vshrl.u32 v20, $0x8;
	vm1 =	veq.s32 v27, v5;
	[tilespmem:v26+s16+$0x0] =	vst.idx.add.s32.msk vm0, v3  }
0xe2: {  	v12 =	vshrl.u32 v14, $0x8;
	vm4 =	veq.s32 v8, v5;
	vm0 =	veq.s32 v7, v5;
	[tilespmem:v9+s16+$0x0] =	vst.idx.add.s32.msk vm8, v3  }
0xe3: {  	v13 =	vshrl.u32 v18, $0x8;
	v14 =	vshrl.u32 v19, $0x8;
	v9 =	vshrl.u32 v17, $0x8;
	[tilespmem:v11+s16+$0x0] =	vst.idx.add.s32.msk vm7, v3  }
0xe4: {  	v15 =	vshrl.u32 v23, $0x8;
	v17 =	vnsel vm5, $0x0, v6;
	v11 =	vnsel vm6, $0x0, v6  }
0xe5: {  	v19 =	vnsel vm3, $0x0, v6;
	v18 =	vnsel vm2, $0x0, v6;
	v20 =	vnsel vm1, $0x0, v6  }
0xe6: {  	v10 =	vand.u32 $0x7FF, v10;
	v23 =	vnsel vm4, $0x0, v6;
	v25 =	vnsel vm0, $0x0, v6  }
0xe7: {  	v22 =	vand.u32 $0x7FF, v22;
	v12 =	vand.u32 $0x7FF, v12;
	v9 =	vand.u32 $0x7FF, v9  }
.Ltmp3:
0xe8: {  	v30 =	vand.u32 $0x7FF, v15;
	v29 =	vand.u32 $0x7FF, v14;
	v26 =	vand.u32 $0x7FF, v13;
	(pc) =	sbr.rel @p0 .LBB2_9-.Ltmp3, $4  }
0xe9: {  	v13 =	vor.u32 v18, v12;
	v14 =	vor.u32 v17, v22;
	v15 =	vor.u32 v11, v10  }
0xea: {  	v12 =	vor.u32 v19, v9;
	v10 =	vor.u32 v20, v26;
	v9 =	vor.u32 v23, v29  }
0xeb: {  	vm9 =	veq.s32 v28, v4;
	vm8 =	veq.s32 v21, v4;
	v11 =	vor.u32 v25, v30  }
0xec: {  	s23 =	sadd.s32 $0x100, s23;
	vm11 =	veq.s32 v24, v4;
	vm10 =	veq.s32 v16, v4;
	vm7 =	veq.s32 v27, v4  }
0xed: {  	vm6 =	vmor vm9, vm6  }
0xee: {  	v15 =	vor.u32 v2, v15;
	vm5 =	vmor vm8, vm5  }
0xef: {  	v14 =	vor.u32 v2, v14;
	vm2 =	vmor vm11, vm2  }
0xf0: {  	v13 =	vor.u32 v2, v13;
	vm3 =	vmor vm10, vm3  }
0xf1: {  	vm8 =	veq.s32 v8, v4;
	v8 =	vor.u32 v2, v12;
	vm1 =	vmor vm7, vm1  }
0xf2: {  	vm7 =	veq.s32 v7, v4;
	v7 =	vor.u32 v2, v10;
	vm4 =	vmor vm8, vm4  }
0xf3: {  	v9 =	vor.u32 v2, v9;
	vm0 =	vmor vm7, vm0;
	[tilespmem:v15+s16+$0x0] =	vst.idx.add.s32.msk vm6, v3  }
0xf4: {  	v10 =	vor.u32 v2, v11;
	[tilespmem:v14+s16+$0x0] =	vst.idx.add.s32.msk vm5, v3  }
0xf5: {  	[tilespmem:v13+s16+$0x0] =	vst.idx.add.s32.msk vm2, v3  }
0xf6: {  	[tilespmem:v8+s16+$0x0] =	vst.idx.add.s32.msk vm3, v3  }
0xf7: {  	[tilespmem:v7+s16+$0x0] =	vst.idx.add.s32.msk vm1, v3  }
0xf8: {  	[tilespmem:v9+s16+$0x0] =	vst.idx.add.s32.msk vm4, v3  }
0xf9: {  	[tilespmem:v10+s16+$0x0] =	vst.idx.add.s32.msk vm0, v3  }
0xfa: {  	v7 =	vld [tilespmem:s21+$0x0]  }
0xfb: {  	v8 =	vld [tilespmem:s21+$0xFFFFFFA0]  }
0xfc: {  	v9 =	vld [tilespmem:s21+$0xFFFFFFB0]  }
0xfd: {  	v11 =	vld [tilespmem:s21+$0xFFFFFFD0]  }
0xfe: {  	v12 =	vld [tilespmem:s21+$0xFFFFFFE0];
	_ =	sdelay $0x2  }
0xff: {  	v13 =	vshrl.u32 v7, $0x13  }
0x100: {  	v14 =	vshrl.u32 v8, $0x13;
	v15 =	vshrl.u32 v8, $0x8;
	v17 =	vshrl.u32 v9, $0x13  }
0x101: {  	v10 =	vld [tilespmem:s21+$0xFFFFFFC0];
	v7 =	vshrl.u32 v7, $0x8;
	v61 =	vshrl.u32 v11, $0x13;
	v19 =	vshrl.u32 v12, $0x13  }
0x102: {  	v9 =	vshrl.u32 v9, $0x8;
	v11 =	vshrl.u32 v11, $0x8;
	v12 =	vshrl.u32 v12, $0x8  }
0x103: {  	v8 =	vand.u32 $0xFFF, v13;
	v7 =	vand.u32 $0x7FF, v7;
	v21 =	vand.u32 $0xFFF, v14  }
0x104: {  	v17 =	vand.u32 $0xFFF, v17;
	v29 =	vand.u32 $0x7FF, v15;
	v9 =	vand.u32 $0x7FF, v9  }
0x105: {  	v11 =	vand.u32 $0x7FF, v11;
	v63 =	vand.u32 $0x7FF, v12;
	vm0 =	veq.s32 v8, v5  }
0x106: {  	vm1 =	veq.s32 v8, v4;
	v8 =	vshrl.u32 v10, $0x13;
	vm5 =	veq.s32 v21, v5  }
0x107: {  	v16 =	vld [tilespmem:s21+$0xFFFFFFF0];
	vm2 =	veq.s32 v17, v5;
	v10 =	vshrl.u32 v10, $0x8;
	vm8 =	veq.s32 v21, v4  }
0x108: {  	vm11 =	veq.s32 v17, v4;
	v18 =	vnsel vm0, $0x0, v6;
	vm7 =	vmor vm1, vm0  }
0x109: {  	v13 =	vld [tilespmem:s21+$0xFFFFFF90];
	v22 =	vand.u32 $0xFFF, v8;
	v8 =	vand.u32 $0xFFF, v19;
	v62 =	vnsel vm5, $0x0, v6  }
0x10a: {  	v24 =	vnsel vm2, $0x0, v6;
	v10 =	vand.u32 $0x7FF, v10;
	v7 =	vor.u32 v18, v7  }
0x10b: {  	v18 =	vand.u32 $0xFFF, v61;
	vm3 =	veq.s32 v22, v5;
	vm4 =	veq.s32 v8, v5  }
0x10c: {  	vm9 =	veq.s32 v22, v4;
	v20 =	vor.u32 v2, v7;
	v7 =	vshrl.u32 v16, $0x13  }
0x10d: {  	vm1 =	veq.s32 v18, v5;
	v16 =	vshrl.u32 v16, $0x8;
	v25 =	vnsel vm3, $0x0, v6  }
0x10e: {  	v14 =	vshrl.u32 v13, $0x13;
	v7 =	vand.u32 $0xFFF, v7;
	v13 =	vshrl.u32 v13, $0x8  }
0x10f: {  	v26 =	vnsel vm1, $0x0, v6;
	v16 =	vand.u32 $0x7FF, v16;
	v12 =	vor.u32 v25, v10  }
0x110: {  	v23 =	vand.u32 $0xFFF, v14;
	vm0 =	veq.s32 v7, v5;
	v13 =	vand.u32 $0x7FF, v13  }
0x111: {  	v10 =	vor.u32 v26, v11;
	vm6 =	veq.s32 v23, v5;
	v28 =	vnsel vm0, $0x0, v6  }
0x112: {  	vm10 =	veq.s32 v23, v4;
	v14 =	vnsel vm6, $0x0, v6;
	v11 =	vor.u32 v28, v16  }
0x113: {  	v27 =	vnsel vm4, $0x0, v6;
	[tilespmem:v20+s16+$0x0] =	vst.idx.add.s32.msk vm7, v3;
	v15 =	vor.u32 v14, v13;
	v14 =	vor.u32 v62, v29  }
0x114: {  	s22 =	simm.s32 $0x21F0;
	s21 =	simm.s32 $0x0;
	v13 =	vor.u32 v24, v9;
	v9 =	vor.u32 v27, v63;
	vm7 =	veq.s32 v18, v4  }
.LBB2_11:
0x115: {  	v16 =	vld [tilespmem:s22+$0x0];
	s21 =	sadd.s32 $0x80, s21;
	v15 =	vor.u32 v2, v15;
	vm12 =	veq.s32 v8, v4;
	vm13 =	veq.s32 v7, v4  }
0x116: {  	v8 =	vor.u32 v2, v14;
	v13 =	vor.u32 v2, v13;
	v12 =	vor.u32 v2, v12;
	v7 =	vld [tilespmem:s22+$0xFFFFFFA0];
	p0 =	slt.u32 s21, $0xF80  }
0x117: {  	v10 =	vor.u32 v2, v10;
	v9 =	vor.u32 v2, v9;
	v11 =	vor.u32 v2, v11;
	v14 =	vld [tilespmem:s22+$0xFFFFFFB0]  }
0x118: {  	vm10 =	vmor vm10, vm6;
	vm6 =	vmor vm8, vm5;
	vm5 =	vmor vm11, vm2;
	v17 =	vld [tilespmem:s22+$0xFFFFFFC0]  }
0x119: {  	vm2 =	vmor vm9, vm3;
	vm1 =	vmor vm7, vm1;
	vm8 =	vmor vm12, vm4;
	v18 =	vld [tilespmem:s22+$0xFFFFFFD0]  }
0x11a: {  	vm7 =	vmor vm13, vm0;
	v19 =	vld [tilespmem:s22+$0xFFFFFFE0];
	v20 =	vshrl.u32 v16, $0x13  }
0x11b: {  	v21 =	vshrl.u32 v7, $0x13;
	v22 =	vshrl.u32 v7, $0x8;
	v23 =	vld [tilespmem:s22+$0xFFFFFFF0];
	v7 =	vand.u32 $0xFFF, v20  }
0x11c: {  	v16 =	vshrl.u32 v16, $0x8;
	v20 =	vld [tilespmem:s22+$0xFFFFFF90];
	v24 =	vshrl.u32 v14, $0x13;
	vm0 =	veq.s32 v7, v5  }
0x11d: {  	vm3 =	veq.s32 v7, v4;
	v7 =	vand.u32 $0x7FF, v16;
	v25 =	vnsel vm0, $0x0, v6  }
0x11e: {  	v16 =	vshrl.u32 v17, $0x13;
	vm0 =	vmor vm3, vm0;
	v7 =	vor.u32 v25, v7;
	[tilespmem:v15+s16+$0x0] =	vst.idx.add.s32.msk vm10, v3  }
0x11f: {  	v15 =	vshrl.u32 v18, $0x13;
	v25 =	vshrl.u32 v19, $0x13;
	v26 =	vor.u32 v2, v7;
	[tilespmem:v8+s16+$0x0] =	vst.idx.add.s32.msk vm6, v3  }
0x120: {  	v21 =	vand.u32 $0xFFF, v21;
	v24 =	vand.u32 $0xFFF, v24;
	v7 =	vshrl.u32 v23, $0x13;
	[tilespmem:v13+s16+$0x0] =	vst.idx.add.s32.msk vm5, v3  }
0x121: {  	v16 =	vand.u32 $0xFFF, v16;
	v27 =	vand.u32 $0xFFF, v15;
	v8 =	vshrl.u32 v20, $0x13;
	[tilespmem:v12+s16+$0x0] =	vst.idx.add.s32.msk vm2, v3  }
0x122: {  	v7 =	vand.u32 $0xFFF, v7;
	v28 =	vand.u32 $0xFFF, v8;
	v8 =	vand.u32 $0xFFF, v25;
	[tilespmem:v10+s16+$0x0] =	vst.idx.add.s32.msk vm1, v3  }
0x123: {  	vm5 =	veq.s32 v21, v5;
	vm2 =	veq.s32 v24, v5;
	vm6 =	veq.s32 v28, v5  }
0x124: {  	vm3 =	veq.s32 v16, v5;
	v10 =	vshrl.u32 v20, $0x8;
	vm1 =	veq.s32 v27, v5;
	[tilespmem:v26+s16+$0x0] =	vst.idx.add.s32.msk vm0, v3  }
0x125: {  	v12 =	vshrl.u32 v14, $0x8;
	vm4 =	veq.s32 v8, v5;
	vm0 =	veq.s32 v7, v5;
	[tilespmem:v9+s16+$0x0] =	vst.idx.add.s32.msk vm8, v3  }
0x126: {  	v13 =	vshrl.u32 v18, $0x8;
	v14 =	vshrl.u32 v19, $0x8;
	v9 =	vshrl.u32 v17, $0x8;
	[tilespmem:v11+s16+$0x0] =	vst.idx.add.s32.msk vm7, v3  }
0x127: {  	v15 =	vshrl.u32 v23, $0x8;
	v17 =	vnsel vm5, $0x0, v6;
	v11 =	vnsel vm6, $0x0, v6  }
0x128: {  	v19 =	vnsel vm3, $0x0, v6;
	v18 =	vnsel vm2, $0x0, v6;
	v20 =	vnsel vm1, $0x0, v6  }
0x129: {  	v10 =	vand.u32 $0x7FF, v10;
	v23 =	vnsel vm4, $0x0, v6;
	v25 =	vnsel vm0, $0x0, v6  }
0x12a: {  	v22 =	vand.u32 $0x7FF, v22;
	v12 =	vand.u32 $0x7FF, v12;
	v9 =	vand.u32 $0x7FF, v9  }
.Ltmp4:
0x12b: {  	v30 =	vand.u32 $0x7FF, v15;
	v29 =	vand.u32 $0x7FF, v14;
	v26 =	vand.u32 $0x7FF, v13;
	(pc) =	sbr.rel @p0 .LBB2_11-.Ltmp4, $4  }
0x12c: {  	v13 =	vor.u32 v18, v12;
	v14 =	vor.u32 v17, v22;
	v15 =	vor.u32 v11, v10  }
0x12d: {  	v12 =	vor.u32 v19, v9;
	v10 =	vor.u32 v20, v26;
	v9 =	vor.u32 v23, v29  }
0x12e: {  	vm10 =	veq.s32 v28, v4;
	vm8 =	veq.s32 v21, v4;
	v11 =	vor.u32 v25, v30  }
0x12f: {  	s22 =	sadd.s32 $0x100, s22;
	vm11 =	veq.s32 v24, v4;
	vm9 =	veq.s32 v16, v4;
	vm7 =	veq.s32 v27, v4  }
0x130: {  	vm6 =	vmor vm10, vm6  }
0x131: {  	v15 =	vor.u32 v2, v15;
	vm5 =	vmor vm8, vm5  }
0x132: {  	v14 =	vor.u32 v2, v14;
	vm2 =	vmor vm11, vm2  }
0x133: {  	v13 =	vor.u32 v2, v13;
	vm3 =	vmor vm9, vm3  }
0x134: {  	vm14 =	veq.s32 v8, v4;
	v8 =	vor.u32 v2, v12;
	vm1 =	vmor vm7, vm1  }
0x135: {  	vm15 =	veq.s32 v7, v4;
	v7 =	vor.u32 v2, v10;
	vm4 =	vmor vm14, vm4  }
0x136: {  	v9 =	vor.u32 v2, v9;
	s20 =	sadd.s32 $0x1, s20;
	vm0 =	vmor vm15, vm0;
	[tilespmem:v15+s16+$0x0] =	vst.idx.add.s32.msk vm6, v3  }
0x137: {  	v63 =	vor.u32 v2, v11;
	p0 =	sne.s32 s20, $0x20;
	[tilespmem:v14+s16+$0x0] =	vst.idx.add.s32.msk vm5, v3  }
.Ltmp5:
0x138: {  	[tilespmem:v13+s16+$0x0] =	vst.idx.add.s32.msk vm2, v3;
	(pc) =	sbr.rel @p0 .LBB2_4-.Ltmp5, $4  }
0x139: {  	[tilespmem:v8+s16+$0x0] =	vst.idx.add.s32.msk vm3, v3  }
0x13a: {  	[tilespmem:v7+s16+$0x0] =	vst.idx.add.s32.msk vm1, v3  }
0x13b: {  	[tilespmem:v9+s16+$0x0] =	vst.idx.add.s32.msk vm4, v3  }
0x13c: {  	[tilespmem:v63+s16+$0x0] =	vst.idx.add.s32.msk vm0, v3  }
0x13d: {  	_ =	swait.ge [sflag:s15], $0x2000  }
0x13e: {  	[sflag:s15] =	ssyncset.done $0x0  }
0x13f: {  	s21 =	simm.s32 $0xB8B0;
	s22 =	simm.s32 $0x0;
	[sflag:s15] =	ssyncadd.s32 $0xFFFFE000  }
0x140: {  	s20 =	sand.u32 $0x7C0, s22;
	v4 =	vld [tilespmem:s21+$0xFFFF87D0]  }
0x141: {  	v5 =	vld [tilespmem:s20+$0x4880]  }
0x142: {  	v6 =	vld [tilespmem:s20+$0x5080]  }
0x143: {  	v7 =	vld [tilespmem:s20+$0x5880]  }
0x144: {  	v8 =	vld [tilespmem:s20+$0x6080]  }
0x145: {  	v9 =	vld [tilespmem:s20+$0x6880]  }
0x146: {  	v10 =	vld [tilespmem:s20+$0x7080]  }
0x147: {  	v11 =	vld [tilespmem:s20+$0x7880]  }
0x148: {  	v12 =	vld [tilespmem:s20+$0x8080]  }
0x149: {  	v13 =	vld [tilespmem:s20+$0x8880]  }
0x14a: {  	v14 =	vld [tilespmem:s20+$0x9080]  }
0x14b: {  	v15 =	vld [tilespmem:s20+$0x9880]  }
0x14c: {  	v16 =	vld [tilespmem:s20+$0xA080]  }
0x14d: {  	v17 =	vld [tilespmem:s20+$0xA880]  }
0x14e: {  	v18 =	vld [tilespmem:s20+$0xB080]  }
0x14f: {  	v19 =	vld [tilespmem:s20+$0xB880]  }
0x150: {  	v20 =	vld [tilespmem:s21+$0xFFFF87E0]  }
0x151: {  	v21 =	vld [tilespmem:s21+$0xFFFF8FE0]  }
0x152: {  	v22 =	vld [tilespmem:s21+$0xFFFF87F0]  }
0x153: {  	v23 =	vld [tilespmem:s21+$0xFFFF8FF0]  }
0x154: {  	v24 =	vld [tilespmem:s21+$0xFFFF8800]  }
0x155: {  	v25 =	vld [tilespmem:s21+$0xFFFF9000]  }
0x156: {  	v26 =	vld [tilespmem:s21+$0xFFFF97E0]  }
0x157: {  	v27 =	vld [tilespmem:s21+$0xFFFF97F0]  }
0x158: {  	v28 =	vld [tilespmem:s21+$0xFFFF9800]  }
0x159: {  	v29 =	vld [tilespmem:s21+$0xFFFF9FE0]  }
0x15a: {  	v30 =	vld [tilespmem:s21+$0xFFFF9FF0]  }
0x15b: {  	v31 =	vld [tilespmem:s21+$0xFFFFA000]  }
0x15c: {  	v32 =	vld [tilespmem:s21+$0xFFFFA7E0]  }
0x15d: {  	v33 =	vld [tilespmem:s21+$0xFFFFA7F0]  }
0x15e: {  	v34 =	vld [tilespmem:s21+$0xFFFFA800]  }
0x15f: {  	v35 =	vld [tilespmem:s21+$0xFFFFAFE0]  }
0x160: {  	v36 =	vld [tilespmem:s21+$0xFFFFAFF0]  }
0x161: {  	v37 =	vld [tilespmem:s21+$0xFFFFB000]  }
0x162: {  	v38 =	vld [tilespmem:s21+$0xFFFFB7E0]  }
0x163: {  	v47 =	vld [tilespmem:s21+$0xFFFFC800]  }
0x164: {  	v48 =	vld [tilespmem:s21+$0xFFFFCFE0];
	v4 =	vadd.s32 v4, v5  }
0x165: {  	v49 =	vld [tilespmem:s21+$0xFFFFCFF0];
	v4 =	vadd.s32 v6, v4  }
0x166: {  	v50 =	vld [tilespmem:s21+$0xFFFFD000];
	v4 =	vadd.s32 v7, v4  }
0x167: {  	v51 =	vld [tilespmem:s21+$0xFFFFD7E0];
	v4 =	vadd.s32 v8, v4  }
0x168: {  	v52 =	vld [tilespmem:s21+$0xFFFFD7F0];
	v4 =	vadd.s32 v9, v4  }
0x169: {  	v53 =	vld [tilespmem:s21+$0xFFFFD800];
	v4 =	vadd.s32 v10, v4  }
0x16a: {  	v39 =	vld [tilespmem:s21+$0xFFFFDFE0];
	v4 =	vadd.s32 v11, v4  }
0x16b: {  	v56 =	vld [tilespmem:s21+$0xFFFFDFF0];
	v4 =	vadd.s32 v12, v4  }
0x16c: {  	v57 =	vld [tilespmem:s21+$0xFFFFE000];
	v4 =	vadd.s32 v13, v4  }
0x16d: {  	v58 =	vld [tilespmem:s21+$0xFFFFE7E0];
	v4 =	vadd.s32 v14, v4  }
0x16e: {  	v5 =	vld [tilespmem:s21+$0xFFFFB7F0];
	v4 =	vadd.s32 v15, v4  }
0x16f: {  	v6 =	vld [tilespmem:s21+$0xFFFFB800];
	v4 =	vadd.s32 v16, v4  }
0x170: {  	v7 =	vld [tilespmem:s21+$0xFFFFBFE0];
	v4 =	vadd.s32 v17, v4  }
0x171: {  	v54 =	vadd.s32 v22, v23;
	v8 =	vld [tilespmem:s21+$0xFFFFBFF0];
	v4 =	vadd.s32 v18, v4  }
0x172: {  	v55 =	vadd.s32 v24, v25;
	v9 =	vld [tilespmem:s21+$0xFFFFC000];
	v19 =	vadd.s32 v19, v4;
	v4 =	vadd.s32 v20, v21  }
0x173: {  	v10 =	vld [tilespmem:s21+$0xFFFFC7E0];
	v20 =	vadd.s32 v27, v54;
	v21 =	vadd.s32 v28, v55;
	v4 =	vadd.s32 v26, v4  }
0x174: {  	v11 =	vld [tilespmem:s21+$0xFFFFC7F0];
	v20 =	vadd.s32 v30, v20;
	v21 =	vadd.s32 v31, v21;
	v4 =	vadd.s32 v29, v4  }
0x175: {  	v59 =	vld [tilespmem:s21+$0xFFFFE7F0];
	v20 =	vadd.s32 v33, v20;
	v21 =	vadd.s32 v34, v21;
	v4 =	vadd.s32 v32, v4  }
0x176: {  	v60 =	vld [tilespmem:s21+$0xFFFFE800];
	v20 =	vadd.s32 v36, v20;
	v21 =	vadd.s32 v37, v21;
	v4 =	vadd.s32 v35, v4  }
0x177: {  	v61 =	vld [tilespmem:s21+$0xFFFFEFE0];
	v5 =	vadd.s32 v5, v20;
	v6 =	vadd.s32 v6, v21;
	v4 =	vadd.s32 v38, v4  }
0x178: {  	v5 =	vadd.s32 v8, v5;
	v6 =	vadd.s32 v9, v6;
	v8 =	vld [tilespmem:s21+$0xFFFFEFF0];
	v4 =	vadd.s32 v7, v4  }
0x179: {  	v5 =	vadd.s32 v11, v5;
	v6 =	vadd.s32 v47, v6;
	v4 =	vadd.s32 v10, v4;
	v10 =	vld [tilespmem:s21+$0xFFFFF000]  }
0x17a: {  	v7 =	vadd.s32 v49, v5;
	v6 =	vadd.s32 v50, v6;
	v5 =	vld [tilespmem:s21+$0xFFFFF7E0];
	v4 =	vadd.s32 v48, v4  }
0x17b: {  	v7 =	vadd.s32 v52, v7;
	v6 =	vadd.s32 v53, v6;
	v9 =	vadd.s32 v51, v4;
	v4 =	vld [tilespmem:s21+$0xFFFFF7F0]  }
0x17c: {  	v7 =	vadd.s32 v56, v7;
	v11 =	vadd.s32 v57, v6;
	v6 =	vld [tilespmem:s21+$0xFFFFF800];
	v9 =	vadd.s32 v39, v9  }
0x17d: {  	v62 =	vadd.s32 v59, v7;
	v63 =	vadd.s32 v60, v11;
	v7 =	vld [tilespmem:s21+$0xFFFFFFE0];
	v9 =	vadd.s32 v58, v9  }
0x17e: {  	s23 =	simm.s32 $0xB8B0;
	s20 =	simm.s32 $0x138B0;
	[tilespmem:s21+$0xFFFF87D0] =	vst v19;
	v11 =	vadd.s32 v61, v9;
	v9 =	vadd.s32 v8, v62;
	v8 =	vld [tilespmem:s21+$0xFFFFFFF0];
	v10 =	vadd.s32 v10, v63  }
.LBB2_14:
0x17f: {  	s22 =	sadd.s32 $0x40, s22;
	v5 =	vadd.s32 v5, v11;
	v11 =	vld [tilespmem:s21+$0x0];
	s23 =	sadd.s32 $0x40, s23  }
0x180: {  	v12 =	vld [tilespmem:s23+$0xFFFF87D0];
	s24 =	sand.u32 $0x7C0, s22;
	p0 =	slt.u32 s22, $0x7C0;
	v4 =	vadd.s32 v4, v9  }
0x181: {  	v9 =	vld [tilespmem:s24+$0x4880];
	v6 =	vadd.s32 v6, v10  }
0x182: {  	v10 =	vld [tilespmem:s24+$0x5080];
	v5 =	vadd.s32 v7, v5  }
0x183: {  	v7 =	vld [tilespmem:s24+$0x5880];
	[tilespmem:s21+$0xFFFF87E0] =	vst v5;
	v4 =	vadd.s32 v8, v4  }
0x184: {  	v5 =	vld [tilespmem:s24+$0x6080];
	[tilespmem:s21+$0xFFFF87F0] =	vst v4;
	v4 =	vadd.s32 v11, v6  }
0x185: {  	v6 =	vld [tilespmem:s24+$0x6880];
	[tilespmem:s21+$0xFFFF8800] =	vst v4;
	s21 =	smov.u32 s23  }
0x186: {  	v4 =	vadd.s32 v12, v9;
	v8 =	vld [tilespmem:s24+$0x7080]  }
0x187: {  	v4 =	vadd.s32 v10, v4;
	v9 =	vld [tilespmem:s24+$0x7880]  }
0x188: {  	v4 =	vadd.s32 v7, v4;
	v7 =	vld [tilespmem:s24+$0x8080]  }
0x189: {  	v4 =	vadd.s32 v5, v4;
	v5 =	vld [tilespmem:s24+$0x8880]  }
0x18a: {  	v4 =	vadd.s32 v6, v4;
	v6 =	vld [tilespmem:s24+$0x9080]  }
0x18b: {  	v4 =	vadd.s32 v8, v4;
	v8 =	vld [tilespmem:s24+$0x9880]  }
0x18c: {  	v4 =	vadd.s32 v9, v4;
	v9 =	vld [tilespmem:s24+$0xA080]  }
0x18d: {  	v4 =	vadd.s32 v7, v4;
	v7 =	vld [tilespmem:s24+$0xA880]  }
0x18e: {  	v4 =	vadd.s32 v5, v4;
	v5 =	vld [tilespmem:s24+$0xB080]  }
0x18f: {  	v4 =	vadd.s32 v6, v4;
	v6 =	vld [tilespmem:s24+$0xB880]  }
0x190: {  	v4 =	vadd.s32 v8, v4;
	v8 =	vld [tilespmem:s23+$0xFFFF87E0]  }
0x191: {  	v4 =	vadd.s32 v9, v4;
	v9 =	vld [tilespmem:s23+$0xFFFF8FE0]  }
0x192: {  	v4 =	vadd.s32 v7, v4;
	v7 =	vld [tilespmem:s23+$0xFFFF87F0]  }
0x193: {  	v4 =	vadd.s32 v5, v4;
	v5 =	vld [tilespmem:s23+$0xFFFF8FF0]  }
0x194: {  	v4 =	vadd.s32 v6, v4;
	v6 =	vld [tilespmem:s23+$0xFFFF8800]  }
0x195: {  	[tilespmem:s23+$0xFFFF87D0] =	vst v4;
	v4 =	vld [tilespmem:s23+$0xFFFF9000]  }
0x196: {  	v8 =	vadd.s32 v8, v9;
	v9 =	vld [tilespmem:s23+$0xFFFF97E0]  }
0x197: {  	v10 =	vld [tilespmem:s23+$0xFFFF97F0]  }
0x198: {  	v5 =	vadd.s32 v7, v5;
	v7 =	vld [tilespmem:s23+$0xFFFF9800]  }
0x199: {  	v11 =	vld [tilespmem:s23+$0xFFFF9FE0]  }
0x19a: {  	v12 =	vld [tilespmem:s23+$0xFFFF9FF0];
	v4 =	vadd.s32 v6, v4  }
0x19b: {  	v6 =	vadd.s32 v9, v8;
	v8 =	vld [tilespmem:s23+$0xFFFFA000]  }
0x19c: {  	v9 =	vld [tilespmem:s23+$0xFFFFA7E0];
	v5 =	vadd.s32 v10, v5  }
0x19d: {  	v10 =	vld [tilespmem:s23+$0xFFFFA7F0];
	v4 =	vadd.s32 v7, v4  }
0x19e: {  	v6 =	vadd.s32 v11, v6;
	v7 =	vld [tilespmem:s23+$0xFFFFA800]  }
0x19f: {  	v11 =	vld [tilespmem:s23+$0xFFFFAFE0];
	v5 =	vadd.s32 v12, v5  }
0x1a0: {  	v12 =	vld [tilespmem:s23+$0xFFFFAFF0];
	v4 =	vadd.s32 v8, v4  }
0x1a1: {  	v6 =	vadd.s32 v9, v6;
	v8 =	vld [tilespmem:s23+$0xFFFFB000]  }
0x1a2: {  	v9 =	vld [tilespmem:s23+$0xFFFFB7E0];
	v5 =	vadd.s32 v10, v5  }
0x1a3: {  	v10 =	vld [tilespmem:s23+$0xFFFFB7F0];
	v4 =	vadd.s32 v7, v4  }
0x1a4: {  	v6 =	vadd.s32 v11, v6;
	v7 =	vld [tilespmem:s23+$0xFFFFB800]  }
0x1a5: {  	v11 =	vld [tilespmem:s23+$0xFFFFBFE0];
	v5 =	vadd.s32 v12, v5  }
0x1a6: {  	v12 =	vld [tilespmem:s23+$0xFFFFBFF0];
	v4 =	vadd.s32 v8, v4  }
0x1a7: {  	v6 =	vadd.s32 v9, v6;
	v8 =	vld [tilespmem:s23+$0xFFFFC000]  }
0x1a8: {  	v9 =	vld [tilespmem:s23+$0xFFFFC7E0];
	v5 =	vadd.s32 v10, v5  }
0x1a9: {  	v10 =	vld [tilespmem:s23+$0xFFFFC7F0];
	v4 =	vadd.s32 v7, v4  }
0x1aa: {  	v6 =	vadd.s32 v11, v6;
	v7 =	vld [tilespmem:s23+$0xFFFFC800]  }
0x1ab: {  	v11 =	vld [tilespmem:s23+$0xFFFFCFE0];
	v5 =	vadd.s32 v12, v5  }
0x1ac: {  	v12 =	vld [tilespmem:s23+$0xFFFFCFF0];
	v4 =	vadd.s32 v8, v4  }
0x1ad: {  	v6 =	vadd.s32 v9, v6;
	v8 =	vld [tilespmem:s23+$0xFFFFD000]  }
0x1ae: {  	v9 =	vld [tilespmem:s23+$0xFFFFD7E0];
	v5 =	vadd.s32 v10, v5  }
0x1af: {  	v10 =	vld [tilespmem:s23+$0xFFFFD7F0];
	v4 =	vadd.s32 v7, v4  }
0x1b0: {  	v6 =	vadd.s32 v11, v6;
	v7 =	vld [tilespmem:s23+$0xFFFFD800]  }
0x1b1: {  	v11 =	vld [tilespmem:s23+$0xFFFFDFE0];
	v5 =	vadd.s32 v12, v5  }
0x1b2: {  	v12 =	vld [tilespmem:s23+$0xFFFFDFF0];
	v4 =	vadd.s32 v8, v4  }
0x1b3: {  	v6 =	vadd.s32 v9, v6;
	v8 =	vld [tilespmem:s23+$0xFFFFE000]  }
0x1b4: {  	v9 =	vld [tilespmem:s23+$0xFFFFE7E0];
	v5 =	vadd.s32 v10, v5  }
0x1b5: {  	v10 =	vld [tilespmem:s23+$0xFFFFE7F0];
	v4 =	vadd.s32 v7, v4  }
0x1b6: {  	v6 =	vadd.s32 v11, v6;
	v7 =	vld [tilespmem:s23+$0xFFFFE800]  }
0x1b7: {  	v11 =	vld [tilespmem:s23+$0xFFFFEFE0];
	v12 =	vadd.s32 v12, v5  }
0x1b8: {  	v13 =	vld [tilespmem:s23+$0xFFFFEFF0];
	v8 =	vadd.s32 v8, v4  }
0x1b9: {  	v6 =	vadd.s32 v9, v6;
	v14 =	vld [tilespmem:s23+$0xFFFFF000]  }
.Ltmp6:
0x1ba: {  	v5 =	vld [tilespmem:s23+$0xFFFFF7E0];
	v9 =	vadd.s32 v10, v12;
	(pc) =	sbr.rel @p0 .LBB2_14-.Ltmp6, $4  }
0x1bb: {  	v4 =	vld [tilespmem:s23+$0xFFFFF7F0];
	v10 =	vadd.s32 v7, v8  }
0x1bc: {  	v11 =	vadd.s32 v11, v6;
	v6 =	vld [tilespmem:s23+$0xFFFFF800]  }
0x1bd: {  	v7 =	vld [tilespmem:s23+$0xFFFFFFE0];
	v9 =	vadd.s32 v13, v9  }
0x1be: {  	v8 =	vld [tilespmem:s23+$0xFFFFFFF0];
	v10 =	vadd.s32 v14, v10  }
0x1bf: {  	v12 =	vld [tilespmem:s21+$0x0];
	_ =	sdelay $0x1  }
0x1c0: {  	v5 =	vadd.s32 v5, v11  }
0x1c1: {  	v4 =	vadd.s32 v4, v9;
	v5 =	vadd.s32 v7, v5  }
0x1c2: {  	v6 =	vadd.s32 v6, v10;
	[tilespmem:s21+$0xFFFF87E0] =	vst v5;
	v4 =	vadd.s32 v8, v4  }
0x1c3: {  	[tilespmem:s21+$0xFFFF87F0] =	vst v4;
	v4 =	vadd.s32 v12, v6  }
0x1c4: {  	[tilespmem:s21+$0xFFFF8800] =	vst v4  }
0x1c5: {  	v6 =	vld [tilespmem:s20+$0x0]  }
0x1c6: {  	v4 =	vld [tilespmem:s20+$0xFFFFF800]  }
0x1c7: {  	v5 =	vld [tilespmem:s20+$0xFFFFF000]  }
0x1c8: {  	v7 =	vld [tilespmem:s20+$0xFFFFE800]  }
0x1c9: {  	v8 =	vld [tilespmem:s20+$0xFFFFE000]  }
0x1ca: {  	v9 =	vld [tilespmem:s20+$0xFFFFD800]  }
0x1cb: {  	v10 =	vld [tilespmem:s20+$0xFFFFD000]  }
0x1cc: {  	v11 =	vld [tilespmem:s20+$0xFFFFC800]  }
0x1cd: {  	v62 =	vld [tilespmem:s20+$0xFFFFC000]  }
0x1ce: {  	v13 =	vld [tilespmem:s20+$0xFFFFB800]  }
0x1cf: {  	v14 =	vld [tilespmem:s20+$0xFFFFB000]  }
0x1d0: {  	v15 =	vld [tilespmem:s20+$0xFFFFA800]  }
0x1d1: {  	v16 =	vld [tilespmem:s20+$0xFFFFA000]  }
0x1d2: {  	v17 =	vld [tilespmem:s20+$0xFFFF9800]  }
0x1d3: {  	v18 =	vld [tilespmem:s20+$0xFFFF8800]  }
0x1d4: {  	v19 =	vld [tilespmem:s20+$0xFFFF9000]  }
0x1d5: {  	v36 =	vld [tilespmem:s20+$0xFFFF87E0]  }
0x1d6: {  	v37 =	vld [tilespmem:s20+$0xFFFF8FE0]  }
0x1d7: {  	v38 =	vld [tilespmem:s20+$0xFFFF87F0]  }
0x1d8: {  	v39 =	vld [tilespmem:s20+$0xFFFF8FF0]  }
0x1d9: {  	v40 =	vld [tilespmem:s20+$0xFFFF97E0]  }
0x1da: {  	v41 =	vld [tilespmem:s20+$0xFFFF97F0]  }
0x1db: {  	v42 =	vld [tilespmem:s20+$0xFFFF9FE0]  }
0x1dc: {  	v43 =	vld [tilespmem:s20+$0xFFFF9FF0]  }
0x1dd: {  	v44 =	vld [tilespmem:s20+$0xFFFFA7E0]  }
0x1de: {  	v45 =	vld [tilespmem:s20+$0xFFFFA7F0]  }
0x1df: {  	v63 =	vld [tilespmem:s20+$0xFFFFAFE0]  }
0x1e0: {  	v46 =	vld [tilespmem:s20+$0xFFFFAFF0]  }
0x1e1: {  	v47 =	vld [tilespmem:s20+$0xFFFFB7E0]  }
0x1e2: {  	v48 =	vld [tilespmem:s20+$0xFFFFB7F0]  }
0x1e3: {  	v49 =	vld [tilespmem:s20+$0xFFFFBFE0]  }
0x1e4: {  	v50 =	vld [tilespmem:s20+$0xFFFFBFF0]  }
0x1e5: {  	v51 =	vld [tilespmem:s20+$0xFFFFC7E0]  }
0x1e6: {  	v52 =	vld [tilespmem:s20+$0xFFFFC7F0]  }
0x1e7: {  	v53 =	vld [tilespmem:s20+$0xFFFFCFF0]  }
0x1e8: {  	s21 =	simm.s32 $0x0;
	v55 =	vld [tilespmem:s20+$0xFFFFD7E0]  }
0x1e9: {  	s22 =	sand.u32 $0x7C0, s21;
	v56 =	vld [tilespmem:s20+$0xFFFFD7F0]  }
0x1ea: {  	v20 =	vld [tilespmem:s22+$0xC080]  }
0x1eb: {  	v21 =	vld [tilespmem:s22+$0xC880]  }
0x1ec: {  	v22 =	vld [tilespmem:s22+$0xD080]  }
0x1ed: {  	v23 =	vld [tilespmem:s22+$0xD880]  }
0x1ee: {  	v24 =	vld [tilespmem:s22+$0xE080]  }
0x1ef: {  	v25 =	vld [tilespmem:s22+$0xE880];
	v18 =	vadd.s32 v18, v19  }
0x1f0: {  	v26 =	vld [tilespmem:s22+$0xF080];
	v20 =	vadd.s32 v20, v21;
	v17 =	vadd.s32 v17, v18  }
0x1f1: {  	v27 =	vld [tilespmem:s22+$0xF880];
	v20 =	vadd.s32 v22, v20;
	v16 =	vadd.s32 v16, v17  }
0x1f2: {  	v28 =	vld [tilespmem:s22+$0x10080];
	v20 =	vadd.s32 v23, v20;
	v15 =	vadd.s32 v15, v16  }
0x1f3: {  	v29 =	vld [tilespmem:s22+$0x10880];
	v20 =	vadd.s32 v24, v20;
	v14 =	vadd.s32 v14, v15  }
0x1f4: {  	v30 =	vld [tilespmem:s22+$0x11080];
	v20 =	vadd.s32 v25, v20;
	v13 =	vadd.s32 v13, v14  }
0x1f5: {  	v57 =	vld [tilespmem:s20+$0xFFFFDFE0];
	v20 =	vadd.s32 v26, v20;
	v12 =	vadd.s32 v62, v13  }
0x1f6: {  	v31 =	vld [tilespmem:s22+$0x11880];
	v20 =	vadd.s32 v27, v20;
	v11 =	vadd.s32 v11, v12  }
0x1f7: {  	v59 =	vld [tilespmem:s20+$0xFFFFE7E0];
	v20 =	vadd.s32 v28, v20;
	v10 =	vadd.s32 v10, v11  }
0x1f8: {  	v32 =	vld [tilespmem:s22+$0x12080];
	v20 =	vadd.s32 v29, v20;
	v9 =	vadd.s32 v9, v10;
	v10 =	vadd.s32 v36, v37  }
0x1f9: {  	v61 =	vld [tilespmem:s20+$0xFFFFEFE0];
	v54 =	vadd.s32 v38, v39;
	v20 =	vadd.s32 v30, v20;
	v10 =	vadd.s32 v40, v10  }
0x1fa: {  	v33 =	vld [tilespmem:s22+$0x12880];
	v8 =	vadd.s32 v8, v9;
	v9 =	vadd.s32 v41, v54;
	v10 =	vadd.s32 v42, v10  }
0x1fb: {  	v11 =	vld [tilespmem:s20+$0xFFFFCFE0];
	v20 =	vadd.s32 v31, v20;
	v9 =	vadd.s32 v43, v9;
	v10 =	vadd.s32 v44, v10  }
0x1fc: {  	v34 =	vld [tilespmem:s22+$0x13080];
	v7 =	vadd.s32 v7, v8;
	v8 =	vadd.s32 v45, v9;
	v9 =	vadd.s32 v63, v10  }
0x1fd: {  	v35 =	vld [tilespmem:s22+$0x13880];
	v58 =	vadd.s32 v32, v20;
	v8 =	vadd.s32 v46, v8;
	v9 =	vadd.s32 v47, v9  }
0x1fe: {  	v5 =	vadd.s32 v5, v7;
	v10 =	vld [tilespmem:s20+$0xFFFFDFF0];
	v7 =	vadd.s32 v48, v8;
	v8 =	vadd.s32 v49, v9  }
0x1ff: {  	v60 =	vadd.s32 v33, v58;
	v9 =	vld [tilespmem:s20+$0xFFFFE7F0];
	v7 =	vadd.s32 v50, v7;
	v8 =	vadd.s32 v51, v8  }
0x200: {  	v62 =	vadd.s32 v4, v5;
	v4 =	vld [tilespmem:s20+$0xFFFFEFF0];
	v5 =	vadd.s32 v52, v7;
	v7 =	vadd.s32 v11, v8  }
0x201: {  	v63 =	vadd.s32 v6, v62;
	v11 =	vadd.s32 v53, v5;
	v5 =	vld [tilespmem:s20+$0xFFFFF7E0];
	v7 =	vadd.s32 v55, v7  }
0x202: {  	v6 =	vld [tilespmem:s20+$0xFFFFF7F0];
	v8 =	vadd.s32 v34, v60;
	v11 =	vadd.s32 v56, v11;
	v7 =	vadd.s32 v57, v7  }
0x203: {  	[tilespmem:s20+$0xFFFF1000] =	vst v63;
	v8 =	vadd.s32 v35, v8;
	v10 =	vadd.s32 v10, v11;
	v11 =	vadd.s32 v59, v7;
	v7 =	vld [tilespmem:s20+$0xFFFFFFE0]  }
0x204: {  	[tilespmem:s22+$0x4880] =	vst v8;
	v8 =	vld [tilespmem:s20+$0xFFFFFFF0];
	s22 =	simm.s32 $0x138F0;
	v10 =	vadd.s32 v9, v10;
	v9 =	vadd.s32 v61, v11  }
.LBB2_16:
0x205: {  	v11 =	vld [tilespmem:s22+$0x0];
	v4 =	vadd.s32 v4, v10  }
0x206: {  	v10 =	vld [tilespmem:s22+$0xFFFFF800];
	v5 =	vadd.s32 v5, v9  }
0x207: {  	v9 =	vld [tilespmem:s22+$0xFFFFF000];
	v4 =	vadd.s32 v6, v4  }
0x208: {  	v6 =	vld [tilespmem:s22+$0xFFFFE800];
	v5 =	vadd.s32 v7, v5  }
0x209: {  	v7 =	vld [tilespmem:s22+$0xFFFFE000];
	[tilespmem:s20+$0xFFFF0FE0] =	vst v5;
	v4 =	vadd.s32 v8, v4  }
0x20a: {  	v5 =	vld [tilespmem:s22+$0xFFFFD800];
	[tilespmem:s20+$0xFFFF0FF0] =	vst v4;
	s20 =	smov.u32 s22  }
0x20b: {  	v4 =	vld [tilespmem:s22+$0xFFFFD000]  }
0x20c: {  	v8 =	vld [tilespmem:s22+$0xFFFFC800]  }
0x20d: {  	v12 =	vld [tilespmem:s22+$0xFFFFC000]  }
0x20e: {  	v13 =	vld [tilespmem:s22+$0xFFFFB800]  }
0x20f: {  	v14 =	vld [tilespmem:s22+$0xFFFFB000]  }
0x210: {  	v15 =	vld [tilespmem:s22+$0xFFFFA800]  }
0x211: {  	v16 =	vld [tilespmem:s22+$0xFFFFA000]  }
0x212: {  	v17 =	vld [tilespmem:s22+$0xFFFF9800]  }
0x213: {  	s21 =	sadd.s32 $0x40, s21;
	v18 =	vld [tilespmem:s22+$0xFFFF8800]  }
0x214: {  	s23 =	sand.u32 $0x7C0, s21;
	p0 =	slt.u32 s21, $0x7C0;
	v19 =	vld [tilespmem:s22+$0xFFFF9000]  }
0x215: {  	v20 =	vld [tilespmem:s23+$0xC080]  }
0x216: {  	v21 =	vld [tilespmem:s23+$0xC880]  }
0x217: {  	v22 =	vld [tilespmem:s23+$0xD080]  }
0x218: {  	v23 =	vld [tilespmem:s23+$0xD880]  }
0x219: {  	v24 =	vld [tilespmem:s23+$0xE080]  }
0x21a: {  	v18 =	vadd.s32 v18, v19;
	v25 =	vld [tilespmem:s23+$0xE880]  }
0x21b: {  	v17 =	vadd.s32 v17, v18;
	v19 =	vadd.s32 v20, v21;
	v20 =	vld [tilespmem:s23+$0xF080]  }
0x21c: {  	v16 =	vadd.s32 v16, v17;
	v18 =	vadd.s32 v22, v19;
	v19 =	vld [tilespmem:s23+$0xF880]  }
0x21d: {  	v15 =	vadd.s32 v15, v16;
	v17 =	vadd.s32 v23, v18;
	v18 =	vld [tilespmem:s23+$0x10080]  }
0x21e: {  	v14 =	vadd.s32 v14, v15;
	v16 =	vadd.s32 v24, v17;
	v17 =	vld [tilespmem:s23+$0x10880]  }
0x21f: {  	v13 =	vadd.s32 v13, v14;
	v15 =	vadd.s32 v25, v16;
	v16 =	vld [tilespmem:s23+$0x11080]  }
0x220: {  	v12 =	vadd.s32 v12, v13;
	v14 =	vadd.s32 v20, v15;
	v15 =	vld [tilespmem:s23+$0x11880]  }
0x221: {  	v8 =	vadd.s32 v8, v12;
	v13 =	vadd.s32 v19, v14;
	v14 =	vld [tilespmem:s23+$0x12080]  }
0x222: {  	v4 =	vadd.s32 v4, v8;
	v12 =	vadd.s32 v18, v13;
	v13 =	vld [tilespmem:s23+$0x12880]  }
0x223: {  	v4 =	vadd.s32 v5, v4;
	v8 =	vadd.s32 v17, v12;
	v12 =	vld [tilespmem:s23+$0x13080]  }
0x224: {  	v4 =	vadd.s32 v7, v4;
	v5 =	vadd.s32 v16, v8;
	v8 =	vld [tilespmem:s23+$0x13880]  }
0x225: {  	v4 =	vadd.s32 v6, v4;
	v5 =	vadd.s32 v15, v5;
	v7 =	vld [tilespmem:s22+$0xFFFF87E0]  }
0x226: {  	v4 =	vadd.s32 v9, v4;
	v5 =	vadd.s32 v14, v5;
	v6 =	vld [tilespmem:s22+$0xFFFF8FE0]  }
0x227: {  	v4 =	vadd.s32 v10, v4;
	v5 =	vadd.s32 v13, v5;
	v9 =	vld [tilespmem:s22+$0xFFFF87F0]  }
0x228: {  	v4 =	vadd.s32 v11, v4;
	v5 =	vadd.s32 v12, v5;
	v10 =	vld [tilespmem:s22+$0xFFFF8FF0]  }
0x229: {  	v5 =	vadd.s32 v8, v5;
	v8 =	vld [tilespmem:s22+$0xFFFF97E0];
	[tilespmem:s22+$0xFFFF1000] =	vst v4  }
0x22a: {  	[tilespmem:s23+$0x4880] =	vst v5;
	v4 =	vld [tilespmem:s22+$0xFFFF97F0]  }
0x22b: {  	v5 =	vadd.s32 v7, v6;
	v6 =	vld [tilespmem:s22+$0xFFFF9FE0]  }
0x22c: {  	v7 =	vld [tilespmem:s22+$0xFFFF9FF0]  }
0x22d: {  	v11 =	vld [tilespmem:s22+$0xFFFFA7E0];
	v9 =	vadd.s32 v9, v10  }
0x22e: {  	v5 =	vadd.s32 v8, v5;
	v8 =	vld [tilespmem:s22+$0xFFFFA7F0]  }
0x22f: {  	v10 =	vld [tilespmem:s22+$0xFFFFAFE0];
	v4 =	vadd.s32 v4, v9  }
0x230: {  	v5 =	vadd.s32 v6, v5;
	v6 =	vld [tilespmem:s22+$0xFFFFAFF0]  }
0x231: {  	v9 =	vld [tilespmem:s22+$0xFFFFB7E0];
	v4 =	vadd.s32 v7, v4  }
0x232: {  	v5 =	vadd.s32 v11, v5;
	v7 =	vld [tilespmem:s22+$0xFFFFB7F0]  }
0x233: {  	v11 =	vld [tilespmem:s22+$0xFFFFBFE0];
	v4 =	vadd.s32 v8, v4  }
0x234: {  	v5 =	vadd.s32 v10, v5;
	v8 =	vld [tilespmem:s22+$0xFFFFBFF0]  }
0x235: {  	v10 =	vld [tilespmem:s22+$0xFFFFC7E0];
	v4 =	vadd.s32 v6, v4  }
0x236: {  	v5 =	vadd.s32 v9, v5;
	v6 =	vld [tilespmem:s22+$0xFFFFC7F0]  }
0x237: {  	v9 =	vld [tilespmem:s22+$0xFFFFCFE0];
	v4 =	vadd.s32 v7, v4  }
0x238: {  	v5 =	vadd.s32 v11, v5;
	v7 =	vld [tilespmem:s22+$0xFFFFCFF0]  }
0x239: {  	v11 =	vld [tilespmem:s22+$0xFFFFD7E0];
	v4 =	vadd.s32 v8, v4  }
0x23a: {  	v5 =	vadd.s32 v10, v5;
	v8 =	vld [tilespmem:s22+$0xFFFFD7F0]  }
0x23b: {  	v10 =	vld [tilespmem:s22+$0xFFFFDFE0];
	v4 =	vadd.s32 v6, v4  }
0x23c: {  	v5 =	vadd.s32 v9, v5;
	v6 =	vld [tilespmem:s22+$0xFFFFDFF0]  }
0x23d: {  	v9 =	vld [tilespmem:s22+$0xFFFFE7E0];
	v4 =	vadd.s32 v7, v4  }
0x23e: {  	v5 =	vadd.s32 v11, v5;
	v11 =	vld [tilespmem:s22+$0xFFFFE7F0]  }
0x23f: {  	v12 =	vld [tilespmem:s22+$0xFFFFEFE0];
	v7 =	vadd.s32 v8, v4  }
.Ltmp7:
0x240: {  	v8 =	vadd.s32 v10, v5;
	v4 =	vld [tilespmem:s22+$0xFFFFEFF0];
	(pc) =	sbr.rel @p0 .LBB2_16-.Ltmp7, $4  }
0x241: {  	v5 =	vld [tilespmem:s22+$0xFFFFF7E0];
	v10 =	vadd.s32 v6, v7  }
0x242: {  	v8 =	vadd.s32 v9, v8;
	v6 =	vld [tilespmem:s22+$0xFFFFF7F0]  }
0x243: {  	v7 =	vld [tilespmem:s22+$0xFFFFFFE0];
	v10 =	vadd.s32 v11, v10  }
0x244: {  	s22 =	sadd.s32 $0x40, s22;
	v9 =	vadd.s32 v12, v8;
	v8 =	vld [tilespmem:s20+$0xFFFFFFF0]  }
0x245: {  	_ =	sdelay $0x1  }
0x246: {  	v4 =	vadd.s32 v4, v10;
	v5 =	vadd.s32 v5, v9  }
0x247: {  	s19 =	sadd.s32 $0x1, s19;
	v4 =	vadd.s32 v6, v4;
	v5 =	vadd.s32 v7, v5  }
0x248: {  	p0 =	sne.s32 s19, s9;
	[tilespmem:s20+$0xFFFF0FE0] =	vst v5;
	v4 =	vadd.s32 v8, v4  }
.Ltmp8:
0x249: {  	[tilespmem:s20+$0xFFFF0FF0] =	vst v4;
	(pc) =	sbr.rel @p0 .LBB2_1-.Ltmp8, $4  }
0x24a: {  	[hbm4b:s8+s18] =	stream.strided.scatter [tilespmem:s16], [sflag:$0x3], $0x1000, s13, s18, $0x38;
	[tilespmem:$0x14080] =	vst v63  }
0x24b: {  	_ =	swait.ge [sflag:s11], $0x1000  }
0x24c: {  	[sflag:s11] =	ssyncset.done $0x0  }
0x24d: {  	[sflag:s11] =	ssyncadd.s32 $0xFFFFF000  }
0x24e: {  	_ =	sfence.sel $0x180000  }
0x24f: {  	[bflag:$0x0] =	sbarrier.arrive $0xFFFF  }
0x250: {  	p0 =	sne.s32 s2, $0x0;
	_ =	strace $0x9000004A  }
0x251: {  	s0 =	sadd.s32 @!p0 $0x100000, s0;
	[bflag:$0x2] =	sbarrier.arrive $0xFFFF  }
0x252: {  	[sflag:s0] =	ssyncadd.tile.s32 @!p0 $0x1;
	_ =	shalt  }
.Lfunc_end2:
_tile_overlayer_lowered:
.L_overlay_start_2:
0x253: {  	(tag) =	ssettag $0x2  }
0x254: {  	s0 =	rddreg [dreg:$0x0];
	s2 =	stileid.u32  }
0x255: {  	s1 =	rddreg [dreg:$0x1];
	p0 =	sne.s32 s2, $0x0  }
0x256: {  	s3 =	rddreg [dreg:$0x2];
	[bflag:$0x3] =	sbarrier.arrive $0xFFFF;
	s2 =	simm.s32 @!p0 $0x1C03  }
0x257: {  	[timem:s3], [sflag:s2] =	dma.local @!p0 [hbm:s0], s1  }
0x258: {  	s0 =	simm.s32 @!p0 $0x3  }
0x259: {  	_ =	swait.ge @!p0 [sflag:s0], s1  }
0x25a: {  	s1 =	ssub.s32 @!p0 $0x0, s1;
	[sflag:s0] =	ssyncset.done @!p0 $0x0  }
0x25b: {  	[sflag:s0] =	ssyncadd.s32 @!p0 s1  }
0x25c: {  	[bflag:$0x3] =	sbarrier.arrive $0xFFFF  }
0x25d: {  	_ =	shalt  }

// kernel: kernel.4.cloned.1.call-start
scs
__scs_entry_jumppad:
0x0: {  	(pc) =	sbr.rel $0x88, $3  }
0x1: {  	(tag) =	ssettag $0x0;
	lr =	simm.s32 $0x1  }
0x2: {  	[smem:$0x3FA0] =	sst lr;
	_ =	strace $0xD0000000  }
0x3: {  	_ = 	snop  }
0x4: {  	_ = 	snop  }
0x5: {  	_ = 	snop  }
0x6: {  	_ = 	snop  }
0x7: {  	_ = 	snop  }
__scs_overlays_trampoline_lowered:
0x8: {  	[smem:$0x3FAF] =	sst s0  }
0x9: {  	[smem:$0x3FB0] =	sst s1  }
0xa: {  	[smem:$0x3FB1] =	sst s2  }
0xb: {  	[smem:$0x3FB2] =	sst s3  }
0xc: {  	[smem:$0x3FB3] =	sst s4  }
0xd: {  	[smem:$0x3FB4] =	sst s5  }
0xe: {  	[smem:$0x3FB5] =	sst s6  }
0xf: {  	[smem:$0x3FB6] =	sst s7  }
0x10: {  	[smem:$0x3FB7] =	sst s8  }
0x11: {  	[smem:$0x3FB8] =	sst s9;
	s0 =	simm.s32 @!p0 $0x0  }
0x12: {  	s1 =	sld [smem:$0x3F9E];
	s0 =	simm.s32 @p0 $0x1  }
0x13: {  	[smem:$0x3FB9] =	sst s0;
	s0 =	simm.s32 @!p1 $0x0  }
0x14: {  	s2 =	sld [smem:$0x3F9D];
	s0 =	simm.s32 @p1 $0x1  }
0x15: {  	[smem:$0x3FBA] =	sst s0;
	s0 =	simm.s32 @!p2 $0x0  }
0x16: {  	s3 =	sld [smem:$0x3FDB];
	s0 =	simm.s32 @p2 $0x1  }
0x17: {  	s4 =	simm.s32 $0x1BF5;
	[smem:$0x3FBC] =	sst s0  }
0x18: {  	s0 =	sld [smem:$0x3F9F];
	_ =	swait.ge [sflag:s4], $0x0  }
0x19: {  	s7 =	sld [smem:$0x3FA0]  }
0x1a: {  	s8 =	sadd.s32 $0xFFFFE003, lr  }
0x1b: {  	s9 =	sadd.s32 $0xFFFFFEF7, lr;
	s5 =	simm.s32 $0xFFFFFFFF;
	p2 =	slt.u32 s8, $0xFFFFF086  }
0x1c: {  	p1 =	slt.u32 s9, $0xF7A;
	s5 =	simm.s32 @!p2 $0x0  }
0x1d: {  	s5 =	simm.s32 @p1 $0x1;
	p0 =	seq.s32 s7, s2  }
0x1e: {  	s7 =	smul.u32 @!p0 $0xF7A, s2;
	p2 =	seq.s32 @!p0 s5, $0x0  }
0x1f: {  	s9 =	smul.u32 $0xF7A, s1;
	s8 =	simm.s32 @!p0 $0x1BF5;
	p2 =	por !p2, p0  }
0x20: {  	[sflag:s8] =	ssyncset.s32 @!p0 $0xFFFFF086;
	s6 =	sadd.s32 @!p0 s3, s7;
	s7 =	simm.s32 @!p0 $0x108  }
0x21: {  	s3 =	sadd.s32 s3, s9;
	s6 =	sadd.s32 @!p0 $0x88, s6;
	s7 =	simm.s32 @p2 $0x1082  }
0x22: {  	[simem:s7], [sflag:s8] =	dma.local @!p0 [hbm:s6], $0xF7A  }
0x23: {  	s9 =	sor.u32 $0xD0000000, s2;
	s6 =	simm.s32 $0x108;
	_ =	swait.ge @!p0 [sflag:s8], $0x0  }
0x24: {  	s3 =	sadd.s32 $0x88, s3;
	s6 =	simm.s32 @!p1 $0x1082;
	[sflag:s4] =	ssyncset.s32 $0xFFFFF086  }
0x25: {  	[simem:s6], [sflag:s4] =	dma.local [hbm:s3], $0xF7A  }
0x26: {  	[smem:$0x3FA0] =	sst s1;
	(tag) =	ssettag s2;
	_ =	strace s9  }
0x27: {  	s1 =	sld [smem:$0x3FB0]  }
0x28: {  	s2 =	sld [smem:$0x3FB1]  }
0x29: {  	s4 =	sld [smem:$0x3FB3]  }
0x2a: {  	p0 =	seq.s32 s5, $0x0;
	s5 =	sld [smem:$0x3FB4]  }
0x2b: {  	s6 =	sld [smem:$0x3FB5]  }
0x2c: {  	s7 =	sld [smem:$0x3FB6]  }
0x2d: {  	s3 =	simm.s32 $0x108;
	s8 =	sld [smem:$0x3FB7]  }
0x2e: {  	s3 =	simm.s32 @!p0 $0x1082;
	s9 =	sld [smem:$0x3FB8]  }
0x2f: {  	lr =	sadd.s32 s0, s3;
	s0 =	sld [smem:$0x3FAF]  }
0x30: {  	s3 =	sld [smem:$0x3FB2]  }
0x31: {  	[smem:$0x3FBB] =	sst s10  }
0x32: {  	s10 =	sld [smem:$0x3FB9];
	_ =	sdelay $0x3  }
0x33: {  	p0 =	seq.s32 s10, $0x1;
	s10 =	sld [smem:$0x3FBB];
	_ =	sdelay $0x3  }
0x34: {  	[smem:$0x3FBB] =	sst s10  }
0x35: {  	s10 =	sld [smem:$0x3FBA];
	_ =	sdelay $0x3  }
0x36: {  	p1 =	seq.s32 s10, $0x1;
	s10 =	sld [smem:$0x3FBB];
	_ =	sdelay $0x3  }
0x37: {  	[smem:$0x3FBB] =	sst s10  }
0x38: {  	s10 =	sld [smem:$0x3FBC]  }
0x39: {  	_ = 	snop;
	(pc) =	sbr.ind lr, $3  }
0x3a: {  	_ = 	snop  }
0x3b: {  	_ = 	snop  }
0x3c: {  	p2 =	seq.s32 s10, $0x1;
	s10 =	sld [smem:$0x3FBB]  }
0x3d: {  	_ =	shalt  }
0x3e: {  	_ =	shalt  }
0x3f: {  	_ =	shalt  }
0x40: {  	_ =	shalt  }
0x41: {  	_ =	shalt  }
0x42: {  	_ =	shalt  }
0x43: {  	_ =	shalt  }
0x44: {  	_ =	shalt  }
0x45: {  	_ =	shalt  }
0x46: {  	_ =	shalt  }
0x47: {  	_ =	shalt  }
0x48: {  	_ =	shalt  }
0x49: {  	_ =	shalt  }
0x4a: {  	_ =	shalt  }
0x4b: {  	_ =	shalt  }
0x4c: {  	_ =	shalt  }
0x4d: {  	_ =	shalt  }
0x4e: {  	_ =	shalt  }
0x4f: {  	_ =	shalt  }
0x50: {  	_ =	shalt  }
0x51: {  	_ =	shalt  }
0x52: {  	_ =	shalt  }
0x53: {  	_ =	shalt  }
0x54: {  	_ =	shalt  }
0x55: {  	_ =	shalt  }
0x56: {  	_ =	shalt  }
0x57: {  	_ =	shalt  }
0x58: {  	_ =	shalt  }
0x59: {  	_ =	shalt  }
0x5a: {  	_ =	shalt  }
0x5b: {  	_ =	shalt  }
0x5c: {  	_ =	shalt  }
0x5d: {  	_ =	shalt  }
0x5e: {  	_ =	shalt  }
0x5f: {  	_ =	shalt  }
0x60: {  	_ =	shalt  }
0x61: {  	_ =	shalt  }
0x62: {  	_ =	shalt  }
0x63: {  	_ =	shalt  }
0x64: {  	_ =	shalt  }
0x65: {  	_ =	shalt  }
0x66: {  	_ =	shalt  }
0x67: {  	_ =	shalt  }
0x68: {  	_ =	shalt  }
0x69: {  	_ =	shalt  }
0x6a: {  	_ =	shalt  }
0x6b: {  	_ =	shalt  }
0x6c: {  	_ =	shalt  }
0x6d: {  	_ =	shalt  }
0x6e: {  	_ =	shalt  }
0x6f: {  	_ =	shalt  }
0x70: {  	_ =	shalt  }
0x71: {  	_ =	shalt  }
0x72: {  	_ =	shalt  }
0x73: {  	_ =	shalt  }
0x74: {  	_ =	shalt  }
0x75: {  	_ =	shalt  }
0x76: {  	_ =	shalt  }
0x77: {  	_ =	shalt  }
0x78: {  	_ =	shalt  }
0x79: {  	_ =	shalt  }
0x7a: {  	_ =	shalt  }
0x7b: {  	_ =	shalt  }
0x7c: {  	_ =	shalt  }
0x7d: {  	_ =	shalt  }
0x7e: {  	_ =	shalt  }
0x7f: {  	_ =	shalt  }
0x80: {  	_ =	shalt  }
0x81: {  	_ =	shalt  }
0x82: {  	_ =	shalt  }
0x83: {  	_ =	shalt  }
0x84: {  	_ =	shalt  }
0x85: {  	_ =	shalt  }
0x86: {  	_ =	shalt  }
0x87: {  	_ =	shalt  }
.Lfunc_end0:
.L_simem_size_0:
called_computation.2_lowered:
.L_overlay_start_0:
0x88: {  	s2 =	sld [smem:$0x3FD9]  }
0x89: {  	s3 =	sld [smem:$0x3FFE];
	_ =	sdelay $0x1  }
0x8a: {  	s1 =	srdreg.scid  }
0x8b: {  	s0 =	sand.u32 $0x1, s1  }
0x8c: {  	s17 =	sshll.u32 s0, $0xA;
	s2 =	sadd.s32 s3, s2  }
0x8d: {  	s2 =	sadd.s32 s2, s17  }
0x8e: {  	[smem:$0x3FC7] =	sst s2  }
0x8f: {  	_ = 	snop  }
0x90: {  	s2 =	sld [smem:$0x3FD0];
	(tm) =	ssettm $0x1  }
0x91: {  	s18 =	sld [smem:$0x3FFB];
	_ =	sdelay $0x3  }
0x92: {  	_ =	strace s18  }
0x93: {  	s3 =	sld [smem:$0x3FFC];
	_ =	sdelay $0x3  }
0x94: {  	_ =	strace s3  }
0x95: {  	s3 =	sld [smem:$0x3FFD];
	_ =	sdelay $0x3  }
0x96: {  	_ =	strace s3  }
0x97: {  	_ =	strace $0x8FFFFFFF  }
0x98: {  	s19 =	sld [smem:$0x3FDB];
	_ =	sdelay $0x1  }
0x99: {  	s4 =	simm.s32 $_scs_section_size  }
0x9a: {  	s5 =	simm.s32 $_size__tile_overlayer_lowered;
	s6 =	simm.s32 $_tile_overlayer_lowered  }
0x9b: {  	s22 =	simm.s32 $0x1BFF;
	s21 =	sshll.u32 s6, $0x1;
	s3 =	sadd.s32 s4, s19  }
0x9c: {  	s7 =	simm.s32 $0x0;
	s20 =	sshll.u32 s5, $0x1;
	s5 =	sadd.s32 s21, s3  }
0x9d: {  	[timem:s7], [sflag:s22] =	dma.local [hbm:s5], s20  }
0x9e: {  	_ =	swait.ge [sflag:s22], s20  }
0x9f: {  	s4 =	ssub.s32 $0x0, s20;
	[sflag:s22] =	ssyncset.done $0x0  }
0xa0: {  	[sflag:s22] =	ssyncadd.s32 s4;
	_ =	sdelay $0x1  }
0xa1: {  	s23 =	simm.s32 $0x1B8B  }
0xa2: {  	_ =	swait.ge [sflag:s23], $0x1  }
0xa3: {  	[sflag:s23] =	ssyncset.done $0x0  }
0xa4: {  	s25 =	simm.s32 $0x1B8E;
	s24 =	sld [smem:$0x3FFE];
	[sflag:s23] =	ssyncadd.s32 $0xFFFFFFFF  }
0xa5: {  	s26 =	simm.s32 $execute0_lowered;
	[smem:$0x3FD2] =	sst s25  }
0xa6: {  	s5 =	sshll.u32 s26, $0x1;
	_ =	strace $0x8000004C;
	[dreg:$0x1] =	wrdreg $0xFFFFFFFF  }
0xa7: {  	s28 =	simm.s32 $_size_execute0_lowered;
	s3 =	sadd.s32 s3, s5;
	[dreg:$0x0] =	wrdreg $0x0  }
0xa8: {  	s5 =	sshll.u32 s28, $0x1;
	[dreg:$0x2] =	wrdreg s3  }
0xa9: {  	[dreg:$0x3] =	wrdreg s5  }
0xaa: {  	[dreg:$0x4] =	wrdreg $0xC0  }
0xab: {  	_ =	task [dreg:s7], $0x5FFFF  }
0xac: {  	[dreg:$0x1] =	wrdreg $0xFFFFFFFF  }
0xad: {  	[dreg:$0x0] =	wrdreg $0x60  }
0xae: {  	[dreg:$0x2] =	wrdreg s2  }
0xaf: {  	[dreg:$0x3] =	wrdreg s24  }
0xb0: {  	[dreg:$0x4] =	wrdreg $0x9  }
0xb1: {  	_ =	task.clear_ibuf [dreg:s7], $0x5FFFF;
	_ =	strace $0x9000004C  }
0xb2: {  	s29 =	simm.s32 $0x9;
	_ =	strace $0x8000004E  }
0xb3: {  	_ =	swait.ge [sflag:s29], $0x1  }
0xb4: {  	[sflag:s29] =	ssyncadd.s32 $0xFFFFFFFF  }
0xb5: {  	_ =	strace $0x9000004E  }
0xb6: {  	_ =	sfence  }
0xb7: {  	s30 =	sld [smem:$0x0];
	_ =	sdelay $0x2  }
0xb8: {  	s31 =	sshll.u32 s1, $0xD;
	s1 =	sshrl.u32 s1, $0x2  }
0xb9: {  	s3 =	sand.u32 $0x4000, s31;
	s1 =	sadd.s32 s1, s30  }
0xba: {  	s0 =	sor.u32 s3, s0;
	s1 =	sshll.u32 s1, $0x11  }
0xbb: {  	s0 =	sor.u32 s1, s0  }
0xbc: {  	s0 =	sadd.s32 $0x8F2B, s0  }
0xbd: {  	[sflag:s0] =	ssyncadd.remote.s32 $0x1  }
0xbe: {  	_ =	sfence.sel $0xFFFF  }
0xbf: {  	[dreg:$0x0] =	wrdreg $0xFFFFFFFF;
	(pc) =	sbr.abs _section_cstart, $3  }
0xc0: {  	[dreg:$0x1] =	wrdreg $0xFFFFFFFF  }
0xc1: {  	_ =	task.clear_ibuf [dreg:s7], $0x2FFFF;
	_ =	strace $0x9FFFFFFF  }
0xc2: {  	(tm) =	ssettm $0x7FFFFFFF  }
0xc3: {  	_ =	shalt  }
tec
execute0_lowered:
.L_overlay_start_1:
0x0: {  	(tag) =	ssettag $0x1  }
0x1: {  	s1 =	srdreg.scid;
	s2 =	rddreg [dreg:$0x0]  }
0x2: {  	s0 =	stileid.u32;
	s3 =	rddreg [dreg:$0x1];
	s4 =	simm.s32 $0x0  }
0x3: {  	s12 =	simm.s32 $0x3;
	s13 =	simm.s32 $0x100;
	s14 =	simm.s32 $0x400  }
0x4: {  	s15 =	simm.s32 $0x2000;
	s16 =	simm.s32 $0x1;
	s17 =	simm.s32 $0x4080  }
0x5: {  	s18 =	simm.s32 $0x2;
	s19 =	simm.s32 $0x80;
	s20 =	simm.s32 $0x0  }
0x6: {  	s5 =	sand.u32 $0x1, s1;
	s29 =	sshll.u32 s0, $0x1;
	s7 =	sshrl.u32 s0, $0x2  }
0x7: {  	[smem:$0x7FF] =	sst s4;
	s6 =	sor.u32 s5, s29;
	s9 =	sshll.u32 s7, $0xF  }
0x8: {  	s7 =	sshll.u32 s7, $0xA;
	s30 =	ssub.s32 $0x2, s5;
	s1 =	sshll.u32 s6, $0x7  }
0x9: {  	s5 =	sshll.u32 s6, $0x10;
	s31 =	sshrl.u32 s30, $0x1;
	s8 =	sand.u32 $0x380, s1  }
0xa: {  	s1 =	rddreg [dreg:$0x2];
	_ =	strace $0x8000004D;
	s7 =	sor.u32 s7, s8  }
0xb: {  	s6 =	sadd.s32 s2, s5;
	s9 =	sor.u32 s9, s8;
	s7 =	sshrl.u32 s7, $0x3  }
0xc: {  	s11 =	ssub.s32 s30, s31;
	s9 =	sshrl.u32 s9, $0x3;
	s10 =	sadd.s32 s7, s3  }
0xd: {  	v1 =	vlaneseq.u32;
	s9 =	sadd.s32 s9, s3;
	s7 =	sadd.s32 $0x20, s6;
	s8 =	sadd.s32 $0x200, s10  }
0xe: {  	v0 =	vimm.s32 $0x0;
	v2 =	vimm.s32 $0x1;
	v1 =	vmul.u32 $0x1000, v1;
	s9 =	sadd.s32 $0x400, s9;
	s10 =	smax.u32 s11, $0x1;
	s11 =	simm.s32 $0x4000  }
.LBB2_1:
0xf: {  	[tilespmem:s11], [sflag:$0x3] =	stream.linear.gather [hbm4b:s3+s4], $0x80, $0x38;
	[tilespmem:$0x14080] =	vst v63  }
0x10: {  	_ =	swait.ge [sflag:s12], $0x80  }
0x11: {  	[sflag:s12] =	ssyncset.done $0x0  }
0x12: {  	s21 =	simm.s32 $0x40C0;
	[sflag:s12] =	ssyncadd.s32 $0xFFFFFF80  }
0x13: {  	v3 =	vld [tilespmem:$0x4000];
	[tilespmem:s21+$0xFFFFFFC0] =	vst v0  }
0x14: {  	[tilespmem:s21+$0x30] =	vst v0  }
0x15: {  	[tilespmem:s21+$0x20] =	vst v0  }
0x16: {  	[tilespmem:s21+$0x10] =	vst v0  }
0x17: {  	[tilespmem:s21+$0x0] =	vst v0  }
0x18: {  	[tilespmem:s21+$0xFFFFFFF0] =	vst v0  }
0x19: {  	s22 =	simm.s32 $0x0;
	[tilespmem:s21+$0xFFFFFFE0] =	vst v0  }
.LBB2_2:
0x1a: {  	s22 =	sadd.s32 $0x80, s22;
	[tilespmem:s21+$0xFFFFFFD0] =	vst v0;
	s21 =	sadd.s32 $0x80, s21  }
0x1b: {  	[tilespmem:s21+$0xFFFFFFC0] =	vst v0;
	p0 =	slt.u32 s22, $0xFF80  }
0x1c: {  	[tilespmem:s21+$0x30] =	vst v0  }
.Ltmp0:
0x1d: {  	[tilespmem:s21+$0x20] =	vst v0;
	(pc) =	sbr.rel @p0 .LBB2_2-.Ltmp0, $4  }
0x1e: {  	[tilespmem:s21+$0x10] =	vst v0  }
0x1f: {  	[tilespmem:s21+$0x0] =	vst v0  }
0x20: {  	[tilespmem:s21+$0xFFFFFFF0] =	vst v0  }
0x21: {  	[tilespmem:s21+$0xFFFFFFE0] =	vst v0  }
0x22: {  	[tilespmem:s21+$0xFFFFFFD0] =	vst v0;
	s21 =	simm.s32 $0x0  }
0x23: {  	v4 =	vimm.s32 $0x0;
	[tilespmem:s21], [sflag:$0x1] =	stream.strided.gather [hbm4b:s6+s13], $0x2000, s14, s13, $0x38;
	[tilespmem:$0x14080] =	vst v63  }
.LBB2_4:
0x24: {  	s22 =	sshll.u32 s21, $0x6  }
0x25: {  	s23 =	sshll.u32 s21, $0xB;
	s22 =	sand.u32 $0x40, s22  }
0x26: {  	s23 =	sand.u32 $0xF000, s23;
	s22 =	sadd.s32 s22, s7  }
0x27: {  	s22 =	sadd.s32 s23, s22  }
0x28: {  	[tilespmem:s15], [sflag:$0x2] =	stream.strided.gather [hbm4b:s22+s13], $0x2000, s14, s13, $0x38;
	[tilespmem:$0x14080] =	vst v63  }
0x29: {  	_ =	swait.ge [sflag:s16], $0x2000  }
0x2a: {  	[sflag:s16] =	ssyncset.done $0x0  }
0x2b: {  	s31 =	simm.s32 $0x40;
	[sflag:s16] =	ssyncadd.s32 $0xFFFFE000  }
0x2c: {  	v5 =	vld [tilespmem:s31+$0xFFFFFFE0]  }
0x2d: {  	v6 =	vld [tilespmem:s31+$0xFFFFFFF0]  }
0x2e: {  	v7 =	vld [tilespmem:s31+$0x0]  }
0x2f: {  	v8 =	vld [tilespmem:s31+$0x10]  }
0x30: {  	v9 =	vld [tilespmem:s31+$0x20]  }
0x31: {  	v10 =	vld [tilespmem:s31+$0xFFFFFFC0]  }
0x32: {  	v11 =	vld [tilespmem:s31+$0xFFFFFFD0]  }
0x33: {  	v12 =	vld [tilespmem:s31+$0x30];
	_ =	sdelay $0x1  }
0x34: {  	v13 =	vand.u32 $0x7FFFFFFF, v5;
	v14 =	vand.u32 $0x7FFFFFFF, v6  }
0x35: {  	v5 =	vand.u32 $0x7FFFFFFF, v10;
	v10 =	vand.u32 $0x7FFFFFFF, v7;
	v15 =	vand.u32 $0x7FFFFFFF, v8  }
0x36: {  	v6 =	vand.u32 $0x7FFFFFFF, v11;
	v11 =	vand.u32 $0x7FFFFFFF, v9;
	v5 =	vsub.s32 v5, v3  }
0x37: {  	v16 =	vand.u32 $0x7FFFFFFF, v12;
	v6 =	vsub.s32 v6, v3;
	v7 =	vshrl.u32 v5, $0x1F  }
0x38: {  	v8 =	vshrl.u32 v6, $0x1F;
	v4 =	vadd.s32 v4, v7;
	v7 =	vsub.s32 v13, v3  }
0x39: {  	v4 =	vadd.s32 v8, v4;
	v9 =	vshrl.u32 v7, $0x1F;
	v8 =	vsub.s32 v14, v3  }
0x3a: {  	v4 =	vadd.s32 v9, v4;
	v12 =	vshrl.u32 v8, $0x1F;
	v9 =	vsub.s32 v10, v3  }
0x3b: {  	v10 =	vsub.s32 v15, v3;
	v4 =	vadd.s32 v12, v4;
	v12 =	vshrl.u32 v9, $0x1F  }
0x3c: {  	v11 =	vsub.s32 v11, v3;
	v4 =	vadd.s32 v12, v4;
	v12 =	vshrl.u32 v10, $0x1F  }
0x3d: {  	s24 =	simm.s32 $0x140;
	s23 =	simm.s32 $0x0;
	v13 =	vshrl.u32 v11, $0x1F;
	v12 =	vadd.s32 v12, v4;
	v4 =	vsub.s32 v16, v3  }
.LBB2_5:
0x3e: {  	v14 =	vld [tilespmem:s24+$0xFFFFFFE0];
	v15 =	vshra.s32 v5, $0xA;
	v12 =	vadd.s32 v13, v12;
	v13 =	vshrl.u32 v4, $0x1F  }
0x3f: {  	v17 =	vshra.s32 v6, $0xA;
	v18 =	vshra.s32 v7, $0xA;
	s22 =	simm.s32 $0xF0;
	v16 =	vld [tilespmem:s24+$0xFFFFFFF0];
	v12 =	vadd.s32 v13, v12  }
0x40: {  	v19 =	vshra.s32 v8, $0xA;
	v20 =	vshra.s32 v9, $0xA;
	v21 =	vshra.s32 v10, $0xA;
	v13 =	vld [tilespmem:s24+$0x0]  }
0x41: {  	vm5 =	vlt.u32 v5, $0x400000;
	v5 =	vshra.s32 v11, $0xA;
	v23 =	vshra.s32 v4, $0xA;
	v22 =	vld [tilespmem:s24+$0x10]  }
0x42: {  	vm6 =	vlt.u32 v6, $0x400000;
	v15 =	vadd.s32 v1, v15;
	v6 =	vadd.s32 v1, v17;
	v24 =	vld [tilespmem:s24+$0x20]  }
0x43: {  	s23 =	sadd.s32 $0x80, s23;
	vm7 =	vlt.u32 v7, $0x400000;
	vm3 =	vlt.u32 v8, $0x400000;
	v7 =	vadd.s32 v1, v18;
	v17 =	vld [tilespmem:s24+$0xFFFFFFC0]  }
0x44: {  	vm4 =	vlt.u32 v9, $0x400000;
	p0 =	slt.u32 s23, $0xF80;
	v18 =	vadd.s32 v1, v19;
	v9 =	vadd.s32 v1, v20;
	v8 =	vld [tilespmem:s24+$0xFFFFFFD0]  }
0x45: {  	vm2 =	vlt.u32 v10, $0x400000;
	vm1 =	vlt.u32 v11, $0x400000;
	v10 =	vadd.s32 v1, v21;
	v19 =	vld [tilespmem:s24+$0x30]  }
0x46: {  	vm0 =	vlt.u32 v4, $0x400000;
	v11 =	vadd.s32 v1, v5;
	v4 =	vadd.s32 v1, v23  }
0x47: {  	v14 =	vand.u32 $0x7FFFFFFF, v14;
	v16 =	vand.u32 $0x7FFFFFFF, v16;
	[tilespmem:v15+s17+$0x0] =	vst.idx.add.s32.msk vm5, v2  }
0x48: {  	v13 =	vand.u32 $0x7FFFFFFF, v13;
	v15 =	vand.u32 $0x7FFFFFFF, v22;
	v5 =	vand.u32 $0x7FFFFFFF, v17;
	[tilespmem:v6+s17+$0x0] =	vst.idx.add.s32.msk vm6, v2  }
0x49: {  	v17 =	vand.u32 $0x7FFFFFFF, v24;
	v5 =	vsub.s32 v5, v3;
	v6 =	vand.u32 $0x7FFFFFFF, v8;
	[tilespmem:v7+s17+$0x0] =	vst.idx.add.s32.msk vm7, v2  }
0x4a: {  	v7 =	vshrl.u32 v5, $0x1F;
	v6 =	vsub.s32 v6, v3;
	v19 =	vand.u32 $0x7FFFFFFF, v19;
	[tilespmem:v18+s17+$0x0] =	vst.idx.add.s32.msk vm3, v2  }
0x4b: {  	v8 =	vadd.s32 v12, v7;
	v12 =	vshrl.u32 v6, $0x1F;
	v7 =	vsub.s32 v14, v3;
	[tilespmem:v9+s17+$0x0] =	vst.idx.add.s32.msk vm4, v2  }
.Ltmp1:
0x4c: {  	v9 =	vadd.s32 v12, v8;
	v12 =	vshrl.u32 v7, $0x1F;
	v8 =	vsub.s32 v16, v3;
	[tilespmem:v10+s17+$0x0] =	vst.idx.add.s32.msk vm2, v2;
	(pc) =	sbr.rel @p0 .LBB2_5-.Ltmp1, $4  }
0x4d: {  	v10 =	vadd.s32 v12, v9;
	v12 =	vshrl.u32 v8, $0x1F;
	v9 =	vsub.s32 v13, v3;
	[tilespmem:v11+s17+$0x0] =	vst.idx.add.s32.msk vm1, v2  }
0x4e: {  	v11 =	vadd.s32 v12, v10;
	v12 =	vshrl.u32 v9, $0x1F;
	v10 =	vsub.s32 v15, v3;
	[tilespmem:v4+s17+$0x0] =	vst.idx.add.s32.msk vm0, v2  }
0x4f: {  	v4 =	vadd.s32 v12, v11;
	v12 =	vshrl.u32 v10, $0x1F;
	v11 =	vsub.s32 v17, v3  }
0x50: {  	s24 =	sadd.s32 $0x100, s24;
	v12 =	vadd.s32 v12, v4;
	v13 =	vshrl.u32 v11, $0x1F;
	v4 =	vsub.s32 v19, v3  }
0x51: {  	v14 =	vshra.s32 v5, $0xA;
	vm0 =	vlt.u32 v5, $0x400000  }
0x52: {  	v5 =	vshra.s32 v6, $0xA;
	vm1 =	vlt.u32 v6, $0x400000;
	v14 =	vadd.s32 v1, v14  }
0x53: {  	v6 =	vshra.s32 v7, $0xA;
	vm2 =	vlt.u32 v7, $0x400000;
	v5 =	vadd.s32 v1, v5  }
0x54: {  	v7 =	vshra.s32 v8, $0xA;
	vm3 =	vlt.u32 v8, $0x400000;
	v6 =	vadd.s32 v1, v6  }
0x55: {  	v8 =	vshra.s32 v9, $0xA;
	vm4 =	vlt.u32 v9, $0x400000;
	v7 =	vadd.s32 v1, v7  }
0x56: {  	v9 =	vshra.s32 v10, $0xA;
	vm5 =	vlt.u32 v10, $0x400000;
	v8 =	vadd.s32 v1, v8  }
0x57: {  	v10 =	vshra.s32 v11, $0xA;
	vm6 =	vlt.u32 v11, $0x400000;
	v9 =	vadd.s32 v1, v9;
	[tilespmem:v14+s17+$0x0] =	vst.idx.add.s32.msk vm0, v2  }
0x58: {  	v11 =	vshra.s32 v4, $0xA;
	vm15 =	vlt.u32 v4, $0x400000;
	v10 =	vadd.s32 v1, v10;
	[tilespmem:v5+s17+$0x0] =	vst.idx.add.s32.msk vm1, v2  }
0x59: {  	v5 =	vadd.s32 v1, v11;
	[tilespmem:v6+s17+$0x0] =	vst.idx.add.s32.msk vm2, v2  }
0x5a: {  	[tilespmem:v7+s17+$0x0] =	vst.idx.add.s32.msk vm3, v2  }
0x5b: {  	[tilespmem:v8+s17+$0x0] =	vst.idx.add.s32.msk vm4, v2  }
0x5c: {  	[tilespmem:v9+s17+$0x0] =	vst.idx.add.s32.msk vm5, v2  }
0x5d: {  	[tilespmem:v10+s17+$0x0] =	vst.idx.add.s32.msk vm6, v2  }
0x5e: {  	[tilespmem:v5+s17+$0x0] =	vst.idx.add.s32.msk vm15, v2  }
0x5f: {  	v5 =	vld [tilespmem:s22+$0xFFFFFFB0]  }
0x60: {  	v6 =	vld [tilespmem:s22+$0xFFFFFFC0]  }
0x61: {  	v7 =	vld [tilespmem:s22+$0xFFFFFFD0]  }
0x62: {  	v8 =	vld [tilespmem:s22+$0xFFFFFFE0]  }
0x63: {  	v9 =	vld [tilespmem:s22+$0xFFFFFFF0]  }
0x64: {  	v10 =	vld [tilespmem:s22+$0xFFFFFF90]  }
0x65: {  	v11 =	vld [tilespmem:s22+$0xFFFFFFA0]  }
0x66: {  	v14 =	vld [tilespmem:s22+$0x0]  }
0x67: {  	v12 =	vadd.s32 v13, v12;
	v4 =	vshrl.u32 v4, $0x1F  }
0x68: {  	v4 =	vadd.s32 v4, v12;
	v12 =	vand.u32 $0x7FFFFFFF, v5;
	v13 =	vand.u32 $0x7FFFFFFF, v6  }
0x69: {  	v5 =	vand.u32 $0x7FFFFFFF, v10;
	v10 =	vand.u32 $0x7FFFFFFF, v7;
	v15 =	vand.u32 $0x7FFFFFFF, v8  }
0x6a: {  	v6 =	vand.u32 $0x7FFFFFFF, v11;
	v11 =	vand.u32 $0x7FFFFFFF, v9;
	v5 =	vsub.s32 v5, v3  }
0x6b: {  	v14 =	vand.u32 $0x7FFFFFFF, v14;
	v6 =	vsub.s32 v6, v3;
	v7 =	vshrl.u32 v5, $0x1F  }
0x6c: {  	v8 =	vshrl.u32 v6, $0x1F;
	v4 =	vadd.s32 v4, v7;
	v7 =	vsub.s32 v12, v3  }
0x6d: {  	v4 =	vadd.s32 v8, v4;
	v9 =	vshrl.u32 v7, $0x1F;
	v8 =	vsub.s32 v13, v3  }
0x6e: {  	v4 =	vadd.s32 v9, v4;
	v12 =	vshrl.u32 v8, $0x1F;
	v9 =	vsub.s32 v10, v3  }
0x6f: {  	v10 =	vsub.s32 v15, v3;
	v4 =	vadd.s32 v12, v4;
	v12 =	vshrl.u32 v9, $0x1F  }
0x70: {  	v11 =	vsub.s32 v11, v3;
	v4 =	vadd.s32 v12, v4;
	v12 =	vshrl.u32 v10, $0x1F  }
0x71: {  	s23 =	simm.s32 $0x1F0;
	s22 =	simm.s32 $0x0;
	v13 =	vshrl.u32 v11, $0x1F;
	v12 =	vadd.s32 v12, v4;
	v4 =	vsub.s32 v14, v3  }
.LBB2_7:
0x72: {  	v14 =	vld [tilespmem:s23+$0xFFFFFFB0];
	v15 =	vshra.s32 v5, $0xA;
	v12 =	vadd.s32 v13, v12;
	v13 =	vshrl.u32 v4, $0x1F  }
0x73: {  	v17 =	vshra.s32 v6, $0xA;
	v18 =	vshra.s32 v7, $0xA;
	v16 =	vld [tilespmem:s23+$0xFFFFFFC0];
	v12 =	vadd.s32 v13, v12  }
0x74: {  	v19 =	vshra.s32 v8, $0xA;
	v20 =	vshra.s32 v9, $0xA;
	v21 =	vshra.s32 v10, $0xA;
	v13 =	vld [tilespmem:s23+$0xFFFFFFD0]  }
0x75: {  	vm5 =	vlt.u32 v5, $0x400000;
	v5 =	vshra.s32 v11, $0xA;
	v23 =	vshra.s32 v4, $0xA;
	v22 =	vld [tilespmem:s23+$0xFFFFFFE0]  }
0x76: {  	vm6 =	vlt.u32 v6, $0x400000;
	v15 =	vadd.s32 v1, v15;
	v6 =	vadd.s32 v1, v17;
	v24 =	vld [tilespmem:s23+$0xFFFFFFF0]  }
0x77: {  	s22 =	sadd.s32 $0x80, s22;
	vm7 =	vlt.u32 v7, $0x400000;
	vm3 =	vlt.u32 v8, $0x400000;
	v7 =	vadd.s32 v1, v18;
	v17 =	vld [tilespmem:s23+$0xFFFFFF90]  }
0x78: {  	vm4 =	vlt.u32 v9, $0x400000;
	p0 =	slt.u32 s22, $0xF80;
	v18 =	vadd.s32 v1, v19;
	v9 =	vadd.s32 v1, v20;
	v8 =	vld [tilespmem:s23+$0xFFFFFFA0]  }
0x79: {  	vm2 =	vlt.u32 v10, $0x400000;
	vm1 =	vlt.u32 v11, $0x400000;
	v10 =	vadd.s32 v1, v21;
	v19 =	vld [tilespmem:s23+$0x0]  }
0x7a: {  	vm0 =	vlt.u32 v4, $0x400000;
	v11 =	vadd.s32 v1, v5;
	v4 =	vadd.s32 v1, v23  }
0x7b: {  	v14 =	vand.u32 $0x7FFFFFFF, v14;
	v16 =	vand.u32 $0x7FFFFFFF, v16;
	[tilespmem:v15+s17+$0x0] =	vst.idx.add.s32.msk vm5, v2  }
0x7c: {  	v13 =	vand.u32 $0x7FFFFFFF, v13;
	v15 =	vand.u32 $0x7FFFFFFF, v22;
	v5 =	vand.u32 $0x7FFFFFFF, v17;
	[tilespmem:v6+s17+$0x0] =	vst.idx.add.s32.msk vm6, v2  }
0x7d: {  	v17 =	vand.u32 $0x7FFFFFFF, v24;
	v5 =	vsub.s32 v5, v3;
	v6 =	vand.u32 $0x7FFFFFFF, v8;
	[tilespmem:v7+s17+$0x0] =	vst.idx.add.s32.msk vm7, v2  }
0x7e: {  	v7 =	vshrl.u32 v5, $0x1F;
	v6 =	vsub.s32 v6, v3;
	v19 =	vand.u32 $0x7FFFFFFF, v19;
	[tilespmem:v18+s17+$0x0] =	vst.idx.add.s32.msk vm3, v2  }
0x7f: {  	v8 =	vadd.s32 v12, v7;
	v12 =	vshrl.u32 v6, $0x1F;
	v7 =	vsub.s32 v14, v3;
	[tilespmem:v9+s17+$0x0] =	vst.idx.add.s32.msk vm4, v2  }
.Ltmp2:
0x80: {  	v9 =	vadd.s32 v12, v8;
	v12 =	vshrl.u32 v7, $0x1F;
	v8 =	vsub.s32 v16, v3;
	[tilespmem:v10+s17+$0x0] =	vst.idx.add.s32.msk vm2, v2;
	(pc) =	sbr.rel @p0 .LBB2_7-.Ltmp2, $4  }
0x81: {  	v10 =	vadd.s32 v12, v9;
	v12 =	vshrl.u32 v8, $0x1F;
	v9 =	vsub.s32 v13, v3;
	[tilespmem:v11+s17+$0x0] =	vst.idx.add.s32.msk vm1, v2  }
0x82: {  	v11 =	vadd.s32 v12, v10;
	v12 =	vshrl.u32 v9, $0x1F;
	v10 =	vsub.s32 v15, v3;
	[tilespmem:v4+s17+$0x0] =	vst.idx.add.s32.msk vm0, v2  }
0x83: {  	v4 =	vadd.s32 v12, v11;
	v12 =	vshrl.u32 v10, $0x1F;
	v11 =	vsub.s32 v17, v3  }
0x84: {  	s23 =	sadd.s32 $0x100, s23;
	v12 =	vadd.s32 v12, v4;
	v13 =	vshrl.u32 v11, $0x1F;
	v4 =	vsub.s32 v19, v3  }
0x85: {  	v14 =	vshra.s32 v5, $0xA;
	vm0 =	vlt.u32 v5, $0x400000  }
0x86: {  	v5 =	vshra.s32 v6, $0xA;
	vm1 =	vlt.u32 v6, $0x400000;
	v14 =	vadd.s32 v1, v14  }
0x87: {  	v6 =	vshra.s32 v7, $0xA;
	vm2 =	vlt.u32 v7, $0x400000;
	v5 =	vadd.s32 v1, v5  }
0x88: {  	v7 =	vshra.s32 v8, $0xA;
	vm3 =	vlt.u32 v8, $0x400000;
	v6 =	vadd.s32 v1, v6  }
0x89: {  	v8 =	vshra.s32 v9, $0xA;
	vm4 =	vlt.u32 v9, $0x400000;
	v7 =	vadd.s32 v1, v7  }
0x8a: {  	v9 =	vshra.s32 v10, $0xA;
	vm5 =	vlt.u32 v10, $0x400000;
	v8 =	vadd.s32 v1, v8  }
0x8b: {  	v10 =	vshra.s32 v11, $0xA;
	vm6 =	vlt.u32 v11, $0x400000;
	v9 =	vadd.s32 v1, v9;
	[tilespmem:v14+s17+$0x0] =	vst.idx.add.s32.msk vm0, v2  }
0x8c: {  	v11 =	vshra.s32 v4, $0xA;
	vm15 =	vlt.u32 v4, $0x400000;
	s22 =	sshll.u32 s21, $0x1;
	v10 =	vadd.s32 v1, v10;
	[tilespmem:v5+s17+$0x0] =	vst.idx.add.s32.msk vm1, v2  }
0x8d: {  	s22 =	smin.u32 s22, $0x3C;
	v5 =	vadd.s32 v1, v11;
	[tilespmem:v6+s17+$0x0] =	vst.idx.add.s32.msk vm2, v2  }
0x8e: {  	s22 =	sadd.s32 $0x2, s22;
	[tilespmem:v7+s17+$0x0] =	vst.idx.add.s32.msk vm3, v2  }
0x8f: {  	s23 =	sshll.u32 s22, $0xA;
	s22 =	sshll.u32 s22, $0x5;
	[tilespmem:v8+s17+$0x0] =	vst.idx.add.s32.msk vm4, v2  }
0x90: {  	s23 =	sadd.s32 s5, s23;
	s22 =	sand.u32 $0x40, s22;
	[tilespmem:v9+s17+$0x0] =	vst.idx.add.s32.msk vm5, v2  }
0x91: {  	s23 =	sand.u32 $0x3FF000, s23;
	s22 =	sadd.s32 s2, s22;
	[tilespmem:v10+s17+$0x0] =	vst.idx.add.s32.msk vm6, v2  }
0x92: {  	s22 =	sadd.s32 s23, s22;
	[tilespmem:v5+s17+$0x0] =	vst.idx.add.s32.msk vm15, v2  }
0x93: {  	[tilespmem:s4], [sflag:$0x1] =	stream.strided.gather [hbm4b:s22+s13], $0x2000, s14, s13, $0x38;
	[tilespmem:$0x14080] =	vst v63  }
0x94: {  	_ =	swait.ge [sflag:s18], $0x2000  }
0x95: {  	[sflag:s18] =	ssyncset.done $0x0  }
0x96: {  	s31 =	simm.s32 $0x2040;
	[sflag:s18] =	ssyncadd.s32 $0xFFFFE000  }
0x97: {  	v5 =	vld [tilespmem:s31+$0xFFFFFFE0]  }
0x98: {  	v6 =	vld [tilespmem:s31+$0xFFFFFFF0]  }
0x99: {  	v7 =	vld [tilespmem:s31+$0x0]  }
0x9a: {  	v8 =	vld [tilespmem:s31+$0x10]  }
0x9b: {  	v9 =	vld [tilespmem:s31+$0x20]  }
0x9c: {  	v10 =	vld [tilespmem:s31+$0xFFFFFFC0]  }
0x9d: {  	v11 =	vld [tilespmem:s31+$0xFFFFFFD0]  }
0x9e: {  	v14 =	vld [tilespmem:s31+$0x30]  }
0x9f: {  	v12 =	vadd.s32 v13, v12;
	v4 =	vshrl.u32 v4, $0x1F  }
0xa0: {  	v4 =	vadd.s32 v4, v12;
	v12 =	vand.u32 $0x7FFFFFFF, v5;
	v13 =	vand.u32 $0x7FFFFFFF, v6  }
0xa1: {  	v5 =	vand.u32 $0x7FFFFFFF, v10;
	v10 =	vand.u32 $0x7FFFFFFF, v7;
	v15 =	vand.u32 $0x7FFFFFFF, v8  }
0xa2: {  	v6 =	vand.u32 $0x7FFFFFFF, v11;
	v11 =	vand.u32 $0x7FFFFFFF, v9;
	v5 =	vsub.s32 v5, v3  }
0xa3: {  	v14 =	vand.u32 $0x7FFFFFFF, v14;
	v6 =	vsub.s32 v6, v3;
	v7 =	vshrl.u32 v5, $0x1F  }
0xa4: {  	v8 =	vshrl.u32 v6, $0x1F;
	v4 =	vadd.s32 v4, v7;
	v7 =	vsub.s32 v12, v3  }
0xa5: {  	v4 =	vadd.s32 v8, v4;
	v9 =	vshrl.u32 v7, $0x1F;
	v8 =	vsub.s32 v13, v3  }
0xa6: {  	v4 =	vadd.s32 v9, v4;
	v12 =	vshrl.u32 v8, $0x1F;
	v9 =	vsub.s32 v10, v3  }
0xa7: {  	v10 =	vsub.s32 v15, v3;
	v4 =	vadd.s32 v12, v4;
	v12 =	vshrl.u32 v9, $0x1F  }
0xa8: {  	v11 =	vsub.s32 v11, v3;
	v4 =	vadd.s32 v12, v4;
	v12 =	vshrl.u32 v10, $0x1F  }
0xa9: {  	s24 =	simm.s32 $0x2140;
	s23 =	simm.s32 $0x0;
	v13 =	vshrl.u32 v11, $0x1F;
	v12 =	vadd.s32 v12, v4;
	v4 =	vsub.s32 v14, v3  }
.LBB2_9:
0xaa: {  	v14 =	vld [tilespmem:s24+$0xFFFFFFE0];
	v15 =	vshra.s32 v5, $0xA;
	v12 =	vadd.s32 v13, v12;
	v13 =	vshrl.u32 v4, $0x1F  }
0xab: {  	v17 =	vshra.s32 v6, $0xA;
	v18 =	vshra.s32 v7, $0xA;
	s22 =	simm.s32 $0x20F0;
	v16 =	vld [tilespmem:s24+$0xFFFFFFF0];
	v12 =	vadd.s32 v13, v12  }
0xac: {  	v19 =	vshra.s32 v8, $0xA;
	v20 =	vshra.s32 v9, $0xA;
	v21 =	vshra.s32 v10, $0xA;
	v13 =	vld [tilespmem:s24+$0x0]  }
0xad: {  	vm5 =	vlt.u32 v5, $0x400000;
	v5 =	vshra.s32 v11, $0xA;
	v23 =	vshra.s32 v4, $0xA;
	v22 =	vld [tilespmem:s24+$0x10]  }
0xae: {  	vm6 =	vlt.u32 v6, $0x400000;
	v15 =	vadd.s32 v1, v15;
	v6 =	vadd.s32 v1, v17;
	v24 =	vld [tilespmem:s24+$0x20]  }
0xaf: {  	s23 =	sadd.s32 $0x80, s23;
	vm7 =	vlt.u32 v7, $0x400000;
	vm3 =	vlt.u32 v8, $0x400000;
	v7 =	vadd.s32 v1, v18;
	v17 =	vld [tilespmem:s24+$0xFFFFFFC0]  }
0xb0: {  	vm4 =	vlt.u32 v9, $0x400000;
	p0 =	slt.u32 s23, $0xF80;
	v18 =	vadd.s32 v1, v19;
	v9 =	vadd.s32 v1, v20;
	v8 =	vld [tilespmem:s24+$0xFFFFFFD0]  }
0xb1: {  	vm2 =	vlt.u32 v10, $0x400000;
	vm1 =	vlt.u32 v11, $0x400000;
	v10 =	vadd.s32 v1, v21;
	v19 =	vld [tilespmem:s24+$0x30]  }
0xb2: {  	vm0 =	vlt.u32 v4, $0x400000;
	v11 =	vadd.s32 v1, v5;
	v4 =	vadd.s32 v1, v23  }
0xb3: {  	v14 =	vand.u32 $0x7FFFFFFF, v14;
	v16 =	vand.u32 $0x7FFFFFFF, v16;
	[tilespmem:v15+s17+$0x0] =	vst.idx.add.s32.msk vm5, v2  }
0xb4: {  	v13 =	vand.u32 $0x7FFFFFFF, v13;
	v15 =	vand.u32 $0x7FFFFFFF, v22;
	v5 =	vand.u32 $0x7FFFFFFF, v17;
	[tilespmem:v6+s17+$0x0] =	vst.idx.add.s32.msk vm6, v2  }
0xb5: {  	v17 =	vand.u32 $0x7FFFFFFF, v24;
	v5 =	vsub.s32 v5, v3;
	v6 =	vand.u32 $0x7FFFFFFF, v8;
	[tilespmem:v7+s17+$0x0] =	vst.idx.add.s32.msk vm7, v2  }
0xb6: {  	v7 =	vshrl.u32 v5, $0x1F;
	v6 =	vsub.s32 v6, v3;
	v19 =	vand.u32 $0x7FFFFFFF, v19;
	[tilespmem:v18+s17+$0x0] =	vst.idx.add.s32.msk vm3, v2  }
0xb7: {  	v8 =	vadd.s32 v12, v7;
	v12 =	vshrl.u32 v6, $0x1F;
	v7 =	vsub.s32 v14, v3;
	[tilespmem:v9+s17+$0x0] =	vst.idx.add.s32.msk vm4, v2  }
.Ltmp3:
0xb8: {  	v9 =	vadd.s32 v12, v8;
	v12 =	vshrl.u32 v7, $0x1F;
	v8 =	vsub.s32 v16, v3;
	[tilespmem:v10+s17+$0x0] =	vst.idx.add.s32.msk vm2, v2;
	(pc) =	sbr.rel @p0 .LBB2_9-.Ltmp3, $4  }
0xb9: {  	v10 =	vadd.s32 v12, v9;
	v12 =	vshrl.u32 v8, $0x1F;
	v9 =	vsub.s32 v13, v3;
	[tilespmem:v11+s17+$0x0] =	vst.idx.add.s32.msk vm1, v2  }
0xba: {  	v11 =	vadd.s32 v12, v10;
	v12 =	vshrl.u32 v9, $0x1F;
	v10 =	vsub.s32 v15, v3;
	[tilespmem:v4+s17+$0x0] =	vst.idx.add.s32.msk vm0, v2  }
0xbb: {  	v4 =	vadd.s32 v12, v11;
	v12 =	vshrl.u32 v10, $0x1F;
	v11 =	vsub.s32 v17, v3  }
0xbc: {  	s24 =	sadd.s32 $0x100, s24;
	v12 =	vadd.s32 v12, v4;
	v13 =	vshrl.u32 v11, $0x1F;
	v4 =	vsub.s32 v19, v3  }
0xbd: {  	v14 =	vshra.s32 v5, $0xA;
	vm0 =	vlt.u32 v5, $0x400000  }
0xbe: {  	v5 =	vshra.s32 v6, $0xA;
	vm1 =	vlt.u32 v6, $0x400000;
	v14 =	vadd.s32 v1, v14  }
0xbf: {  	v6 =	vshra.s32 v7, $0xA;
	vm2 =	vlt.u32 v7, $0x400000;
	v5 =	vadd.s32 v1, v5  }
0xc0: {  	v7 =	vshra.s32 v8, $0xA;
	vm3 =	vlt.u32 v8, $0x400000;
	v6 =	vadd.s32 v1, v6  }
0xc1: {  	v8 =	vshra.s32 v9, $0xA;
	vm4 =	vlt.u32 v9, $0x400000;
	v7 =	vadd.s32 v1, v7  }
0xc2: {  	v9 =	vshra.s32 v10, $0xA;
	vm5 =	vlt.u32 v10, $0x400000;
	v8 =	vadd.s32 v1, v8  }
0xc3: {  	v10 =	vshra.s32 v11, $0xA;
	vm6 =	vlt.u32 v11, $0x400000;
	v9 =	vadd.s32 v1, v9;
	[tilespmem:v14+s17+$0x0] =	vst.idx.add.s32.msk vm0, v2  }
0xc4: {  	v11 =	vshra.s32 v4, $0xA;
	vm15 =	vlt.u32 v4, $0x400000;
	v10 =	vadd.s32 v1, v10;
	[tilespmem:v5+s17+$0x0] =	vst.idx.add.s32.msk vm1, v2  }
0xc5: {  	v5 =	vadd.s32 v1, v11;
	[tilespmem:v6+s17+$0x0] =	vst.idx.add.s32.msk vm2, v2  }
0xc6: {  	[tilespmem:v7+s17+$0x0] =	vst.idx.add.s32.msk vm3, v2  }
0xc7: {  	[tilespmem:v8+s17+$0x0] =	vst.idx.add.s32.msk vm4, v2  }
0xc8: {  	[tilespmem:v9+s17+$0x0] =	vst.idx.add.s32.msk vm5, v2  }
0xc9: {  	[tilespmem:v10+s17+$0x0] =	vst.idx.add.s32.msk vm6, v2  }
0xca: {  	[tilespmem:v5+s17+$0x0] =	vst.idx.add.s32.msk vm15, v2  }
0xcb: {  	v5 =	vld [tilespmem:s22+$0xFFFFFFB0]  }
0xcc: {  	v6 =	vld [tilespmem:s22+$0xFFFFFFC0]  }
0xcd: {  	v7 =	vld [tilespmem:s22+$0xFFFFFFD0]  }
0xce: {  	v8 =	vld [tilespmem:s22+$0xFFFFFFE0]  }
0xcf: {  	v9 =	vld [tilespmem:s22+$0xFFFFFFF0]  }
0xd0: {  	v10 =	vld [tilespmem:s22+$0xFFFFFF90]  }
0xd1: {  	v11 =	vld [tilespmem:s22+$0xFFFFFFA0]  }
0xd2: {  	v14 =	vld [tilespmem:s22+$0x0]  }
0xd3: {  	v12 =	vadd.s32 v13, v12;
	v4 =	vshrl.u32 v4, $0x1F  }
0xd4: {  	v12 =	vadd.s32 v4, v12;
	v13 =	vand.u32 $0x7FFFFFFF, v5;
	v6 =	vand.u32 $0x7FFFFFFF, v6  }
0xd5: {  	v4 =	vand.u32 $0x7FFFFFFF, v10;
	v10 =	vand.u32 $0x7FFFFFFF, v7;
	v15 =	vand.u32 $0x7FFFFFFF, v8  }
0xd6: {  	v5 =	vand.u32 $0x7FFFFFFF, v11;
	v11 =	vand.u32 $0x7FFFFFFF, v9;
	v4 =	vsub.s32 v4, v3  }
0xd7: {  	v14 =	vand.u32 $0x7FFFFFFF, v14;
	v5 =	vsub.s32 v5, v3;
	v7 =	vshrl.u32 v4, $0x1F  }
0xd8: {  	v9 =	vshrl.u32 v5, $0x1F;
	v8 =	vadd.s32 v12, v7;
	v7 =	vsub.s32 v13, v3  }
0xd9: {  	v9 =	vadd.s32 v9, v8;
	v12 =	vshrl.u32 v7, $0x1F;
	v8 =	vsub.s32 v6, v3  }
0xda: {  	v6 =	vadd.s32 v12, v9;
	v12 =	vshrl.u32 v8, $0x1F;
	v9 =	vsub.s32 v10, v3  }
0xdb: {  	v10 =	vsub.s32 v15, v3;
	v6 =	vadd.s32 v12, v6;
	v12 =	vshrl.u32 v9, $0x1F  }
0xdc: {  	v11 =	vsub.s32 v11, v3;
	v6 =	vadd.s32 v12, v6;
	v12 =	vshrl.u32 v10, $0x1F  }
0xdd: {  	s23 =	simm.s32 $0x21F0;
	s22 =	simm.s32 $0x0;
	v13 =	vshrl.u32 v11, $0x1F;
	v12 =	vadd.s32 v12, v6;
	v6 =	vsub.s32 v14, v3  }
.LBB2_11:
0xde: {  	v14 =	vld [tilespmem:s23+$0xFFFFFFB0];
	v15 =	vshra.s32 v4, $0xA;
	v12 =	vadd.s32 v13, v12;
	v13 =	vshrl.u32 v6, $0x1F  }
0xdf: {  	v17 =	vshra.s32 v5, $0xA;
	v18 =	vshra.s32 v7, $0xA;
	v16 =	vld [tilespmem:s23+$0xFFFFFFC0];
	v12 =	vadd.s32 v13, v12  }
0xe0: {  	v19 =	vshra.s32 v8, $0xA;
	v20 =	vshra.s32 v9, $0xA;
	v21 =	vshra.s32 v10, $0xA;
	v13 =	vld [tilespmem:s23+$0xFFFFFFD0]  }
0xe1: {  	vm5 =	vlt.u32 v4, $0x400000;
	v4 =	vshra.s32 v11, $0xA;
	v23 =	vshra.s32 v6, $0xA;
	v22 =	vld [tilespmem:s23+$0xFFFFFFE0]  }
0xe2: {  	vm6 =	vlt.u32 v5, $0x400000;
	v15 =	vadd.s32 v1, v15;
	v5 =	vadd.s32 v1, v17;
	v24 =	vld [tilespmem:s23+$0xFFFFFFF0]  }
0xe3: {  	s22 =	sadd.s32 $0x80, s22;
	vm7 =	vlt.u32 v7, $0x400000;
	vm3 =	vlt.u32 v8, $0x400000;
	v7 =	vadd.s32 v1, v18;
	v17 =	vld [tilespmem:s23+$0xFFFFFF90]  }
0xe4: {  	vm4 =	vlt.u32 v9, $0x400000;
	p0 =	slt.u32 s22, $0xF80;
	v18 =	vadd.s32 v1, v19;
	v9 =	vadd.s32 v1, v20;
	v8 =	vld [tilespmem:s23+$0xFFFFFFA0]  }
0xe5: {  	vm2 =	vlt.u32 v10, $0x400000;
	vm1 =	vlt.u32 v11, $0x400000;
	v10 =	vadd.s32 v1, v21;
	v19 =	vld [tilespmem:s23+$0x0]  }
0xe6: {  	vm0 =	vlt.u32 v6, $0x400000;
	v11 =	vadd.s32 v1, v4;
	v6 =	vadd.s32 v1, v23  }
0xe7: {  	v14 =	vand.u32 $0x7FFFFFFF, v14;
	v16 =	vand.u32 $0x7FFFFFFF, v16;
	[tilespmem:v15+s17+$0x0] =	vst.idx.add.s32.msk vm5, v2  }
0xe8: {  	v13 =	vand.u32 $0x7FFFFFFF, v13;
	v15 =	vand.u32 $0x7FFFFFFF, v22;
	v4 =	vand.u32 $0x7FFFFFFF, v17;
	[tilespmem:v5+s17+$0x0] =	vst.idx.add.s32.msk vm6, v2  }
0xe9: {  	v17 =	vand.u32 $0x7FFFFFFF, v24;
	v4 =	vsub.s32 v4, v3;
	v5 =	vand.u32 $0x7FFFFFFF, v8;
	[tilespmem:v7+s17+$0x0] =	vst.idx.add.s32.msk vm7, v2  }
0xea: {  	v7 =	vshrl.u32 v4, $0x1F;
	v5 =	vsub.s32 v5, v3;
	v19 =	vand.u32 $0x7FFFFFFF, v19;
	[tilespmem:v18+s17+$0x0] =	vst.idx.add.s32.msk vm3, v2  }
0xeb: {  	v8 =	vadd.s32 v12, v7;
	v12 =	vshrl.u32 v5, $0x1F;
	v7 =	vsub.s32 v14, v3;
	[tilespmem:v9+s17+$0x0] =	vst.idx.add.s32.msk vm4, v2  }
.Ltmp4:
0xec: {  	v9 =	vadd.s32 v12, v8;
	v12 =	vshrl.u32 v7, $0x1F;
	v8 =	vsub.s32 v16, v3;
	[tilespmem:v10+s17+$0x0] =	vst.idx.add.s32.msk vm2, v2;
	(pc) =	sbr.rel @p0 .LBB2_11-.Ltmp4, $4  }
0xed: {  	v10 =	vadd.s32 v12, v9;
	v12 =	vshrl.u32 v8, $0x1F;
	v9 =	vsub.s32 v13, v3;
	[tilespmem:v11+s17+$0x0] =	vst.idx.add.s32.msk vm1, v2  }
0xee: {  	v11 =	vadd.s32 v12, v10;
	v12 =	vshrl.u32 v9, $0x1F;
	v10 =	vsub.s32 v15, v3;
	[tilespmem:v6+s17+$0x0] =	vst.idx.add.s32.msk vm0, v2  }
0xef: {  	v6 =	vadd.s32 v12, v11;
	v12 =	vshrl.u32 v10, $0x1F;
	v11 =	vsub.s32 v17, v3  }
0xf0: {  	s23 =	sadd.s32 $0x100, s23;
	v12 =	vadd.s32 v12, v6;
	v13 =	vshrl.u32 v11, $0x1F;
	v6 =	vsub.s32 v19, v3  }
0xf1: {  	v14 =	vshra.s32 v4, $0xA;
	vm0 =	vlt.u32 v4, $0x400000  }
0xf2: {  	v4 =	vshra.s32 v5, $0xA;
	vm1 =	vlt.u32 v5, $0x400000;
	v14 =	vadd.s32 v1, v14  }
0xf3: {  	v5 =	vshra.s32 v7, $0xA;
	vm2 =	vlt.u32 v7, $0x400000;
	v4 =	vadd.s32 v1, v4  }
0xf4: {  	v7 =	vshra.s32 v8, $0xA;
	vm3 =	vlt.u32 v8, $0x400000;
	v5 =	vadd.s32 v1, v5  }
0xf5: {  	v60 =	vshra.s32 v9, $0xA;
	vm4 =	vlt.u32 v9, $0x400000;
	v7 =	vadd.s32 v1, v7  }
0xf6: {  	v61 =	vshra.s32 v10, $0xA;
	vm5 =	vlt.u32 v10, $0x400000;
	v8 =	vadd.s32 v1, v60  }
0xf7: {  	v62 =	vshra.s32 v11, $0xA;
	vm6 =	vlt.u32 v11, $0x400000;
	v9 =	vadd.s32 v1, v61;
	[tilespmem:v14+s17+$0x0] =	vst.idx.add.s32.msk vm0, v2  }
0xf8: {  	v63 =	vshra.s32 v6, $0xA;
	vm15 =	vlt.u32 v6, $0x400000;
	s21 =	sadd.s32 $0x1, s21;
	v10 =	vadd.s32 v1, v62;
	[tilespmem:v4+s17+$0x0] =	vst.idx.add.s32.msk vm1, v2  }
0xf9: {  	v11 =	vadd.s32 v1, v63;
	p0 =	sne.s32 s21, $0x20;
	[tilespmem:v5+s17+$0x0] =	vst.idx.add.s32.msk vm2, v2  }
.Ltmp5:
0xfa: {  	[tilespmem:v7+s17+$0x0] =	vst.idx.add.s32.msk vm3, v2;
	(pc) =	sbr.rel @p0 .LBB2_4-.Ltmp5, $4  }
0xfb: {  	[tilespmem:v8+s17+$0x0] =	vst.idx.add.s32.msk vm4, v2  }
0xfc: {  	[tilespmem:v9+s17+$0x0] =	vst.idx.add.s32.msk vm5, v2  }
0xfd: {  	v4 =	vadd.s32 v13, v12;
	v5 =	vshrl.u32 v6, $0x1F;
	[tilespmem:v10+s17+$0x0] =	vst.idx.add.s32.msk vm6, v2  }
0xfe: {  	[tilespmem:v11+s17+$0x0] =	vst.idx.add.s32.msk vm15, v2;
	v4 =	vadd.s32 v5, v4  }
0xff: {  	_ =	swait.ge [sflag:s16], $0x2000  }
0x100: {  	[sflag:s16] =	ssyncset.done $0x0  }
0x101: {  	[sflag:s16] =	ssyncadd.s32 $0xFFFFE000  }
0x102: {  	[tilespmem:$0x4000] =	vst v4  }
0x103: {  	[hbm4b:s8+s4] =	stream.linear.scatter [tilespmem:s11], [sflag:$0x3], $0x80, $0x38;
	[tilespmem:$0x14080] =	vst v63  }
0x104: {  	_ =	swait.ge [sflag:s12], $0x80  }
0x105: {  	[sflag:s12] =	ssyncset.done $0x0  }
0x106: {  	s21 =	simm.s32 $0x130B0;
	s22 =	simm.s32 $0x0;
	[sflag:s12] =	ssyncadd.s32 $0xFFFFFF80  }
0x107: {  	s23 =	sand.u32 $0xFC0, s22;
	v3 =	vld [tilespmem:s21+$0xFFFF0FD0]  }
0x108: {  	v4 =	vld [tilespmem:s23+$0x5080]  }
0x109: {  	v5 =	vld [tilespmem:s23+$0x6080]  }
0x10a: {  	v6 =	vld [tilespmem:s23+$0x7080]  }
0x10b: {  	v7 =	vld [tilespmem:s23+$0x8080]  }
0x10c: {  	v8 =	vld [tilespmem:s23+$0x9080]  }
0x10d: {  	v9 =	vld [tilespmem:s23+$0xA080]  }
0x10e: {  	v10 =	vld [tilespmem:s23+$0xB080]  }
0x10f: {  	v11 =	vld [tilespmem:s23+$0xC080]  }
0x110: {  	v12 =	vld [tilespmem:s23+$0xD080]  }
0x111: {  	v13 =	vld [tilespmem:s23+$0xE080]  }
0x112: {  	v14 =	vld [tilespmem:s23+$0xF080]  }
0x113: {  	v15 =	vld [tilespmem:s23+$0x10080]  }
0x114: {  	v16 =	vld [tilespmem:s23+$0x11080]  }
0x115: {  	v17 =	vld [tilespmem:s23+$0x12080]  }
0x116: {  	v18 =	vld [tilespmem:s23+$0x13080]  }
0x117: {  	v19 =	vld [tilespmem:s21+$0xFFFF0FE0]  }
0x118: {  	v20 =	vld [tilespmem:s21+$0xFFFF1FE0]  }
0x119: {  	v21 =	vld [tilespmem:s21+$0xFFFF0FF0]  }
0x11a: {  	v22 =	vld [tilespmem:s21+$0xFFFF1FF0]  }
0x11b: {  	v23 =	vld [tilespmem:s21+$0xFFFF1000]  }
0x11c: {  	v24 =	vld [tilespmem:s21+$0xFFFF2000]  }
0x11d: {  	v25 =	vld [tilespmem:s21+$0xFFFF2FE0]  }
0x11e: {  	v26 =	vld [tilespmem:s21+$0xFFFF2FF0]  }
0x11f: {  	v27 =	vld [tilespmem:s21+$0xFFFF3000]  }
0x120: {  	v28 =	vld [tilespmem:s21+$0xFFFF3FE0]  }
0x121: {  	v29 =	vld [tilespmem:s21+$0xFFFF3FF0]  }
0x122: {  	v30 =	vld [tilespmem:s21+$0xFFFF4000]  }
0x123: {  	v31 =	vld [tilespmem:s21+$0xFFFF4FE0]  }
0x124: {  	v32 =	vld [tilespmem:s21+$0xFFFF4FF0]  }
0x125: {  	v33 =	vld [tilespmem:s21+$0xFFFF5000]  }
0x126: {  	v34 =	vld [tilespmem:s21+$0xFFFF5FE0]  }
0x127: {  	v35 =	vld [tilespmem:s21+$0xFFFF5FF0]  }
0x128: {  	v36 =	vld [tilespmem:s21+$0xFFFF6000]  }
0x129: {  	v37 =	vld [tilespmem:s21+$0xFFFF6FE0]  }
0x12a: {  	v49 =	vld [tilespmem:s21+$0xFFFF9FE0]  }
0x12b: {  	v50 =	vld [tilespmem:s21+$0xFFFF9FF0];
	v3 =	vadd.s32 v3, v4  }
0x12c: {  	v51 =	vld [tilespmem:s21+$0xFFFFA000];
	v3 =	vadd.s32 v5, v3  }
0x12d: {  	v52 =	vld [tilespmem:s21+$0xFFFFAFE0];
	v3 =	vadd.s32 v6, v3  }
0x12e: {  	v53 =	vld [tilespmem:s21+$0xFFFFAFF0];
	v3 =	vadd.s32 v7, v3  }
0x12f: {  	v54 =	vld [tilespmem:s21+$0xFFFFB000];
	v3 =	vadd.s32 v8, v3  }
0x130: {  	v38 =	vld [tilespmem:s21+$0xFFFFBFE0];
	v3 =	vadd.s32 v9, v3  }
0x131: {  	v57 =	vld [tilespmem:s21+$0xFFFFBFF0];
	v3 =	vadd.s32 v10, v3  }
0x132: {  	v58 =	vld [tilespmem:s21+$0xFFFFC000];
	v3 =	vadd.s32 v11, v3  }
0x133: {  	v59 =	vld [tilespmem:s21+$0xFFFFCFE0];
	v3 =	vadd.s32 v12, v3  }
0x134: {  	v4 =	vld [tilespmem:s21+$0xFFFF6FF0];
	v3 =	vadd.s32 v13, v3  }
0x135: {  	v5 =	vld [tilespmem:s21+$0xFFFF7000];
	v3 =	vadd.s32 v14, v3  }
0x136: {  	v6 =	vld [tilespmem:s21+$0xFFFF7FE0];
	v3 =	vadd.s32 v15, v3  }
0x137: {  	v7 =	vld [tilespmem:s21+$0xFFFF7FF0];
	v3 =	vadd.s32 v16, v3  }
0x138: {  	v55 =	vadd.s32 v21, v22;
	v8 =	vld [tilespmem:s21+$0xFFFF8000];
	v3 =	vadd.s32 v17, v3  }
0x139: {  	v56 =	vadd.s32 v23, v24;
	v9 =	vld [tilespmem:s21+$0xFFFF8FE0];
	v18 =	vadd.s32 v18, v3;
	v3 =	vadd.s32 v19, v20  }
0x13a: {  	v10 =	vld [tilespmem:s21+$0xFFFF8FF0];
	v19 =	vadd.s32 v26, v55;
	v20 =	vadd.s32 v27, v56;
	v3 =	vadd.s32 v25, v3  }
0x13b: {  	v11 =	vld [tilespmem:s21+$0xFFFF9000];
	v19 =	vadd.s32 v29, v19;
	v20 =	vadd.s32 v30, v20;
	v3 =	vadd.s32 v28, v3  }
0x13c: {  	v60 =	vld [tilespmem:s21+$0xFFFFCFF0];
	v19 =	vadd.s32 v32, v19;
	v20 =	vadd.s32 v33, v20;
	v3 =	vadd.s32 v31, v3  }
0x13d: {  	v61 =	vld [tilespmem:s21+$0xFFFFD000];
	v19 =	vadd.s32 v35, v19;
	v20 =	vadd.s32 v36, v20;
	v3 =	vadd.s32 v34, v3  }
0x13e: {  	v62 =	vld [tilespmem:s21+$0xFFFFDFE0];
	v4 =	vadd.s32 v4, v19;
	v5 =	vadd.s32 v5, v20;
	v3 =	vadd.s32 v37, v3  }
0x13f: {  	v4 =	vadd.s32 v7, v4;
	v5 =	vadd.s32 v8, v5;
	v7 =	vld [tilespmem:s21+$0xFFFFDFF0];
	v3 =	vadd.s32 v6, v3  }
0x140: {  	v4 =	vadd.s32 v10, v4;
	v5 =	vadd.s32 v11, v5;
	v3 =	vadd.s32 v9, v3;
	v9 =	vld [tilespmem:s21+$0xFFFFE000]  }
0x141: {  	v6 =	vadd.s32 v50, v4;
	v5 =	vadd.s32 v51, v5;
	v4 =	vld [tilespmem:s21+$0xFFFFEFE0];
	v3 =	vadd.s32 v49, v3  }
0x142: {  	v6 =	vadd.s32 v53, v6;
	v5 =	vadd.s32 v54, v5;
	v8 =	vadd.s32 v52, v3;
	v3 =	vld [tilespmem:s21+$0xFFFFEFF0]  }
0x143: {  	v6 =	vadd.s32 v57, v6;
	v10 =	vadd.s32 v58, v5;
	v5 =	vld [tilespmem:s21+$0xFFFFF000];
	v8 =	vadd.s32 v38, v8  }
0x144: {  	v11 =	vadd.s32 v60, v6;
	v63 =	vadd.s32 v61, v10;
	v6 =	vld [tilespmem:s21+$0xFFFFFFE0];
	v8 =	vadd.s32 v59, v8  }
0x145: {  	s23 =	simm.s32 $0x130B0;
	[tilespmem:s21+$0xFFFF0FD0] =	vst v18;
	v10 =	vadd.s32 v62, v8;
	v8 =	vadd.s32 v7, v11;
	v7 =	vld [tilespmem:s21+$0xFFFFFFF0];
	v9 =	vadd.s32 v9, v63  }
.LBB2_14:
0x146: {  	s22 =	sadd.s32 $0x40, s22;
	v4 =	vadd.s32 v4, v10;
	v10 =	vld [tilespmem:s21+$0x0];
	s23 =	sadd.s32 $0x40, s23  }
0x147: {  	v11 =	vld [tilespmem:s23+$0xFFFF0FD0];
	s24 =	sand.u32 $0xFC0, s22;
	p0 =	slt.u32 s22, $0xFC0;
	v3 =	vadd.s32 v3, v8  }
0x148: {  	v8 =	vld [tilespmem:s24+$0x5080];
	v5 =	vadd.s32 v5, v9  }
0x149: {  	v9 =	vld [tilespmem:s24+$0x6080];
	v4 =	vadd.s32 v6, v4  }
0x14a: {  	v6 =	vld [tilespmem:s24+$0x7080];
	[tilespmem:s21+$0xFFFF0FE0] =	vst v4;
	v3 =	vadd.s32 v7, v3  }
0x14b: {  	v4 =	vld [tilespmem:s24+$0x8080];
	[tilespmem:s21+$0xFFFF0FF0] =	vst v3;
	v3 =	vadd.s32 v10, v5  }
0x14c: {  	v5 =	vld [tilespmem:s24+$0x9080];
	[tilespmem:s21+$0xFFFF1000] =	vst v3;
	s21 =	smov.u32 s23  }
0x14d: {  	v3 =	vadd.s32 v11, v8;
	v7 =	vld [tilespmem:s24+$0xA080]  }
0x14e: {  	v3 =	vadd.s32 v9, v3;
	v8 =	vld [tilespmem:s24+$0xB080]  }
0x14f: {  	v3 =	vadd.s32 v6, v3;
	v6 =	vld [tilespmem:s24+$0xC080]  }
0x150: {  	v3 =	vadd.s32 v4, v3;
	v4 =	vld [tilespmem:s24+$0xD080]  }
0x151: {  	v3 =	vadd.s32 v5, v3;
	v5 =	vld [tilespmem:s24+$0xE080]  }
0x152: {  	v3 =	vadd.s32 v7, v3;
	v7 =	vld [tilespmem:s24+$0xF080]  }
0x153: {  	v3 =	vadd.s32 v8, v3;
	v8 =	vld [tilespmem:s24+$0x10080]  }
0x154: {  	v3 =	vadd.s32 v6, v3;
	v6 =	vld [tilespmem:s24+$0x11080]  }
0x155: {  	v3 =	vadd.s32 v4, v3;
	v4 =	vld [tilespmem:s24+$0x12080]  }
0x156: {  	v3 =	vadd.s32 v5, v3;
	v5 =	vld [tilespmem:s24+$0x13080]  }
0x157: {  	v3 =	vadd.s32 v7, v3;
	v7 =	vld [tilespmem:s23+$0xFFFF0FE0]  }
0x158: {  	v3 =	vadd.s32 v8, v3;
	v8 =	vld [tilespmem:s23+$0xFFFF1FE0]  }
0x159: {  	v3 =	vadd.s32 v6, v3;
	v6 =	vld [tilespmem:s23+$0xFFFF0FF0]  }
0x15a: {  	v3 =	vadd.s32 v4, v3;
	v4 =	vld [tilespmem:s23+$0xFFFF1FF0]  }
0x15b: {  	v3 =	vadd.s32 v5, v3;
	v5 =	vld [tilespmem:s23+$0xFFFF1000]  }
0x15c: {  	[tilespmem:s23+$0xFFFF0FD0] =	vst v3;
	v3 =	vld [tilespmem:s23+$0xFFFF2000]  }
0x15d: {  	v7 =	vadd.s32 v7, v8;
	v8 =	vld [tilespmem:s23+$0xFFFF2FE0]  }
0x15e: {  	v9 =	vld [tilespmem:s23+$0xFFFF2FF0]  }
0x15f: {  	v4 =	vadd.s32 v6, v4;
	v6 =	vld [tilespmem:s23+$0xFFFF3000]  }
0x160: {  	v10 =	vld [tilespmem:s23+$0xFFFF3FE0]  }
0x161: {  	v11 =	vld [tilespmem:s23+$0xFFFF3FF0];
	v3 =	vadd.s32 v5, v3  }
0x162: {  	v5 =	vadd.s32 v8, v7;
	v7 =	vld [tilespmem:s23+$0xFFFF4000]  }
0x163: {  	v8 =	vld [tilespmem:s23+$0xFFFF4FE0];
	v4 =	vadd.s32 v9, v4  }
0x164: {  	v9 =	vld [tilespmem:s23+$0xFFFF4FF0];
	v3 =	vadd.s32 v6, v3  }
0x165: {  	v5 =	vadd.s32 v10, v5;
	v6 =	vld [tilespmem:s23+$0xFFFF5000]  }
0x166: {  	v10 =	vld [tilespmem:s23+$0xFFFF5FE0];
	v4 =	vadd.s32 v11, v4  }
0x167: {  	v11 =	vld [tilespmem:s23+$0xFFFF5FF0];
	v3 =	vadd.s32 v7, v3  }
0x168: {  	v5 =	vadd.s32 v8, v5;
	v7 =	vld [tilespmem:s23+$0xFFFF6000]  }
0x169: {  	v8 =	vld [tilespmem:s23+$0xFFFF6FE0];
	v4 =	vadd.s32 v9, v4  }
0x16a: {  	v9 =	vld [tilespmem:s23+$0xFFFF6FF0];
	v3 =	vadd.s32 v6, v3  }
0x16b: {  	v5 =	vadd.s32 v10, v5;
	v6 =	vld [tilespmem:s23+$0xFFFF7000]  }
0x16c: {  	v10 =	vld [tilespmem:s23+$0xFFFF7FE0];
	v4 =	vadd.s32 v11, v4  }
0x16d: {  	v11 =	vld [tilespmem:s23+$0xFFFF7FF0];
	v3 =	vadd.s32 v7, v3  }
0x16e: {  	v5 =	vadd.s32 v8, v5;
	v7 =	vld [tilespmem:s23+$0xFFFF8000]  }
0x16f: {  	v8 =	vld [tilespmem:s23+$0xFFFF8FE0];
	v4 =	vadd.s32 v9, v4  }
0x170: {  	v9 =	vld [tilespmem:s23+$0xFFFF8FF0];
	v3 =	vadd.s32 v6, v3  }
0x171: {  	v5 =	vadd.s32 v10, v5;
	v6 =	vld [tilespmem:s23+$0xFFFF9000]  }
0x172: {  	v10 =	vld [tilespmem:s23+$0xFFFF9FE0];
	v4 =	vadd.s32 v11, v4  }
0x173: {  	v11 =	vld [tilespmem:s23+$0xFFFF9FF0];
	v3 =	vadd.s32 v7, v3  }
0x174: {  	v5 =	vadd.s32 v8, v5;
	v7 =	vld [tilespmem:s23+$0xFFFFA000]  }
0x175: {  	v8 =	vld [tilespmem:s23+$0xFFFFAFE0];
	v4 =	vadd.s32 v9, v4  }
0x176: {  	v9 =	vld [tilespmem:s23+$0xFFFFAFF0];
	v3 =	vadd.s32 v6, v3  }
0x177: {  	v5 =	vadd.s32 v10, v5;
	v6 =	vld [tilespmem:s23+$0xFFFFB000]  }
0x178: {  	v10 =	vld [tilespmem:s23+$0xFFFFBFE0];
	v4 =	vadd.s32 v11, v4  }
0x179: {  	v11 =	vld [tilespmem:s23+$0xFFFFBFF0];
	v3 =	vadd.s32 v7, v3  }
0x17a: {  	v5 =	vadd.s32 v8, v5;
	v7 =	vld [tilespmem:s23+$0xFFFFC000]  }
0x17b: {  	v8 =	vld [tilespmem:s23+$0xFFFFCFE0];
	v4 =	vadd.s32 v9, v4  }
0x17c: {  	v9 =	vld [tilespmem:s23+$0xFFFFCFF0];
	v3 =	vadd.s32 v6, v3  }
0x17d: {  	v5 =	vadd.s32 v10, v5;
	v6 =	vld [tilespmem:s23+$0xFFFFD000]  }
0x17e: {  	v10 =	vld [tilespmem:s23+$0xFFFFDFE0];
	v11 =	vadd.s32 v11, v4  }
0x17f: {  	v12 =	vld [tilespmem:s23+$0xFFFFDFF0];
	v7 =	vadd.s32 v7, v3  }
0x180: {  	v5 =	vadd.s32 v8, v5;
	v13 =	vld [tilespmem:s23+$0xFFFFE000]  }
.Ltmp6:
0x181: {  	v4 =	vld [tilespmem:s23+$0xFFFFEFE0];
	v8 =	vadd.s32 v9, v11;
	(pc) =	sbr.rel @p0 .LBB2_14-.Ltmp6, $4  }
0x182: {  	v3 =	vld [tilespmem:s23+$0xFFFFEFF0];
	v9 =	vadd.s32 v6, v7  }
0x183: {  	v10 =	vadd.s32 v10, v5;
	v5 =	vld [tilespmem:s23+$0xFFFFF000]  }
0x184: {  	v6 =	vld [tilespmem:s23+$0xFFFFFFE0];
	v8 =	vadd.s32 v12, v8  }
0x185: {  	v7 =	vld [tilespmem:s23+$0xFFFFFFF0];
	v9 =	vadd.s32 v13, v9  }
0x186: {  	v11 =	vld [tilespmem:s21+$0x0];
	_ =	sdelay $0x1  }
0x187: {  	v4 =	vadd.s32 v4, v10  }
0x188: {  	v3 =	vadd.s32 v3, v8;
	v4 =	vadd.s32 v6, v4  }
0x189: {  	s20 =	sadd.s32 $0x1, s20;
	v5 =	vadd.s32 v5, v9;
	[tilespmem:s21+$0xFFFF0FE0] =	vst v4;
	v3 =	vadd.s32 v7, v3  }
0x18a: {  	p0 =	sne.s32 s20, s10;
	[tilespmem:s21+$0xFFFF0FF0] =	vst v3;
	v3 =	vadd.s32 v11, v5  }
.Ltmp7:
0x18b: {  	[tilespmem:s21+$0xFFFF1000] =	vst v3;
	(pc) =	sbr.rel @p0 .LBB2_1-.Ltmp7, $4  }
0x18c: {  	[hbm4b:s9+s19] =	stream.strided.scatter [tilespmem:s17], [sflag:$0x3], $0x1000, s14, s19, $0x38;
	[tilespmem:$0x14080] =	vst v63  }
0x18d: {  	_ =	swait.ge [sflag:s12], $0x1000  }
0x18e: {  	[sflag:s12] =	ssyncset.done $0x0  }
0x18f: {  	[sflag:s12] =	ssyncadd.s32 $0xFFFFF000  }
0x190: {  	_ =	sfence.sel $0x180000  }
0x191: {  	[bflag:$0x0] =	sbarrier.arrive $0xFFFF  }
0x192: {  	p0 =	sne.s32 s0, $0x0;
	_ =	strace $0x9000004D  }
0x193: {  	s0 =	sadd.s32 @!p0 $0x100000, s1;
	[bflag:$0x2] =	sbarrier.arrive $0xFFFF  }
0x194: {  	[sflag:s0] =	ssyncadd.tile.s32 @!p0 $0x1;
	_ =	shalt  }
.Lfunc_end2:
_tile_overlayer_lowered:
.L_overlay_start_2:
0x195: {  	(tag) =	ssettag $0x2  }
0x196: {  	s0 =	rddreg [dreg:$0x0];
	s2 =	stileid.u32  }
0x197: {  	s1 =	rddreg [dreg:$0x1];
	p0 =	sne.s32 s2, $0x0  }
0x198: {  	s3 =	rddreg [dreg:$0x2];
	[bflag:$0x3] =	sbarrier.arrive $0xFFFF;
	s2 =	simm.s32 @!p0 $0x1C03  }
0x199: {  	[timem:s3], [sflag:s2] =	dma.local @!p0 [hbm:s0], s1  }
0x19a: {  	s0 =	simm.s32 @!p0 $0x3  }
0x19b: {  	_ =	swait.ge @!p0 [sflag:s0], s1  }
0x19c: {  	s1 =	ssub.s32 @!p0 $0x0, s1;
	[sflag:s0] =	ssyncset.done @!p0 $0x0  }
0x19d: {  	[sflag:s0] =	ssyncadd.s32 @!p0 s1  }
0x19e: {  	[bflag:$0x3] =	sbarrier.arrive $0xFFFF  }
0x19f: {  	_ =	shalt  }

</sc_bundles>
